<compile_context>
chip_gen: v7x
topology: tpu7x:2x2x1
jax: 0.10.2.dev20260603
libtpu: 0.0.44.dev20260713+nightly
codegen_flags: <defaults>
</compile_context>

<pallas_src>
import dataclasses

import jax
import jax.numpy as jnp
from jax import lax
from jax.experimental import pallas as pl
from jax.experimental.pallas import tpu as pltpu
from jax.experimental.pallas import tpu_sc as plsc

N = 10000
E = 160000
D = 256
L = 3
ALPHA = 1.0
BETA = 1.0
SCALING = 1.0

H = D // 2
NSUB = 16
CH = 112
NCHUNK = 90
EPTP = NCHUNK * CH
SBC = 15
NSB = NCHUNK // SBC
WCH = 200
NWC = N // WCH
ZCH = 80
NZC = N // ZCH

assert ALPHA == BETA
_a, _b = ALPHA, BETA
K1 = (_a + _b + 2.0) / 2.0
_c0_2 = 2 * 2 * (2 + _a + _b) * (2 * 2 + _a + _b - 2)
_c2_2 = (2 * 2 + _a + _b - 1) * (2 * 2 + _a + _b) * (2 * 2 + _a + _b - 2)
_c3_2 = 2 * (2 + _a - 1) * (2 + _b - 1) * (2 * 2 + _a + _b)
P2 = _c2_2 * K1 / _c0_2
Q2 = -_c3_2 / _c0_2
_c0_3 = 2 * 3 * (3 + _a + _b) * (2 * 3 + _a + _b - 2)
_c2_3 = (2 * 3 + _a + _b - 1) * (2 * 3 + _a + _b) * (2 * 3 + _a + _b - 2)
_c3_3 = 2 * (3 + _a - 1) * (3 + _b - 1) * (2 * 3 + _a + _b)
P3 = _c2_3 * P2 / _c0_3
R3 = _c2_3 * Q2 / _c0_3
Q3 = -_c3_3 * K1 / _c0_3


def _one_pass(tbl_hbm, out_hbm, src_hbm, dst_hbm, w_hbm, zero_hbm,
              idx_v, dst_v, w_v, gbufs, acc, gsem, ssem, c, s):
    for k in range(-(-NZC // NSUB)):
        zchunk = k * NSUB + s

        @pl.when(zchunk < NZC)
        def _():
            pltpu.sync_copy(zero_hbm, acc.at[pl.ds(zchunk * ZCH, ZCH)])
    plsc.subcore_barrier()

    @pl.loop(0, NSB)
    def _sb(sb):
        pltpu.sync_copy(src_hbm.at[c, s, sb], idx_v)
        pltpu.sync_copy(dst_hbm.at[s, sb], dst_v)
        pltpu.sync_copy(w_hbm.at[s, sb], w_v)

        pltpu.async_copy(tbl_hbm.at[idx_v.at[0]], gbufs[0], gsem.at[0])

        @pl.loop(0, SBC, step=3)
        def _trip(ci):
            for b in range(3):
                gbuf = gbufs[b]
                cur = ci + b
                nb = (b + 1) % 3

                @pl.when(cur >= 2)
                def _():
                    pltpu.make_async_copy(gbufs[nb],
                                          acc.at[dst_v.at[cur - 2]],
                                          ssem.at[nb]).wait()

                @pl.when(cur + 1 < SBC)
                def _():
                    pltpu.async_copy(tbl_hbm.at[idx_v.at[cur + 1]],
                                     gbufs[nb], gsem.at[nb])

                pltpu.make_async_copy(tbl_hbm.at[idx_v.at[cur]],
                                      gbuf, gsem.at[b]).wait()

                ci16 = jnp.full((16,), cur, jnp.int32)

                @pl.loop(0, CH)
                def _row(k):
                    wv = plsc.load_gather(
                        w_v, [ci16, jnp.full((16,), k, jnp.int32)])
                    for j in range(H // 16):
                        sl = pl.ds(16 * j, 16)
                        gbuf[k, sl] = gbuf[k, sl] * wv

                pltpu.async_copy(gbuf, acc.at[dst_v.at[cur]],
                                 ssem.at[b], add=True)

        for last in (SBC - 2, SBC - 1):
            pltpu.make_async_copy(gbufs[last % 3], acc.at[dst_v.at[last]],
                                  ssem.at[last % 3]).wait()

    plsc.subcore_barrier()

    for k in range(-(-NWC // NSUB)):
        chunk = k * NSUB + s

        @pl.when(chunk < NWC)
        def _():
            pltpu.sync_copy(acc.at[pl.ds(chunk * WCH, WCH)],
                            out_hbm.at[pl.ds(c * N + chunk * WCH, WCH)])
    plsc.subcore_barrier()


def _spmm_body(src_hbm, dst_hbm, w_hbm, tbl_hbm, zero_hbm, s1_hbm, s2_hbm,
               idx_v, dst_v, w_v, g0_v, g1_v, g2_v, acc, gsem, ssem):
    gbufs = (g0_v, g1_v, g2_v)
    c = lax.axis_index("c")
    s = lax.axis_index("s")
    common = (src_hbm, dst_hbm, w_hbm, zero_hbm,
              idx_v, dst_v, w_v, gbufs, acc, gsem, ssem, c, s)
    _one_pass(tbl_hbm, s1_hbm, *common)
    _one_pass(s1_hbm, s2_hbm, *common)


_SC_PARAMS = pltpu.CompilerParams()
if "needs_layout_passes" in pltpu.CompilerParams.__dataclass_fields__:
    _SC_PARAMS = dataclasses.replace(_SC_PARAMS, needs_layout_passes=False)


def _spmm2(tbl2, srcadj, dst3, w3, zeros):
    kfn = pl.kernel(
        _spmm_body,
        out_type=[jax.ShapeDtypeStruct((2 * N, H), jnp.float32),
                  jax.ShapeDtypeStruct((2 * N, H), jnp.float32)],
        mesh=plsc.VectorSubcoreMesh(core_axis_name="c", subcore_axis_name="s"),
        scratch_types=[
            pltpu.VMEM((SBC, CH), jnp.int32),
            pltpu.VMEM((SBC, CH), jnp.int32),
            pltpu.VMEM((SBC, CH), jnp.float32),
            pltpu.VMEM((CH, H), jnp.float32),
            pltpu.VMEM((CH, H), jnp.float32),
            pltpu.VMEM((CH, H), jnp.float32),
            pltpu.VMEM_SHARED((N, H), jnp.float32),
            pltpu.SemaphoreType.DMA((3,)),
            pltpu.SemaphoreType.DMA((3,)),
        ],
        compiler_params=_SC_PARAMS,
    )
    return kfn(srcadj, dst3, w3, tbl2, zeros)


def _combine_body(g_ref, xlo, xhi, s1lo, s1hi, s2lo, s2hi, o_ref):
    t = jnp.tanh(g_ref[...]) * SCALING
    c0 = t[0:1, :]
    c1 = c0 * t[1:2, :]
    c2 = c1 * t[2:3, :]
    c3 = c2 * t[3:4, :]
    A = c0 + K1 * c1 + Q2 * c2 + Q3 * c3
    B = P2 * c2 + R3 * c3
    C = P3 * c3
    o_ref[:, :H] = A[:, :H] * xlo[...] + B[:, :H] * s1lo[...] + C[:, :H] * s2lo[...]
    o_ref[:, H:] = A[:, H:] * xhi[...] + B[:, H:] * s1hi[...] + C[:, H:] * s2hi[...]


def _combine(gammas, xh2, s1, s2):
    R = 1000
    nblk = N // R

    def lo(i):
        return (i, 0)

    def hi(i):
        return (i + nblk, 0)

    half = lambda imap: pl.BlockSpec((R, H), imap)
    return pl.pallas_call(
        _combine_body,
        grid=(nblk,),
        in_specs=[
            pl.BlockSpec((L + 1, D), lambda i: (0, 0)),
            half(lo), half(hi), half(lo), half(hi), half(lo), half(hi),
        ],
        out_specs=pl.BlockSpec((R, D), lambda i: (i, 0)),
        out_shape=jax.ShapeDtypeStruct((N, D), jnp.float32),
    )(gammas, xh2, xh2, s1, s1, s2, s2)


def kernel(x, edge_index, edge_weight, gammas):
    src = edge_index[0].astype(jnp.int32)
    dst = edge_index[1].astype(jnp.int32)
    xh2 = jnp.concatenate([x[:, :H], x[:, H:]], axis=0)
    npad = NSUB * EPTP - E
    fill = (jnp.arange(npad, dtype=jnp.int32) * 37) % N
    src_p = jnp.concatenate([src, fill])
    dst_p = jnp.concatenate([dst, fill])
    w_p = jnp.concatenate([edge_weight, jnp.zeros((npad,), jnp.float32)])
    src4 = src_p.reshape(NSUB, NSB, SBC, CH)
    srcadj = jnp.stack([src4, src4 + N], axis=0)
    dst4 = dst_p.reshape(NSUB, NSB, SBC, CH)
    w4 = w_p.reshape(NSUB, NSB, SBC, CH)
    zeros = jnp.zeros((ZCH, H), jnp.float32)
    s1, s2 = _spmm2(xh2, srcadj, dst4, w4, zeros)
    return _combine(gammas, xh2, s1, s2)

# --- scband reference (transcript-rebuilt; emitter-appended) ---
"""Pipeline reference for scband-poly-pcdconv-76046690943737 (READ-ONLY COPY).

The authoritative reference and input builder live on the scoring server;
editing this copy changes nothing except your own understanding.
"""

import jax, jax.numpy as jnp
import numpy as np

N = 10000
E = 160000
D = 256
L = 3
ALPHA = 1.0
BETA = 1.0
SCALING = 1.0


def setup_inputs(seed: int = 0) -> dict:
    key = jax.random.key(seed)
    k1, k2, k3 = jax.random.split(key, 3)
    x = jax.random.normal(k1, (N, D), dtype=jnp.float32)
    edge_index = jax.random.randint(k2, (2, E), 0, N)
    edge_weight = jax.random.uniform(k3, (E,), dtype=jnp.float32)
    # learned parameter: gammas initialized to min(1/scaling_factor, 1.0)
    gammas = jnp.full((L + 1, D), min(1.0 / SCALING, 1.0), dtype=jnp.float32)
    return {"x": x, "edge_index": edge_index, "edge_weight": edge_weight, "gammas": gammas}


def _spmm(edge_index, edge_weight, z):
    # matmul(A, z, reduce='sum') with A given as weighted edge list (src -> dst)
    src = edge_index[0]
    dst = edge_index[1]
    return jax.ops.segment_sum(edge_weight[:, None] * z[src], dst, num_segments=N)


def _jacobi_conv(zs, edge_index, edge_weight, l, alpha=ALPHA, beta=BETA):
    if l == 0:
        return zs[0]
    assert len(zs) == l, 'len(zs) != l for l != 0'
    if l == 1:
        c = (alpha - beta) / 2.0
        return c + (alpha + beta + 2.0) / 2.0 * zs[-1]
    c0 = 2 * l * (l + alpha + beta) * (2 * l + alpha + beta - 2)
    c1 = (2 * l + alpha + beta - 1) * (alpha ** 2 - beta ** 2)
    c2 = (2 * l + alpha + beta - 1) * (2 * l + alpha + beta) * (2 * l + alpha + beta - 2)
    c3 = 2 * (l + alpha - 1) * (l + beta - 1) * (2 * l + alpha + beta)
    part1 = c1 * zs[-1]
    part2 = c2 * _spmm(edge_index, edge_weight, zs[-1])
    part3 = c3 * zs[-2]
    return (part1 + part2 - part3) / c0


def reference(x, edge_index, edge_weight, gammas):
    zs = [_jacobi_conv([x], edge_index, edge_weight, 0)]
    for l in range(1, L + 1):
        z = _jacobi_conv(zs, edge_index, edge_weight, l)
        zs.append(z)
    coefs = jnp.cumprod(jnp.tanh(gammas) * SCALING, axis=0)  # [L+1, D]
    zst = jnp.stack(zs, axis=1)  # [N, L+1, D]
    return (zst * coefs).sum(axis=1)

if __name__ == "__main__":
    import jax
    _d = setup_inputs()
    print(jax.jit(kernel)(*tuple(_d.values())))

</pallas_src>

<mosaic_0001>
#map = affine_map<(d0, d1) -> (0, 0, 0, 0, 0)>
#map1 = affine_map<(d0, d1) -> (0, 0, 0, 0)>
#map2 = affine_map<(d0, d1) -> (0, 0)>
module attributes {stable_mosaic.version = 14 : i64} {
  func.func @_spmm_body(%arg0: i32, %arg1: i32, %arg2: memref<2x16x6x15x112xi32, #tpu.memory_space<hbm>>, %arg3: memref<16x6x15x112xi32, #tpu.memory_space<hbm>>, %arg4: memref<16x6x15x112xf32, #tpu.memory_space<hbm>>, %arg5: memref<20000x128xf32, #tpu.memory_space<hbm>>, %arg6: memref<80x128xf32, #tpu.memory_space<hbm>>, %arg7: memref<20000x128xf32, #tpu.memory_space<hbm>>, %arg8: memref<20000x128xf32, #tpu.memory_space<hbm>>, %arg9: memref<15x112xi32, #tpu.memory_space<vmem>>, %arg10: memref<15x112xi32, #tpu.memory_space<vmem>>, %arg11: memref<15x112xf32, #tpu.memory_space<vmem>>, %arg12: memref<112x128xf32, #tpu.memory_space<vmem>>, %arg13: memref<112x128xf32, #tpu.memory_space<vmem>>, %arg14: memref<112x128xf32, #tpu.memory_space<vmem>>, %arg15: memref<10000x128xf32, #tpu.memory_space<vmem_shared>>, %arg16: memref<3x!tpu.dma_semaphore, #tpu.memory_space<semaphore_mem>>, %arg17: memref<3x!tpu.dma_semaphore, #tpu.memory_space<semaphore_mem>>) attributes {dimension_semantics = [#tpu.dimension_semantics<core_parallel>, #tpu.dimension_semantics<subcore_parallel>], iteration_bounds = array<i64: 2, 16>, scalar_prefetch = 0 : i64, scratch_operands = 9 : i64, tpu.core_type = #tpu.core_type<sc_vector_subcore>, window_params = [{transform_indices = #map}, {transform_indices = #map1}, {transform_indices = #map1}, {transform_indices = #map2}, {transform_indices = #map2}, {transform_indices = #map2}, {transform_indices = #map2}]} {
    %add3A = arith.constant 0 : i32
    %add3A_0 = arith.addi %add3A, %arg1 : i32
    %lt3A = arith.constant 125 : i32
    %lt3A_1 = arith.cmpi slt, %add3A_0, %lt3A : i32
    %convert_element_type3A = arith.extui %lt3A_1 : i1 to i32
    %cond3A = arith.constant 0 : i32
    %cond3A_2 = arith.cmpi ne, %convert_element_type3A, %cond3A : i32
    scf.if %cond3A_2 {
      %mul3A = arith.constant 80 : i32
      %mul3A_178 = arith.muli %add3A_0, %mul3A : i32
      "tpu.region"() ({
        %run_scoped3A = tpu.sem_alloc : memref<!tpu.dma_semaphore, #tpu.memory_space<semaphore_mem>>
        %dma_start3A = arith.constant 0 : i32
        %dma_start3A_179 = tpu.memref_slice %arg15[%mul3A_178, %dma_start3A] : memref<10000x128xf32, #tpu.memory_space<vmem_shared>> -> memref<80x128xf32, #tpu.memory_space<vmem_shared>>
        tpu.enqueue_dma source(%arg6 : memref<80x128xf32, #tpu.memory_space<hbm>>) target(%dma_start3A_179 : memref<80x128xf32, #tpu.memory_space<vmem_shared>>) target_semaphore(%run_scoped3A : memref<!tpu.dma_semaphore, #tpu.memory_space<semaphore_mem>>)
        %dma_wait3A = arith.constant 0 : i32
        %dma_wait3A_180 = tpu.memref_slice %arg15[%mul3A_178, %dma_wait3A] : memref<10000x128xf32, #tpu.memory_space<vmem_shared>> -> memref<80x128xf32, #tpu.memory_space<vmem_shared>>
        tpu.wait_dma2 semaphore(%run_scoped3A : memref<!tpu.dma_semaphore, #tpu.memory_space<semaphore_mem>>) src(%arg6 : memref<80x128xf32, #tpu.memory_space<hbm>>) dst(%dma_wait3A_180 : memref<80x128xf32, #tpu.memory_space<vmem_shared>>)
        tpu.yield
      }) : () -> ()
    } else {
    }
    %add3A_3 = arith.constant 16 : i32
    %add3A_4 = arith.addi %add3A_3, %arg1 : i32
    %lt3A_5 = arith.constant 125 : i32
    %lt3A_6 = arith.cmpi slt, %add3A_4, %lt3A_5 : i32
    %convert_element_type3A_7 = arith.extui %lt3A_6 : i1 to i32
    %cond3A_8 = arith.constant 0 : i32
    %cond3A_9 = arith.cmpi ne, %convert_element_type3A_7, %cond3A_8 : i32
    scf.if %cond3A_9 {
      %mul3A = arith.constant 80 : i32
      %mul3A_178 = arith.muli %add3A_4, %mul3A : i32
      "tpu.region"() ({
        %run_scoped3A = tpu.sem_alloc : memref<!tpu.dma_semaphore, #tpu.memory_space<semaphore_mem>>
        %dma_start3A = arith.constant 0 : i32
        %dma_start3A_179 = tpu.memref_slice %arg15[%mul3A_178, %dma_start3A] : memref<10000x128xf32, #tpu.memory_space<vmem_shared>> -> memref<80x128xf32, #tpu.memory_space<vmem_shared>>
        tpu.enqueue_dma source(%arg6 : memref<80x128xf32, #tpu.memory_space<hbm>>) target(%dma_start3A_179 : memref<80x128xf32, #tpu.memory_space<vmem_shared>>) target_semaphore(%run_scoped3A : memref<!tpu.dma_semaphore, #tpu.memory_space<semaphore_mem>>)
        %dma_wait3A = arith.constant 0 : i32
        %dma_wait3A_180 = tpu.memref_slice %arg15[%mul3A_178, %dma_wait3A] : memref<10000x128xf32, #tpu.memory_space<vmem_shared>> -> memref<80x128xf32, #tpu.memory_space<vmem_shared>>
        tpu.wait_dma2 semaphore(%run_scoped3A : memref<!tpu.dma_semaphore, #tpu.memory_space<semaphore_mem>>) src(%arg6 : memref<80x128xf32, #tpu.memory_space<hbm>>) dst(%dma_wait3A_180 : memref<80x128xf32, #tpu.memory_space<vmem_shared>>)
        tpu.yield
      }) : () -> ()
    } else {
    }
    %add3A_10 = arith.constant 32 : i32
    %add3A_11 = arith.addi %add3A_10, %arg1 : i32
    %lt3A_12 = arith.constant 125 : i32
    %lt3A_13 = arith.cmpi slt, %add3A_11, %lt3A_12 : i32
    %convert_element_type3A_14 = arith.extui %lt3A_13 : i1 to i32
    %cond3A_15 = arith.constant 0 : i32
    %cond3A_16 = arith.cmpi ne, %convert_element_type3A_14, %cond3A_15 : i32
    scf.if %cond3A_16 {
      %mul3A = arith.constant 80 : i32
      %mul3A_178 = arith.muli %add3A_11, %mul3A : i32
      "tpu.region"() ({
        %run_scoped3A = tpu.sem_alloc : memref<!tpu.dma_semaphore, #tpu.memory_space<semaphore_mem>>
        %dma_start3A = arith.constant 0 : i32
        %dma_start3A_179 = tpu.memref_slice %arg15[%mul3A_178, %dma_start3A] : memref<10000x128xf32, #tpu.memory_space<vmem_shared>> -> memref<80x128xf32, #tpu.memory_space<vmem_shared>>
        tpu.enqueue_dma source(%arg6 : memref<80x128xf32, #tpu.memory_space<hbm>>) target(%dma_start3A_179 : memref<80x128xf32, #tpu.memory_space<vmem_shared>>) target_semaphore(%run_scoped3A : memref<!tpu.dma_semaphore, #tpu.memory_space<semaphore_mem>>)
        %dma_wait3A = arith.constant 0 : i32
        %dma_wait3A_180 = tpu.memref_slice %arg15[%mul3A_178, %dma_wait3A] : memref<10000x128xf32, #tpu.memory_space<vmem_shared>> -> memref<80x128xf32, #tpu.memory_space<vmem_shared>>
        tpu.wait_dma2 semaphore(%run_scoped3A : memref<!tpu.dma_semaphore, #tpu.memory_space<semaphore_mem>>) src(%arg6 : memref<80x128xf32, #tpu.memory_space<hbm>>) dst(%dma_wait3A_180 : memref<80x128xf32, #tpu.memory_space<vmem_shared>>)
        tpu.yield
      }) : () -> ()
    } else {
    }
    %add3A_17 = arith.constant 48 : i32
    %add3A_18 = arith.addi %add3A_17, %arg1 : i32
    %lt3A_19 = arith.constant 125 : i32
    %lt3A_20 = arith.cmpi slt, %add3A_18, %lt3A_19 : i32
    %convert_element_type3A_21 = arith.extui %lt3A_20 : i1 to i32
    %cond3A_22 = arith.constant 0 : i32
    %cond3A_23 = arith.cmpi ne, %convert_element_type3A_21, %cond3A_22 : i32
    scf.if %cond3A_23 {
      %mul3A = arith.constant 80 : i32
      %mul3A_178 = arith.muli %add3A_18, %mul3A : i32
      "tpu.region"() ({
        %run_scoped3A = tpu.sem_alloc : memref<!tpu.dma_semaphore, #tpu.memory_space<semaphore_mem>>
        %dma_start3A = arith.constant 0 : i32
        %dma_start3A_179 = tpu.memref_slice %arg15[%mul3A_178, %dma_start3A] : memref<10000x128xf32, #tpu.memory_space<vmem_shared>> -> memref<80x128xf32, #tpu.memory_space<vmem_shared>>
        tpu.enqueue_dma source(%arg6 : memref<80x128xf32, #tpu.memory_space<hbm>>) target(%dma_start3A_179 : memref<80x128xf32, #tpu.memory_space<vmem_shared>>) target_semaphore(%run_scoped3A : memref<!tpu.dma_semaphore, #tpu.memory_space<semaphore_mem>>)
        %dma_wait3A = arith.constant 0 : i32
        %dma_wait3A_180 = tpu.memref_slice %arg15[%mul3A_178, %dma_wait3A] : memref<10000x128xf32, #tpu.memory_space<vmem_shared>> -> memref<80x128xf32, #tpu.memory_space<vmem_shared>>
        tpu.wait_dma2 semaphore(%run_scoped3A : memref<!tpu.dma_semaphore, #tpu.memory_space<semaphore_mem>>) src(%arg6 : memref<80x128xf32, #tpu.memory_space<hbm>>) dst(%dma_wait3A_180 : memref<80x128xf32, #tpu.memory_space<vmem_shared>>)
        tpu.yield
      }) : () -> ()
    } else {
    }
    %add3A_24 = arith.constant 64 : i32
    %add3A_25 = arith.addi %add3A_24, %arg1 : i32
    %lt3A_26 = arith.constant 125 : i32
    %lt3A_27 = arith.cmpi slt, %add3A_25, %lt3A_26 : i32
    %convert_element_type3A_28 = arith.extui %lt3A_27 : i1 to i32
    %cond3A_29 = arith.constant 0 : i32
    %cond3A_30 = arith.cmpi ne, %convert_element_type3A_28, %cond3A_29 : i32
    scf.if %cond3A_30 {
      %mul3A = arith.constant 80 : i32
      %mul3A_178 = arith.muli %add3A_25, %mul3A : i32
      "tpu.region"() ({
        %run_scoped3A = tpu.sem_alloc : memref<!tpu.dma_semaphore, #tpu.memory_space<semaphore_mem>>
        %dma_start3A = arith.constant 0 : i32
        %dma_start3A_179 = tpu.memref_slice %arg15[%mul3A_178, %dma_start3A] : memref<10000x128xf32, #tpu.memory_space<vmem_shared>> -> memref<80x128xf32, #tpu.memory_space<vmem_shared>>
        tpu.enqueue_dma source(%arg6 : memref<80x128xf32, #tpu.memory_space<hbm>>) target(%dma_start3A_179 : memref<80x128xf32, #tpu.memory_space<vmem_shared>>) target_semaphore(%run_scoped3A : memref<!tpu.dma_semaphore, #tpu.memory_space<semaphore_mem>>)
        %dma_wait3A = arith.constant 0 : i32
        %dma_wait3A_180 = tpu.memref_slice %arg15[%mul3A_178, %dma_wait3A] : memref<10000x128xf32, #tpu.memory_space<vmem_shared>> -> memref<80x128xf32, #tpu.memory_space<vmem_shared>>
        tpu.wait_dma2 semaphore(%run_scoped3A : memref<!tpu.dma_semaphore, #tpu.memory_space<semaphore_mem>>) src(%arg6 : memref<80x128xf32, #tpu.memory_space<hbm>>) dst(%dma_wait3A_180 : memref<80x128xf32, #tpu.memory_space<vmem_shared>>)
        tpu.yield
      }) : () -> ()
    } else {
    }
    %add3A_31 = arith.constant 80 : i32
    %add3A_32 = arith.addi %add3A_31, %arg1 : i32
    %lt3A_33 = arith.constant 125 : i32
    %lt3A_34 = arith.cmpi slt, %add3A_32, %lt3A_33 : i32
    %convert_element_type3A_35 = arith.extui %lt3A_34 : i1 to i32
    %cond3A_36 = arith.constant 0 : i32
    %cond3A_37 = arith.cmpi ne, %convert_element_type3A_35, %cond3A_36 : i32
    scf.if %cond3A_37 {
      %mul3A = arith.constant 80 : i32
      %mul3A_178 = arith.muli %add3A_32, %mul3A : i32
      "tpu.region"() ({
        %run_scoped3A = tpu.sem_alloc : memref<!tpu.dma_semaphore, #tpu.memory_space<semaphore_mem>>
        %dma_start3A = arith.constant 0 : i32
        %dma_start3A_179 = tpu.memref_slice %arg15[%mul3A_178, %dma_start3A] : memref<10000x128xf32, #tpu.memory_space<vmem_shared>> -> memref<80x128xf32, #tpu.memory_space<vmem_shared>>
        tpu.enqueue_dma source(%arg6 : memref<80x128xf32, #tpu.memory_space<hbm>>) target(%dma_start3A_179 : memref<80x128xf32, #tpu.memory_space<vmem_shared>>) target_semaphore(%run_scoped3A : memref<!tpu.dma_semaphore, #tpu.memory_space<semaphore_mem>>)
        %dma_wait3A = arith.constant 0 : i32
        %dma_wait3A_180 = tpu.memref_slice %arg15[%mul3A_178, %dma_wait3A] : memref<10000x128xf32, #tpu.memory_space<vmem_shared>> -> memref<80x128xf32, #tpu.memory_space<vmem_shared>>
        tpu.wait_dma2 semaphore(%run_scoped3A : memref<!tpu.dma_semaphore, #tpu.memory_space<semaphore_mem>>) src(%arg6 : memref<80x128xf32, #tpu.memory_space<hbm>>) dst(%dma_wait3A_180 : memref<80x128xf32, #tpu.memory_space<vmem_shared>>)
        tpu.yield
      }) : () -> ()
    } else {
    }
    %add3A_38 = arith.constant 96 : i32
    %add3A_39 = arith.addi %add3A_38, %arg1 : i32
    %lt3A_40 = arith.constant 125 : i32
    %lt3A_41 = arith.cmpi slt, %add3A_39, %lt3A_40 : i32
    %convert_element_type3A_42 = arith.extui %lt3A_41 : i1 to i32
    %cond3A_43 = arith.constant 0 : i32
    %cond3A_44 = arith.cmpi ne, %convert_element_type3A_42, %cond3A_43 : i32
    scf.if %cond3A_44 {
      %mul3A = arith.constant 80 : i32
      %mul3A_178 = arith.muli %add3A_39, %mul3A : i32
      "tpu.region"() ({
        %run_scoped3A = tpu.sem_alloc : memref<!tpu.dma_semaphore, #tpu.memory_space<semaphore_mem>>
        %dma_start3A = arith.constant 0 : i32
        %dma_start3A_179 = tpu.memref_slice %arg15[%mul3A_178, %dma_start3A] : memref<10000x128xf32, #tpu.memory_space<vmem_shared>> -> memref<80x128xf32, #tpu.memory_space<vmem_shared>>
        tpu.enqueue_dma source(%arg6 : memref<80x128xf32, #tpu.memory_space<hbm>>) target(%dma_start3A_179 : memref<80x128xf32, #tpu.memory_space<vmem_shared>>) target_semaphore(%run_scoped3A : memref<!tpu.dma_semaphore, #tpu.memory_space<semaphore_mem>>)
        %dma_wait3A = arith.constant 0 : i32
        %dma_wait3A_180 = tpu.memref_slice %arg15[%mul3A_178, %dma_wait3A] : memref<10000x128xf32, #tpu.memory_space<vmem_shared>> -> memref<80x128xf32, #tpu.memory_space<vmem_shared>>
        tpu.wait_dma2 semaphore(%run_scoped3A : memref<!tpu.dma_semaphore, #tpu.memory_space<semaphore_mem>>) src(%arg6 : memref<80x128xf32, #tpu.memory_space<hbm>>) dst(%dma_wait3A_180 : memref<80x128xf32, #tpu.memory_space<vmem_shared>>)
        tpu.yield
      }) : () -> ()
    } else {
    }
    %add3A_45 = arith.constant 112 : i32
    %add3A_46 = arith.addi %add3A_45, %arg1 : i32
    %lt3A_47 = arith.constant 125 : i32
    %lt3A_48 = arith.cmpi slt, %add3A_46, %lt3A_47 : i32
    %convert_element_type3A_49 = arith.extui %lt3A_48 : i1 to i32
    %cond3A_50 = arith.constant 0 : i32
    %cond3A_51 = arith.cmpi ne, %convert_element_type3A_49, %cond3A_50 : i32
    scf.if %cond3A_51 {
      %mul3A = arith.constant 80 : i32
      %mul3A_178 = arith.muli %add3A_46, %mul3A : i32
      "tpu.region"() ({
        %run_scoped3A = tpu.sem_alloc : memref<!tpu.dma_semaphore, #tpu.memory_space<semaphore_mem>>
        %dma_start3A = arith.constant 0 : i32
        %dma_start3A_179 = tpu.memref_slice %arg15[%mul3A_178, %dma_start3A] : memref<10000x128xf32, #tpu.memory_space<vmem_shared>> -> memref<80x128xf32, #tpu.memory_space<vmem_shared>>
        tpu.enqueue_dma source(%arg6 : memref<80x128xf32, #tpu.memory_space<hbm>>) target(%dma_start3A_179 : memref<80x128xf32, #tpu.memory_space<vmem_shared>>) target_semaphore(%run_scoped3A : memref<!tpu.dma_semaphore, #tpu.memory_space<semaphore_mem>>)
        %dma_wait3A = arith.constant 0 : i32
        %dma_wait3A_180 = tpu.memref_slice %arg15[%mul3A_178, %dma_wait3A] : memref<10000x128xf32, #tpu.memory_space<vmem_shared>> -> memref<80x128xf32, #tpu.memory_space<vmem_shared>>
        tpu.wait_dma2 semaphore(%run_scoped3A : memref<!tpu.dma_semaphore, #tpu.memory_space<semaphore_mem>>) src(%arg6 : memref<80x128xf32, #tpu.memory_space<hbm>>) dst(%dma_wait3A_180 : memref<80x128xf32, #tpu.memory_space<vmem_shared>>)
        tpu.yield
      }) : () -> ()
    } else {
    }
    %barrier3A = arith.constant 0 : index
    tpu.barrier barrier_id(%barrier3A)
    %scan3A = arith.constant 0 : i32
    %scan3A_52 = arith.constant 6 : i32
    %scan3A_53 = arith.addi %scan3A, %scan3A_52 : i32
    %scan3A_54 = arith.constant 1 : i32
    scf.for %scan3A_178 = %scan3A to %scan3A_53 step %scan3A_54  : i32 {
      %mul3A = arith.constant 1 : i32
      %mul3A_179 = arith.muli %scan3A_178, %mul3A : i32
      %add3A_180 = arith.constant 0 : i32
      %add3A_181 = arith.addi %add3A_180, %mul3A_179 : i32
      "tpu.region"() ({
        %run_scoped3A = tpu.sem_alloc : memref<!tpu.dma_semaphore, #tpu.memory_space<semaphore_mem>>
        %dma_start3A_215 = arith.constant 0 : i32
        %dma_start3A_216 = arith.constant 0 : i32
        %dma_start3A_217 = tpu.memref_slice %arg2[%arg0, %arg1, %add3A_181, %dma_start3A_215, %dma_start3A_216] : memref<2x16x6x15x112xi32, #tpu.memory_space<hbm>> -> memref<1x1x1x15x112xi32, #tpu.memory_space<hbm>>
        %dma_start3A_218 = tpu.memref_squeeze %dma_start3A_217 : memref<1x1x1x15x112xi32, #tpu.memory_space<hbm>> -> memref<15x112xi32, #tpu.memory_space<hbm>>
        %dma_start3A_219 = arith.constant 0 : i32
        %dma_start3A_220 = arith.constant 0 : i32
        %dma_start3A_221 = tpu.memref_slice %arg2[%arg0, %arg1, %add3A_181, %dma_start3A_219, %dma_start3A_220] : memref<2x16x6x15x112xi32, #tpu.memory_space<hbm>> -> memref<1x1x1x15x112xi32, #tpu.memory_space<hbm>>
        %dma_start3A_222 = tpu.memref_squeeze %dma_start3A_221 : memref<1x1x1x15x112xi32, #tpu.memory_space<hbm>> -> memref<15x112xi32, #tpu.memory_space<hbm>>
        tpu.enqueue_dma source(%dma_start3A_222 : memref<15x112xi32, #tpu.memory_space<hbm>>) target(%arg9 : memref<15x112xi32, #tpu.memory_space<vmem>>) target_semaphore(%run_scoped3A : memref<!tpu.dma_semaphore, #tpu.memory_space<semaphore_mem>>)
        %dma_wait3A_223 = arith.constant 0 : i32
        %dma_wait3A_224 = arith.constant 0 : i32
        %dma_wait3A_225 = tpu.memref_slice %arg2[%arg0, %arg1, %add3A_181, %dma_wait3A_223, %dma_wait3A_224] : memref<2x16x6x15x112xi32, #tpu.memory_space<hbm>> -> memref<1x1x1x15x112xi32, #tpu.memory_space<hbm>>
        %dma_wait3A_226 = tpu.memref_squeeze %dma_wait3A_225 : memref<1x1x1x15x112xi32, #tpu.memory_space<hbm>> -> memref<15x112xi32, #tpu.memory_space<hbm>>
        %dma_wait3A_227 = arith.constant 0 : i32
        %dma_wait3A_228 = arith.constant 0 : i32
        %dma_wait3A_229 = tpu.memref_slice %arg2[%arg0, %arg1, %add3A_181, %dma_wait3A_227, %dma_wait3A_228] : memref<2x16x6x15x112xi32, #tpu.memory_space<hbm>> -> memref<1x1x1x15x112xi32, #tpu.memory_space<hbm>>
        %dma_wait3A_230 = tpu.memref_squeeze %dma_wait3A_229 : memref<1x1x1x15x112xi32, #tpu.memory_space<hbm>> -> memref<15x112xi32, #tpu.memory_space<hbm>>
        tpu.wait_dma2 semaphore(%run_scoped3A : memref<!tpu.dma_semaphore, #tpu.memory_space<semaphore_mem>>) src(%dma_wait3A_230 : memref<15x112xi32, #tpu.memory_space<hbm>>) dst(%arg9 : memref<15x112xi32, #tpu.memory_space<vmem>>)
        tpu.yield
      }) : () -> ()
      "tpu.region"() ({
        %run_scoped3A = tpu.sem_alloc : memref<!tpu.dma_semaphore, #tpu.memory_space<semaphore_mem>>
        %dma_start3A_215 = arith.constant 0 : i32
        %dma_start3A_216 = arith.constant 0 : i32
        %dma_start3A_217 = tpu.memref_slice %arg3[%arg1, %add3A_181, %dma_start3A_215, %dma_start3A_216] : memref<16x6x15x112xi32, #tpu.memory_space<hbm>> -> memref<1x1x15x112xi32, #tpu.memory_space<hbm>>
        %dma_start3A_218 = tpu.memref_squeeze %dma_start3A_217 : memref<1x1x15x112xi32, #tpu.memory_space<hbm>> -> memref<15x112xi32, #tpu.memory_space<hbm>>
        %dma_start3A_219 = arith.constant 0 : i32
        %dma_start3A_220 = arith.constant 0 : i32
        %dma_start3A_221 = tpu.memref_slice %arg3[%arg1, %add3A_181, %dma_start3A_219, %dma_start3A_220] : memref<16x6x15x112xi32, #tpu.memory_space<hbm>> -> memref<1x1x15x112xi32, #tpu.memory_space<hbm>>
        %dma_start3A_222 = tpu.memref_squeeze %dma_start3A_221 : memref<1x1x15x112xi32, #tpu.memory_space<hbm>> -> memref<15x112xi32, #tpu.memory_space<hbm>>
        tpu.enqueue_dma source(%dma_start3A_222 : memref<15x112xi32, #tpu.memory_space<hbm>>) target(%arg10 : memref<15x112xi32, #tpu.memory_space<vmem>>) target_semaphore(%run_scoped3A : memref<!tpu.dma_semaphore, #tpu.memory_space<semaphore_mem>>)
        %dma_wait3A_223 = arith.constant 0 : i32
        %dma_wait3A_224 = arith.constant 0 : i32
        %dma_wait3A_225 = tpu.memref_slice %arg3[%arg1, %add3A_181, %dma_wait3A_223, %dma_wait3A_224] : memref<16x6x15x112xi32, #tpu.memory_space<hbm>> -> memref<1x1x15x112xi32, #tpu.memory_space<hbm>>
        %dma_wait3A_226 = tpu.memref_squeeze %dma_wait3A_225 : memref<1x1x15x112xi32, #tpu.memory_space<hbm>> -> memref<15x112xi32, #tpu.memory_space<hbm>>
        %dma_wait3A_227 = arith.constant 0 : i32
        %dma_wait3A_228 = arith.constant 0 : i32
        %dma_wait3A_229 = tpu.memref_slice %arg3[%arg1, %add3A_181, %dma_wait3A_227, %dma_wait3A_228] : memref<16x6x15x112xi32, #tpu.memory_space<hbm>> -> memref<1x1x15x112xi32, #tpu.memory_space<hbm>>
        %dma_wait3A_230 = tpu.memref_squeeze %dma_wait3A_229 : memref<1x1x15x112xi32, #tpu.memory_space<hbm>> -> memref<15x112xi32, #tpu.memory_space<hbm>>
        tpu.wait_dma2 semaphore(%run_scoped3A : memref<!tpu.dma_semaphore, #tpu.memory_space<semaphore_mem>>) src(%dma_wait3A_230 : memref<15x112xi32, #tpu.memory_space<hbm>>) dst(%arg10 : memref<15x112xi32, #tpu.memory_space<vmem>>)
        tpu.yield
      }) : () -> ()
      "tpu.region"() ({
        %run_scoped3A = tpu.sem_alloc : memref<!tpu.dma_semaphore, #tpu.memory_space<semaphore_mem>>
        %dma_start3A_215 = arith.constant 0 : i32
        %dma_start3A_216 = arith.constant 0 : i32
        %dma_start3A_217 = tpu.memref_slice %arg4[%arg1, %add3A_181, %dma_start3A_215, %dma_start3A_216] : memref<16x6x15x112xf32, #tpu.memory_space<hbm>> -> memref<1x1x15x112xf32, #tpu.memory_space<hbm>>
        %dma_start3A_218 = tpu.memref_squeeze %dma_start3A_217 : memref<1x1x15x112xf32, #tpu.memory_space<hbm>> -> memref<15x112xf32, #tpu.memory_space<hbm>>
        %dma_start3A_219 = arith.constant 0 : i32
        %dma_start3A_220 = arith.constant 0 : i32
        %dma_start3A_221 = tpu.memref_slice %arg4[%arg1, %add3A_181, %dma_start3A_219, %dma_start3A_220] : memref<16x6x15x112xf32, #tpu.memory_space<hbm>> -> memref<1x1x15x112xf32, #tpu.memory_space<hbm>>
        %dma_start3A_222 = tpu.memref_squeeze %dma_start3A_221 : memref<1x1x15x112xf32, #tpu.memory_space<hbm>> -> memref<15x112xf32, #tpu.memory_space<hbm>>
        tpu.enqueue_dma source(%dma_start3A_222 : memref<15x112xf32, #tpu.memory_space<hbm>>) target(%arg11 : memref<15x112xf32, #tpu.memory_space<vmem>>) target_semaphore(%run_scoped3A : memref<!tpu.dma_semaphore, #tpu.memory_space<semaphore_mem>>)
        %dma_wait3A_223 = arith.constant 0 : i32
        %dma_wait3A_224 = arith.constant 0 : i32
        %dma_wait3A_225 = tpu.memref_slice %arg4[%arg1, %add3A_181, %dma_wait3A_223, %dma_wait3A_224] : memref<16x6x15x112xf32, #tpu.memory_space<hbm>> -> memref<1x1x15x112xf32, #tpu.memory_space<hbm>>
        %dma_wait3A_226 = tpu.memref_squeeze %dma_wait3A_225 : memref<1x1x15x112xf32, #tpu.memory_space<hbm>> -> memref<15x112xf32, #tpu.memory_space<hbm>>
        %dma_wait3A_227 = arith.constant 0 : i32
        %dma_wait3A_228 = arith.constant 0 : i32
        %dma_wait3A_229 = tpu.memref_slice %arg4[%arg1, %add3A_181, %dma_wait3A_227, %dma_wait3A_228] : memref<16x6x15x112xf32, #tpu.memory_space<hbm>> -> memref<1x1x15x112xf32, #tpu.memory_space<hbm>>
        %dma_wait3A_230 = tpu.memref_squeeze %dma_wait3A_229 : memref<1x1x15x112xf32, #tpu.memory_space<hbm>> -> memref<15x112xf32, #tpu.memory_space<hbm>>
        tpu.wait_dma2 semaphore(%run_scoped3A : memref<!tpu.dma_semaphore, #tpu.memory_space<semaphore_mem>>) src(%dma_wait3A_230 : memref<15x112xf32, #tpu.memory_space<hbm>>) dst(%arg11 : memref<15x112xf32, #tpu.memory_space<vmem>>)
        tpu.yield
      }) : () -> ()
      %dma_start3A = arith.constant 0 : i32
      %dma_start3A_182 = arith.constant 0 : i32
      %dma_start3A_183 = arith.constant 0 : i32
      %dma_start3A_184 = tpu.memref_slice %arg9[%dma_start3A, %dma_start3A_183] : memref<15x112xi32, #tpu.memory_space<vmem>> -> memref<1x112xi32, #tpu.memory_space<vmem>>
      %dma_start3A_185 = tpu.memref_squeeze %dma_start3A_184 : memref<1x112xi32, #tpu.memory_space<vmem>> -> memref<112xi32, #tpu.memory_space<vmem>>
      %dma_start3A_186 = arith.constant 0 : i32
      %dma_start3A_187 = arith.constant 0 : i32
      %dma_start3A_188 = tpu.memref_slice %arg5[%dma_start3A_186, %dma_start3A_187] : memref<20000x128xf32, #tpu.memory_space<hbm>> -> memref<20000x128xf32, #tpu.memory_space<hbm>>
      %dma_start3A_189 = tpu.memref_slice %arg16[%dma_start3A_182] : memref<3x!tpu.dma_semaphore, #tpu.memory_space<semaphore_mem>> -> memref<1x!tpu.dma_semaphore, #tpu.memory_space<semaphore_mem>>
      %dma_start3A_190 = tpu.memref_squeeze %dma_start3A_189 : memref<1x!tpu.dma_semaphore, #tpu.memory_space<semaphore_mem>> -> memref<!tpu.dma_semaphore, #tpu.memory_space<semaphore_mem>>
      tpu.enqueue_indirect_dma source(%dma_start3A_188 : memref<20000x128xf32, #tpu.memory_space<hbm>>) target(%arg12 : memref<112x128xf32, #tpu.memory_space<vmem>>) offsets(%dma_start3A_185 : memref<112xi32, #tpu.memory_space<vmem>>) semaphore(%dma_start3A_190 : memref<!tpu.dma_semaphore, #tpu.memory_space<semaphore_mem>>)
      %scan3A_191 = arith.constant 0 : i32
      %scan3A_192 = arith.constant 5 : i32
      %scan3A_193 = arith.addi %scan3A_191, %scan3A_192 : i32
      %scan3A_194 = arith.constant 1 : i32
      scf.for %scan3A_215 = %scan3A_191 to %scan3A_193 step %scan3A_194  : i32 {
        %mul3A_216 = arith.constant 3 : i32
        %mul3A_217 = arith.muli %scan3A_215, %mul3A_216 : i32
        %add3A_218 = arith.constant 0 : i32
        %add3A_219 = arith.addi %add3A_218, %mul3A_217 : i32
        %add3A_220 = arith.constant 0 : i32
        %add3A_221 = arith.addi %add3A_219, %add3A_220 : i32
        %ge3A = arith.constant 2 : i32
        %ge3A_222 = arith.cmpi sge, %add3A_221, %ge3A : i32
        %convert_element_type3A_223 = arith.extui %ge3A_222 : i1 to i32
        %cond3A_224 = arith.constant 0 : i32
        %cond3A_225 = arith.cmpi ne, %convert_element_type3A_223, %cond3A_224 : i32
        scf.if %cond3A_225 {
          %sub3A = arith.constant 2 : i32
          %sub3A_332 = arith.subi %add3A_221, %sub3A : i32
          %dma_wait3A_333 = arith.constant 1 : i32
          %dma_wait3A_334 = arith.constant 0 : i32
          %dma_wait3A_335 = tpu.memref_slice %arg10[%sub3A_332, %dma_wait3A_334] : memref<15x112xi32, #tpu.memory_space<vmem>> -> memref<1x112xi32, #tpu.memory_space<vmem>>
          %dma_wait3A_336 = tpu.memref_squeeze %dma_wait3A_335 : memref<1x112xi32, #tpu.memory_space<vmem>> -> memref<112xi32, #tpu.memory_space<vmem>>
          %dma_wait3A_337 = arith.constant 0 : i32
          %dma_wait3A_338 = arith.constant 0 : i32
          %dma_wait3A_339 = tpu.memref_slice %arg15[%dma_wait3A_337, %dma_wait3A_338] : memref<10000x128xf32, #tpu.memory_space<vmem_shared>> -> memref<10000x128xf32, #tpu.memory_space<vmem_shared>>
          %dma_wait3A_340 = tpu.memref_slice %arg17[%dma_wait3A_333] : memref<3x!tpu.dma_semaphore, #tpu.memory_space<semaphore_mem>> -> memref<1x!tpu.dma_semaphore, #tpu.memory_space<semaphore_mem>>
          %dma_wait3A_341 = tpu.memref_squeeze %dma_wait3A_340 : memref<1x!tpu.dma_semaphore, #tpu.memory_space<semaphore_mem>> -> memref<!tpu.dma_semaphore, #tpu.memory_space<semaphore_mem>>
          tpu.wait_indirect_dma semaphore(%dma_wait3A_341 : memref<!tpu.dma_semaphore, #tpu.memory_space<semaphore_mem>>) src(%arg13 : memref<112x128xf32, #tpu.memory_space<vmem>>) dst(%dma_wait3A_339 : memref<10000x128xf32, #tpu.memory_space<vmem_shared>>)
        } else {
        }
        %add3A_226 = arith.constant 1 : i32
        %add3A_227 = arith.addi %add3A_221, %add3A_226 : i32
        %lt3A_228 = arith.constant 15 : i32
        %lt3A_229 = arith.cmpi slt, %add3A_227, %lt3A_228 : i32
        %convert_element_type3A_230 = arith.extui %lt3A_229 : i1 to i32
        %cond3A_231 = arith.constant 0 : i32
        %cond3A_232 = arith.cmpi ne, %convert_element_type3A_230, %cond3A_231 : i32
        scf.if %cond3A_232 {
          %add3A_332 = arith.constant 1 : i32
          %add3A_333 = arith.addi %add3A_221, %add3A_332 : i32
          %dma_start3A_334 = arith.constant 1 : i32
          %dma_start3A_335 = arith.constant 0 : i32
          %dma_start3A_336 = tpu.memref_slice %arg9[%add3A_333, %dma_start3A_335] : memref<15x112xi32, #tpu.memory_space<vmem>> -> memref<1x112xi32, #tpu.memory_space<vmem>>
          %dma_start3A_337 = tpu.memref_squeeze %dma_start3A_336 : memref<1x112xi32, #tpu.memory_space<vmem>> -> memref<112xi32, #tpu.memory_space<vmem>>
          %dma_start3A_338 = arith.constant 0 : i32
          %dma_start3A_339 = arith.constant 0 : i32
          %dma_start3A_340 = tpu.memref_slice %arg5[%dma_start3A_338, %dma_start3A_339] : memref<20000x128xf32, #tpu.memory_space<hbm>> -> memref<20000x128xf32, #tpu.memory_space<hbm>>
          %dma_start3A_341 = tpu.memref_slice %arg16[%dma_start3A_334] : memref<3x!tpu.dma_semaphore, #tpu.memory_space<semaphore_mem>> -> memref<1x!tpu.dma_semaphore, #tpu.memory_space<semaphore_mem>>
          %dma_start3A_342 = tpu.memref_squeeze %dma_start3A_341 : memref<1x!tpu.dma_semaphore, #tpu.memory_space<semaphore_mem>> -> memref<!tpu.dma_semaphore, #tpu.memory_space<semaphore_mem>>
          tpu.enqueue_indirect_dma source(%dma_start3A_340 : memref<20000x128xf32, #tpu.memory_space<hbm>>) target(%arg13 : memref<112x128xf32, #tpu.memory_space<vmem>>) offsets(%dma_start3A_337 : memref<112xi32, #tpu.memory_space<vmem>>) semaphore(%dma_start3A_342 : memref<!tpu.dma_semaphore, #tpu.memory_space<semaphore_mem>>)
        } else {
        }
        %dma_wait3A_233 = arith.constant 0 : i32
        %dma_wait3A_234 = arith.constant 0 : i32
        %dma_wait3A_235 = tpu.memref_slice %arg9[%add3A_221, %dma_wait3A_234] : memref<15x112xi32, #tpu.memory_space<vmem>> -> memref<1x112xi32, #tpu.memory_space<vmem>>
        %dma_wait3A_236 = tpu.memref_squeeze %dma_wait3A_235 : memref<1x112xi32, #tpu.memory_space<vmem>> -> memref<112xi32, #tpu.memory_space<vmem>>
        %dma_wait3A_237 = arith.constant 0 : i32
        %dma_wait3A_238 = arith.constant 0 : i32
        %dma_wait3A_239 = tpu.memref_slice %arg5[%dma_wait3A_237, %dma_wait3A_238] : memref<20000x128xf32, #tpu.memory_space<hbm>> -> memref<20000x128xf32, #tpu.memory_space<hbm>>
        %dma_wait3A_240 = tpu.memref_slice %arg16[%dma_wait3A_233] : memref<3x!tpu.dma_semaphore, #tpu.memory_space<semaphore_mem>> -> memref<1x!tpu.dma_semaphore, #tpu.memory_space<semaphore_mem>>
        %dma_wait3A_241 = tpu.memref_squeeze %dma_wait3A_240 : memref<1x!tpu.dma_semaphore, #tpu.memory_space<semaphore_mem>> -> memref<!tpu.dma_semaphore, #tpu.memory_space<semaphore_mem>>
        tpu.wait_indirect_dma semaphore(%dma_wait3A_241 : memref<!tpu.dma_semaphore, #tpu.memory_space<semaphore_mem>>) src(%dma_wait3A_239 : memref<20000x128xf32, #tpu.memory_space<hbm>>) dst(%arg12 : memref<112x128xf32, #tpu.memory_space<vmem>>)
        %broadcast_in_dim3A = vector.broadcast %add3A_221 : i32 to vector<16xi32>
        %scan3A_242 = arith.constant 0 : i32
        %scan3A_243 = arith.constant 112 : i32
        %scan3A_244 = arith.addi %scan3A_242, %scan3A_243 : i32
        %scan3A_245 = arith.constant 1 : i32
        scf.for %scan3A_332 = %scan3A_242 to %scan3A_244 step %scan3A_245  : i32 {
          %mul3A_333 = arith.constant 1 : i32
          %mul3A_334 = arith.muli %scan3A_332, %mul3A_333 : i32
          %add3A_335 = arith.constant 0 : i32
          %add3A_336 = arith.addi %add3A_335, %mul3A_334 : i32
          %broadcast_in_dim3A_337 = vector.broadcast %add3A_336 : i32 to vector<16xi32>
          %gather3A = tpu.vector_load_idx %arg11[%broadcast_in_dim3A, %broadcast_in_dim3A_337] : memref<15x112xf32, #tpu.memory_space<vmem>>[vector<16xi32>, vector<16xi32>], vector<16xf32>,
          %get3A = arith.index_cast %add3A_336 : i32 to index
          %get3A_338 = arith.constant 0 : index
          %get3A_339 = tpu.vector_load %arg12[%get3A, %get3A_338] {strides = array<i32>} : memref<112x128xf32, #tpu.memory_space<vmem>>, vector<16xf32>,
          %mul3A_340 = arith.mulf %get3A_339, %gather3A : vector<16xf32>
          %swap3A = arith.index_cast %add3A_336 : i32 to index
          %swap3A_341 = arith.constant 0 : index
          %swap3A_342 = tpu.vector_load %arg12[%swap3A, %swap3A_341] {strides = array<i32>} : memref<112x128xf32, #tpu.memory_space<vmem>>, vector<16xf32>,
          tpu.vector_store %arg12[%swap3A, %swap3A_341], %mul3A_340 {strides = array<i32>} : memref<112x128xf32, #tpu.memory_space<vmem>>, vector<16xf32>,
          %get3A_343 = arith.index_cast %add3A_336 : i32 to index
          %get3A_344 = arith.constant 16 : index
          %get3A_345 = tpu.vector_load %arg12[%get3A_343, %get3A_344] {strides = array<i32>} : memref<112x128xf32, #tpu.memory_space<vmem>>, vector<16xf32>,
          %mul3A_346 = arith.mulf %get3A_345, %gather3A : vector<16xf32>
          %swap3A_347 = arith.index_cast %add3A_336 : i32 to index
          %swap3A_348 = arith.constant 16 : index
          %swap3A_349 = tpu.vector_load %arg12[%swap3A_347, %swap3A_348] {strides = array<i32>} : memref<112x128xf32, #tpu.memory_space<vmem>>, vector<16xf32>,
          tpu.vector_store %arg12[%swap3A_347, %swap3A_348], %mul3A_346 {strides = array<i32>} : memref<112x128xf32, #tpu.memory_space<vmem>>, vector<16xf32>,
          %get3A_350 = arith.index_cast %add3A_336 : i32 to index
          %get3A_351 = arith.constant 32 : index
          %get3A_352 = tpu.vector_load %arg12[%get3A_350, %get3A_351] {strides = array<i32>} : memref<112x128xf32, #tpu.memory_space<vmem>>, vector<16xf32>,
          %mul3A_353 = arith.mulf %get3A_352, %gather3A : vector<16xf32>
          %swap3A_354 = arith.index_cast %add3A_336 : i32 to index
          %swap3A_355 = arith.constant 32 : index
          %swap3A_356 = tpu.vector_load %arg12[%swap3A_354, %swap3A_355] {strides = array<i32>} : memref<112x128xf32, #tpu.memory_space<vmem>>, vector<16xf32>,
          tpu.vector_store %arg12[%swap3A_354, %swap3A_355], %mul3A_353 {strides = array<i32>} : memref<112x128xf32, #tpu.memory_space<vmem>>, vector<16xf32>,
          %get3A_357 = arith.index_cast %add3A_336 : i32 to index
          %get3A_358 = arith.constant 48 : index
          %get3A_359 = tpu.vector_load %arg12[%get3A_357, %get3A_358] {strides = array<i32>} : memref<112x128xf32, #tpu.memory_space<vmem>>, vector<16xf32>,
          %mul3A_360 = arith.mulf %get3A_359, %gather3A : vector<16xf32>
          %swap3A_361 = arith.index_cast %add3A_336 : i32 to index
          %swap3A_362 = arith.constant 48 : index
          %swap3A_363 = tpu.vector_load %arg12[%swap3A_361, %swap3A_362] {strides = array<i32>} : memref<112x128xf32, #tpu.memory_space<vmem>>, vector<16xf32>,
          tpu.vector_store %arg12[%swap3A_361, %swap3A_362], %mul3A_360 {strides = array<i32>} : memref<112x128xf32, #tpu.memory_space<vmem>>, vector<16xf32>,
          %get3A_364 = arith.index_cast %add3A_336 : i32 to index
          %get3A_365 = arith.constant 64 : index
          %get3A_366 = tpu.vector_load %arg12[%get3A_364, %get3A_365] {strides = array<i32>} : memref<112x128xf32, #tpu.memory_space<vmem>>, vector<16xf32>,
          %mul3A_367 = arith.mulf %get3A_366, %gather3A : vector<16xf32>
          %swap3A_368 = arith.index_cast %add3A_336 : i32 to index
          %swap3A_369 = arith.constant 64 : index
          %swap3A_370 = tpu.vector_load %arg12[%swap3A_368, %swap3A_369] {strides = array<i32>} : memref<112x128xf32, #tpu.memory_space<vmem>>, vector<16xf32>,
          tpu.vector_store %arg12[%swap3A_368, %swap3A_369], %mul3A_367 {strides = array<i32>} : memref<112x128xf32, #tpu.memory_space<vmem>>, vector<16xf32>,
          %get3A_371 = arith.index_cast %add3A_336 : i32 to index
          %get3A_372 = arith.constant 80 : index
          %get3A_373 = tpu.vector_load %arg12[%get3A_371, %get3A_372] {strides = array<i32>} : memref<112x128xf32, #tpu.memory_space<vmem>>, vector<16xf32>,
          %mul3A_374 = arith.mulf %get3A_373, %gather3A : vector<16xf32>
          %swap3A_375 = arith.index_cast %add3A_336 : i32 to index
          %swap3A_376 = arith.constant 80 : index
          %swap3A_377 = tpu.vector_load %arg12[%swap3A_375, %swap3A_376] {strides = array<i32>} : memref<112x128xf32, #tpu.memory_space<vmem>>, vector<16xf32>,
          tpu.vector_store %arg12[%swap3A_375, %swap3A_376], %mul3A_374 {strides = array<i32>} : memref<112x128xf32, #tpu.memory_space<vmem>>, vector<16xf32>,
          %get3A_378 = arith.index_cast %add3A_336 : i32 to index
          %get3A_379 = arith.constant 96 : index
          %get3A_380 = tpu.vector_load %arg12[%get3A_378, %get3A_379] {strides = array<i32>} : memref<112x128xf32, #tpu.memory_space<vmem>>, vector<16xf32>,
          %mul3A_381 = arith.mulf %get3A_380, %gather3A : vector<16xf32>
          %swap3A_382 = arith.index_cast %add3A_336 : i32 to index
          %swap3A_383 = arith.constant 96 : index
          %swap3A_384 = tpu.vector_load %arg12[%swap3A_382, %swap3A_383] {strides = array<i32>} : memref<112x128xf32, #tpu.memory_space<vmem>>, vector<16xf32>,
          tpu.vector_store %arg12[%swap3A_382, %swap3A_383], %mul3A_381 {strides = array<i32>} : memref<112x128xf32, #tpu.memory_space<vmem>>, vector<16xf32>,
          %get3A_385 = arith.index_cast %add3A_336 : i32 to index
          %get3A_386 = arith.constant 112 : index
          %get3A_387 = tpu.vector_load %arg12[%get3A_385, %get3A_386] {strides = array<i32>} : memref<112x128xf32, #tpu.memory_space<vmem>>, vector<16xf32>,
          %mul3A_388 = arith.mulf %get3A_387, %gather3A : vector<16xf32>
          %swap3A_389 = arith.index_cast %add3A_336 : i32 to index
          %swap3A_390 = arith.constant 112 : index
          %swap3A_391 = tpu.vector_load %arg12[%swap3A_389, %swap3A_390] {strides = array<i32>} : memref<112x128xf32, #tpu.memory_space<vmem>>, vector<16xf32>,
          tpu.vector_store %arg12[%swap3A_389, %swap3A_390], %mul3A_388 {strides = array<i32>} : memref<112x128xf32, #tpu.memory_space<vmem>>, vector<16xf32>,
        }
        %scan3A_246 = arith.constant 112 : i32
        %dma_start3A_247 = arith.constant 0 : i32
        %dma_start3A_248 = arith.constant 0 : i32
        %dma_start3A_249 = tpu.memref_slice %arg10[%add3A_221, %dma_start3A_248] : memref<15x112xi32, #tpu.memory_space<vmem>> -> memref<1x112xi32, #tpu.memory_space<vmem>>
        %dma_start3A_250 = tpu.memref_squeeze %dma_start3A_249 : memref<1x112xi32, #tpu.memory_space<vmem>> -> memref<112xi32, #tpu.memory_space<vmem>>
        %dma_start3A_251 = arith.constant 0 : i32
        %dma_start3A_252 = arith.constant 0 : i32
        %dma_start3A_253 = tpu.memref_slice %arg15[%dma_start3A_251, %dma_start3A_252] : memref<10000x128xf32, #tpu.memory_space<vmem_shared>> -> memref<10000x128xf32, #tpu.memory_space<vmem_shared>>
        %dma_start3A_254 = tpu.memref_slice %arg17[%dma_start3A_247] : memref<3x!tpu.dma_semaphore, #tpu.memory_space<semaphore_mem>> -> memref<1x!tpu.dma_semaphore, #tpu.memory_space<semaphore_mem>>
        %dma_start3A_255 = tpu.memref_squeeze %dma_start3A_254 : memref<1x!tpu.dma_semaphore, #tpu.memory_space<semaphore_mem>> -> memref<!tpu.dma_semaphore, #tpu.memory_space<semaphore_mem>>
        tpu.enqueue_indirect_dma source(%arg12 : memref<112x128xf32, #tpu.memory_space<vmem>>) target(%dma_start3A_253 : memref<10000x128xf32, #tpu.memory_space<vmem_shared>>) offsets(%dma_start3A_250 : memref<112xi32, #tpu.memory_space<vmem>>) semaphore(%dma_start3A_255 : memref<!tpu.dma_semaphore, #tpu.memory_space<semaphore_mem>>) {add = true}
        %add3A_256 = arith.constant 1 : i32
        %add3A_257 = arith.addi %add3A_219, %add3A_256 : i32
        %ge3A_258 = arith.constant 2 : i32
        %ge3A_259 = arith.cmpi sge, %add3A_257, %ge3A_258 : i32
        %convert_element_type3A_260 = arith.extui %ge3A_259 : i1 to i32
        %cond3A_261 = arith.constant 0 : i32
        %cond3A_262 = arith.cmpi ne, %convert_element_type3A_260, %cond3A_261 : i32
        scf.if %cond3A_262 {
          %sub3A = arith.constant 2 : i32
          %sub3A_332 = arith.subi %add3A_257, %sub3A : i32
          %dma_wait3A_333 = arith.constant 2 : i32
          %dma_wait3A_334 = arith.constant 0 : i32
          %dma_wait3A_335 = tpu.memref_slice %arg10[%sub3A_332, %dma_wait3A_334] : memref<15x112xi32, #tpu.memory_space<vmem>> -> memref<1x112xi32, #tpu.memory_space<vmem>>
          %dma_wait3A_336 = tpu.memref_squeeze %dma_wait3A_335 : memref<1x112xi32, #tpu.memory_space<vmem>> -> memref<112xi32, #tpu.memory_space<vmem>>
          %dma_wait3A_337 = arith.constant 0 : i32
          %dma_wait3A_338 = arith.constant 0 : i32
          %dma_wait3A_339 = tpu.memref_slice %arg15[%dma_wait3A_337, %dma_wait3A_338] : memref<10000x128xf32, #tpu.memory_space<vmem_shared>> -> memref<10000x128xf32, #tpu.memory_space<vmem_shared>>
          %dma_wait3A_340 = tpu.memref_slice %arg17[%dma_wait3A_333] : memref<3x!tpu.dma_semaphore, #tpu.memory_space<semaphore_mem>> -> memref<1x!tpu.dma_semaphore, #tpu.memory_space<semaphore_mem>>
          %dma_wait3A_341 = tpu.memref_squeeze %dma_wait3A_340 : memref<1x!tpu.dma_semaphore, #tpu.memory_space<semaphore_mem>> -> memref<!tpu.dma_semaphore, #tpu.memory_space<semaphore_mem>>
          tpu.wait_indirect_dma semaphore(%dma_wait3A_341 : memref<!tpu.dma_semaphore, #tpu.memory_space<semaphore_mem>>) src(%arg14 : memref<112x128xf32, #tpu.memory_space<vmem>>) dst(%dma_wait3A_339 : memref<10000x128xf32, #tpu.memory_space<vmem_shared>>)
        } else {
        }
        %add3A_263 = arith.constant 1 : i32
        %add3A_264 = arith.addi %add3A_257, %add3A_263 : i32
        %lt3A_265 = arith.constant 15 : i32
        %lt3A_266 = arith.cmpi slt, %add3A_264, %lt3A_265 : i32
        %convert_element_type3A_267 = arith.extui %lt3A_266 : i1 to i32
        %cond3A_268 = arith.constant 0 : i32
        %cond3A_269 = arith.cmpi ne, %convert_element_type3A_267, %cond3A_268 : i32
        scf.if %cond3A_269 {
          %add3A_332 = arith.constant 1 : i32
          %add3A_333 = arith.addi %add3A_257, %add3A_332 : i32
          %dma_start3A_334 = arith.constant 2 : i32
          %dma_start3A_335 = arith.constant 0 : i32
          %dma_start3A_336 = tpu.memref_slice %arg9[%add3A_333, %dma_start3A_335] : memref<15x112xi32, #tpu.memory_space<vmem>> -> memref<1x112xi32, #tpu.memory_space<vmem>>
          %dma_start3A_337 = tpu.memref_squeeze %dma_start3A_336 : memref<1x112xi32, #tpu.memory_space<vmem>> -> memref<112xi32, #tpu.memory_space<vmem>>
          %dma_start3A_338 = arith.constant 0 : i32
          %dma_start3A_339 = arith.constant 0 : i32
          %dma_start3A_340 = tpu.memref_slice %arg5[%dma_start3A_338, %dma_start3A_339] : memref<20000x128xf32, #tpu.memory_space<hbm>> -> memref<20000x128xf32, #tpu.memory_space<hbm>>
          %dma_start3A_341 = tpu.memref_slice %arg16[%dma_start3A_334] : memref<3x!tpu.dma_semaphore, #tpu.memory_space<semaphore_mem>> -> memref<1x!tpu.dma_semaphore, #tpu.memory_space<semaphore_mem>>
          %dma_start3A_342 = tpu.memref_squeeze %dma_start3A_341 : memref<1x!tpu.dma_semaphore, #tpu.memory_space<semaphore_mem>> -> memref<!tpu.dma_semaphore, #tpu.memory_space<semaphore_mem>>
          tpu.enqueue_indirect_dma source(%dma_start3A_340 : memref<20000x128xf32, #tpu.memory_space<hbm>>) target(%arg14 : memref<112x128xf32, #tpu.memory_space<vmem>>) offsets(%dma_start3A_337 : memref<112xi32, #tpu.memory_space<vmem>>) semaphore(%dma_start3A_342 : memref<!tpu.dma_semaphore, #tpu.memory_space<semaphore_mem>>)
        } else {
        }
        %dma_wait3A_270 = arith.constant 1 : i32
        %dma_wait3A_271 = arith.constant 0 : i32
        %dma_wait3A_272 = tpu.memref_slice %arg9[%add3A_257, %dma_wait3A_271] : memref<15x112xi32, #tpu.memory_space<vmem>> -> memref<1x112xi32, #tpu.memory_space<vmem>>
        %dma_wait3A_273 = tpu.memref_squeeze %dma_wait3A_272 : memref<1x112xi32, #tpu.memory_space<vmem>> -> memref<112xi32, #tpu.memory_space<vmem>>
        %dma_wait3A_274 = arith.constant 0 : i32
        %dma_wait3A_275 = arith.constant 0 : i32
        %dma_wait3A_276 = tpu.memref_slice %arg5[%dma_wait3A_274, %dma_wait3A_275] : memref<20000x128xf32, #tpu.memory_space<hbm>> -> memref<20000x128xf32, #tpu.memory_space<hbm>>
        %dma_wait3A_277 = tpu.memref_slice %arg16[%dma_wait3A_270] : memref<3x!tpu.dma_semaphore, #tpu.memory_space<semaphore_mem>> -> memref<1x!tpu.dma_semaphore, #tpu.memory_space<semaphore_mem>>
        %dma_wait3A_278 = tpu.memref_squeeze %dma_wait3A_277 : memref<1x!tpu.dma_semaphore, #tpu.memory_space<semaphore_mem>> -> memref<!tpu.dma_semaphore, #tpu.memory_space<semaphore_mem>>
        tpu.wait_indirect_dma semaphore(%dma_wait3A_278 : memref<!tpu.dma_semaphore, #tpu.memory_space<semaphore_mem>>) src(%dma_wait3A_276 : memref<20000x128xf32, #tpu.memory_space<hbm>>) dst(%arg13 : memref<112x128xf32, #tpu.memory_space<vmem>>)
        %broadcast_in_dim3A_279 = vector.broadcast %add3A_257 : i32 to vector<16xi32>
        %scan3A_280 = arith.constant 0 : i32
        %scan3A_281 = arith.constant 112 : i32
        %scan3A_282 = arith.addi %scan3A_280, %scan3A_281 : i32
        %scan3A_283 = arith.constant 1 : i32
        scf.for %scan3A_332 = %scan3A_280 to %scan3A_282 step %scan3A_283  : i32 {
          %mul3A_333 = arith.constant 1 : i32
          %mul3A_334 = arith.muli %scan3A_332, %mul3A_333 : i32
          %add3A_335 = arith.constant 0 : i32
          %add3A_336 = arith.addi %add3A_335, %mul3A_334 : i32
          %broadcast_in_dim3A_337 = vector.broadcast %add3A_336 : i32 to vector<16xi32>
          %gather3A = tpu.vector_load_idx %arg11[%broadcast_in_dim3A_279, %broadcast_in_dim3A_337] : memref<15x112xf32, #tpu.memory_space<vmem>>[vector<16xi32>, vector<16xi32>], vector<16xf32>,
          %get3A = arith.index_cast %add3A_336 : i32 to index
          %get3A_338 = arith.constant 0 : index
          %get3A_339 = tpu.vector_load %arg13[%get3A, %get3A_338] {strides = array<i32>} : memref<112x128xf32, #tpu.memory_space<vmem>>, vector<16xf32>,
          %mul3A_340 = arith.mulf %get3A_339, %gather3A : vector<16xf32>
          %swap3A = arith.index_cast %add3A_336 : i32 to index
          %swap3A_341 = arith.constant 0 : index
          %swap3A_342 = tpu.vector_load %arg13[%swap3A, %swap3A_341] {strides = array<i32>} : memref<112x128xf32, #tpu.memory_space<vmem>>, vector<16xf32>,
          tpu.vector_store %arg13[%swap3A, %swap3A_341], %mul3A_340 {strides = array<i32>} : memref<112x128xf32, #tpu.memory_space<vmem>>, vector<16xf32>,
          %get3A_343 = arith.index_cast %add3A_336 : i32 to index
          %get3A_344 = arith.constant 16 : index
          %get3A_345 = tpu.vector_load %arg13[%get3A_343, %get3A_344] {strides = array<i32>} : memref<112x128xf32, #tpu.memory_space<vmem>>, vector<16xf32>,
          %mul3A_346 = arith.mulf %get3A_345, %gather3A : vector<16xf32>
          %swap3A_347 = arith.index_cast %add3A_336 : i32 to index
          %swap3A_348 = arith.constant 16 : index
          %swap3A_349 = tpu.vector_load %arg13[%swap3A_347, %swap3A_348] {strides = array<i32>} : memref<112x128xf32, #tpu.memory_space<vmem>>, vector<16xf32>,
          tpu.vector_store %arg13[%swap3A_347, %swap3A_348], %mul3A_346 {strides = array<i32>} : memref<112x128xf32, #tpu.memory_space<vmem>>, vector<16xf32>,
          %get3A_350 = arith.index_cast %add3A_336 : i32 to index
          %get3A_351 = arith.constant 32 : index
          %get3A_352 = tpu.vector_load %arg13[%get3A_350, %get3A_351] {strides = array<i32>} : memref<112x128xf32, #tpu.memory_space<vmem>>, vector<16xf32>,
          %mul3A_353 = arith.mulf %get3A_352, %gather3A : vector<16xf32>
          %swap3A_354 = arith.index_cast %add3A_336 : i32 to index
          %swap3A_355 = arith.constant 32 : index
          %swap3A_356 = tpu.vector_load %arg13[%swap3A_354, %swap3A_355] {strides = array<i32>} : memref<112x128xf32, #tpu.memory_space<vmem>>, vector<16xf32>,
          tpu.vector_store %arg13[%swap3A_354, %swap3A_355], %mul3A_353 {strides = array<i32>} : memref<112x128xf32, #tpu.memory_space<vmem>>, vector<16xf32>,
          %get3A_357 = arith.index_cast %add3A_336 : i32 to index
          %get3A_358 = arith.constant 48 : index
          %get3A_359 = tpu.vector_load %arg13[%get3A_357, %get3A_358] {strides = array<i32>} : memref<112x128xf32, #tpu.memory_space<vmem>>, vector<16xf32>,
          %mul3A_360 = arith.mulf %get3A_359, %gather3A : vector<16xf32>
          %swap3A_361 = arith.index_cast %add3A_336 : i32 to index
          %swap3A_362 = arith.constant 48 : index
          %swap3A_363 = tpu.vector_load %arg13[%swap3A_361, %swap3A_362] {strides = array<i32>} : memref<112x128xf32, #tpu.memory_space<vmem>>, vector<16xf32>,
          tpu.vector_store %arg13[%swap3A_361, %swap3A_362], %mul3A_360 {strides = array<i32>} : memref<112x128xf32, #tpu.memory_space<vmem>>, vector<16xf32>,
          %get3A_364 = arith.index_cast %add3A_336 : i32 to index
          %get3A_365 = arith.constant 64 : index
          %get3A_366 = tpu.vector_load %arg13[%get3A_364, %get3A_365] {strides = array<i32>} : memref<112x128xf32, #tpu.memory_space<vmem>>, vector<16xf32>,
          %mul3A_367 = arith.mulf %get3A_366, %gather3A : vector<16xf32>
          %swap3A_368 = arith.index_cast %add3A_336 : i32 to index
          %swap3A_369 = arith.constant 64 : index
          %swap3A_370 = tpu.vector_load %arg13[%swap3A_368, %swap3A_369] {strides = array<i32>} : memref<112x128xf32, #tpu.memory_space<vmem>>, vector<16xf32>,
          tpu.vector_store %arg13[%swap3A_368, %swap3A_369], %mul3A_367 {strides = array<i32>} : memref<112x128xf32, #tpu.memory_space<vmem>>, vector<16xf32>,
          %get3A_371 = arith.index_cast %add3A_336 : i32 to index
          %get3A_372 = arith.constant 80 : index
          %get3A_373 = tpu.vector_load %arg13[%get3A_371, %get3A_372] {strides = array<i32>} : memref<112x128xf32, #tpu.memory_space<vmem>>, vector<16xf32>,
          %mul3A_374 = arith.mulf %get3A_373, %gather3A : vector<16xf32>
          %swap3A_375 = arith.index_cast %add3A_336 : i32 to index
          %swap3A_376 = arith.constant 80 : index
          %swap3A_377 = tpu.vector_load %arg13[%swap3A_375, %swap3A_376] {strides = array<i32>} : memref<112x128xf32, #tpu.memory_space<vmem>>, vector<16xf32>,
          tpu.vector_store %arg13[%swap3A_375, %swap3A_376], %mul3A_374 {strides = array<i32>} : memref<112x128xf32, #tpu.memory_space<vmem>>, vector<16xf32>,
          %get3A_378 = arith.index_cast %add3A_336 : i32 to index
          %get3A_379 = arith.constant 96 : index
          %get3A_380 = tpu.vector_load %arg13[%get3A_378, %get3A_379] {strides = array<i32>} : memref<112x128xf32, #tpu.memory_space<vmem>>, vector<16xf32>,
          %mul3A_381 = arith.mulf %get3A_380, %gather3A : vector<16xf32>
          %swap3A_382 = arith.index_cast %add3A_336 : i32 to index
          %swap3A_383 = arith.constant 96 : index
          %swap3A_384 = tpu.vector_load %arg13[%swap3A_382, %swap3A_383] {strides = array<i32>} : memref<112x128xf32, #tpu.memory_space<vmem>>, vector<16xf32>,
          tpu.vector_store %arg13[%swap3A_382, %swap3A_383], %mul3A_381 {strides = array<i32>} : memref<112x128xf32, #tpu.memory_space<vmem>>, vector<16xf32>,
          %get3A_385 = arith.index_cast %add3A_336 : i32 to index
          %get3A_386 = arith.constant 112 : index
          %get3A_387 = tpu.vector_load %arg13[%get3A_385, %get3A_386] {strides = array<i32>} : memref<112x128xf32, #tpu.memory_space<vmem>>, vector<16xf32>,
          %mul3A_388 = arith.mulf %get3A_387, %gather3A : vector<16xf32>
          %swap3A_389 = arith.index_cast %add3A_336 : i32 to index
          %swap3A_390 = arith.constant 112 : index
          %swap3A_391 = tpu.vector_load %arg13[%swap3A_389, %swap3A_390] {strides = array<i32>} : memref<112x128xf32, #tpu.memory_space<vmem>>, vector<16xf32>,
          tpu.vector_store %arg13[%swap3A_389, %swap3A_390], %mul3A_388 {strides = array<i32>} : memref<112x128xf32, #tpu.memory_space<vmem>>, vector<16xf32>,
        }
        %scan3A_284 = arith.constant 112 : i32
        %dma_start3A_285 = arith.constant 1 : i32
        %dma_start3A_286 = arith.constant 0 : i32
        %dma_start3A_287 = tpu.memref_slice %arg10[%add3A_257, %dma_start3A_286] : memref<15x112xi32, #tpu.memory_space<vmem>> -> memref<1x112xi32, #tpu.memory_space<vmem>>
        %dma_start3A_288 = tpu.memref_squeeze %dma_start3A_287 : memref<1x112xi32, #tpu.memory_space<vmem>> -> memref<112xi32, #tpu.memory_space<vmem>>
        %dma_start3A_289 = arith.constant 0 : i32
        %dma_start3A_290 = arith.constant 0 : i32
        %dma_start3A_291 = tpu.memref_slice %arg15[%dma_start3A_289, %dma_start3A_290] : memref<10000x128xf32, #tpu.memory_space<vmem_shared>> -> memref<10000x128xf32, #tpu.memory_space<vmem_shared>>
        %dma_start3A_292 = tpu.memref_slice %arg17[%dma_start3A_285] : memref<3x!tpu.dma_semaphore, #tpu.memory_space<semaphore_mem>> -> memref<1x!tpu.dma_semaphore, #tpu.memory_space<semaphore_mem>>
        %dma_start3A_293 = tpu.memref_squeeze %dma_start3A_292 : memref<1x!tpu.dma_semaphore, #tpu.memory_space<semaphore_mem>> -> memref<!tpu.dma_semaphore, #tpu.memory_space<semaphore_mem>>
        tpu.enqueue_indirect_dma source(%arg13 : memref<112x128xf32, #tpu.memory_space<vmem>>) target(%dma_start3A_291 : memref<10000x128xf32, #tpu.memory_space<vmem_shared>>) offsets(%dma_start3A_288 : memref<112xi32, #tpu.memory_space<vmem>>) semaphore(%dma_start3A_293 : memref<!tpu.dma_semaphore, #tpu.memory_space<semaphore_mem>>) {add = true}
        %add3A_294 = arith.constant 2 : i32
        %add3A_295 = arith.addi %add3A_219, %add3A_294 : i32
        %ge3A_296 = arith.constant 2 : i32
        %ge3A_297 = arith.cmpi sge, %add3A_295, %ge3A_296 : i32
        %convert_element_type3A_298 = arith.extui %ge3A_297 : i1 to i32
        %cond3A_299 = arith.constant 0 : i32
        %cond3A_300 = arith.cmpi ne, %convert_element_type3A_298, %cond3A_299 : i32
        scf.if %cond3A_300 {
          %sub3A = arith.constant 2 : i32
          %sub3A_332 = arith.subi %add3A_295, %sub3A : i32
          %dma_wait3A_333 = arith.constant 0 : i32
          %dma_wait3A_334 = arith.constant 0 : i32
          %dma_wait3A_335 = tpu.memref_slice %arg10[%sub3A_332, %dma_wait3A_334] : memref<15x112xi32, #tpu.memory_space<vmem>> -> memref<1x112xi32, #tpu.memory_space<vmem>>
          %dma_wait3A_336 = tpu.memref_squeeze %dma_wait3A_335 : memref<1x112xi32, #tpu.memory_space<vmem>> -> memref<112xi32, #tpu.memory_space<vmem>>
          %dma_wait3A_337 = arith.constant 0 : i32
          %dma_wait3A_338 = arith.constant 0 : i32
          %dma_wait3A_339 = tpu.memref_slice %arg15[%dma_wait3A_337, %dma_wait3A_338] : memref<10000x128xf32, #tpu.memory_space<vmem_shared>> -> memref<10000x128xf32, #tpu.memory_space<vmem_shared>>
          %dma_wait3A_340 = tpu.memref_slice %arg17[%dma_wait3A_333] : memref<3x!tpu.dma_semaphore, #tpu.memory_space<semaphore_mem>> -> memref<1x!tpu.dma_semaphore, #tpu.memory_space<semaphore_mem>>
          %dma_wait3A_341 = tpu.memref_squeeze %dma_wait3A_340 : memref<1x!tpu.dma_semaphore, #tpu.memory_space<semaphore_mem>> -> memref<!tpu.dma_semaphore, #tpu.memory_space<semaphore_mem>>
          tpu.wait_indirect_dma semaphore(%dma_wait3A_341 : memref<!tpu.dma_semaphore, #tpu.memory_space<semaphore_mem>>) src(%arg12 : memref<112x128xf32, #tpu.memory_space<vmem>>) dst(%dma_wait3A_339 : memref<10000x128xf32, #tpu.memory_space<vmem_shared>>)
        } else {
        }
        %add3A_301 = arith.constant 1 : i32
        %add3A_302 = arith.addi %add3A_295, %add3A_301 : i32
        %lt3A_303 = arith.constant 15 : i32
        %lt3A_304 = arith.cmpi slt, %add3A_302, %lt3A_303 : i32
        %convert_element_type3A_305 = arith.extui %lt3A_304 : i1 to i32
        %cond3A_306 = arith.constant 0 : i32
        %cond3A_307 = arith.cmpi ne, %convert_element_type3A_305, %cond3A_306 : i32
        scf.if %cond3A_307 {
          %add3A_332 = arith.constant 1 : i32
          %add3A_333 = arith.addi %add3A_295, %add3A_332 : i32
          %dma_start3A_334 = arith.constant 0 : i32
          %dma_start3A_335 = arith.constant 0 : i32
          %dma_start3A_336 = tpu.memref_slice %arg9[%add3A_333, %dma_start3A_335] : memref<15x112xi32, #tpu.memory_space<vmem>> -> memref<1x112xi32, #tpu.memory_space<vmem>>
          %dma_start3A_337 = tpu.memref_squeeze %dma_start3A_336 : memref<1x112xi32, #tpu.memory_space<vmem>> -> memref<112xi32, #tpu.memory_space<vmem>>
          %dma_start3A_338 = arith.constant 0 : i32
          %dma_start3A_339 = arith.constant 0 : i32
          %dma_start3A_340 = tpu.memref_slice %arg5[%dma_start3A_338, %dma_start3A_339] : memref<20000x128xf32, #tpu.memory_space<hbm>> -> memref<20000x128xf32, #tpu.memory_space<hbm>>
          %dma_start3A_341 = tpu.memref_slice %arg16[%dma_start3A_334] : memref<3x!tpu.dma_semaphore, #tpu.memory_space<semaphore_mem>> -> memref<1x!tpu.dma_semaphore, #tpu.memory_space<semaphore_mem>>
          %dma_start3A_342 = tpu.memref_squeeze %dma_start3A_341 : memref<1x!tpu.dma_semaphore, #tpu.memory_space<semaphore_mem>> -> memref<!tpu.dma_semaphore, #tpu.memory_space<semaphore_mem>>
          tpu.enqueue_indirect_dma source(%dma_start3A_340 : memref<20000x128xf32, #tpu.memory_space<hbm>>) target(%arg12 : memref<112x128xf32, #tpu.memory_space<vmem>>) offsets(%dma_start3A_337 : memref<112xi32, #tpu.memory_space<vmem>>) semaphore(%dma_start3A_342 : memref<!tpu.dma_semaphore, #tpu.memory_space<semaphore_mem>>)
        } else {
        }
        %dma_wait3A_308 = arith.constant 2 : i32
        %dma_wait3A_309 = arith.constant 0 : i32
        %dma_wait3A_310 = tpu.memref_slice %arg9[%add3A_295, %dma_wait3A_309] : memref<15x112xi32, #tpu.memory_space<vmem>> -> memref<1x112xi32, #tpu.memory_space<vmem>>
        %dma_wait3A_311 = tpu.memref_squeeze %dma_wait3A_310 : memref<1x112xi32, #tpu.memory_space<vmem>> -> memref<112xi32, #tpu.memory_space<vmem>>
        %dma_wait3A_312 = arith.constant 0 : i32
        %dma_wait3A_313 = arith.constant 0 : i32
        %dma_wait3A_314 = tpu.memref_slice %arg5[%dma_wait3A_312, %dma_wait3A_313] : memref<20000x128xf32, #tpu.memory_space<hbm>> -> memref<20000x128xf32, #tpu.memory_space<hbm>>
        %dma_wait3A_315 = tpu.memref_slice %arg16[%dma_wait3A_308] : memref<3x!tpu.dma_semaphore, #tpu.memory_space<semaphore_mem>> -> memref<1x!tpu.dma_semaphore, #tpu.memory_space<semaphore_mem>>
        %dma_wait3A_316 = tpu.memref_squeeze %dma_wait3A_315 : memref<1x!tpu.dma_semaphore, #tpu.memory_space<semaphore_mem>> -> memref<!tpu.dma_semaphore, #tpu.memory_space<semaphore_mem>>
        tpu.wait_indirect_dma semaphore(%dma_wait3A_316 : memref<!tpu.dma_semaphore, #tpu.memory_space<semaphore_mem>>) src(%dma_wait3A_314 : memref<20000x128xf32, #tpu.memory_space<hbm>>) dst(%arg14 : memref<112x128xf32, #tpu.memory_space<vmem>>)
        %broadcast_in_dim3A_317 = vector.broadcast %add3A_295 : i32 to vector<16xi32>
        %scan3A_318 = arith.constant 0 : i32
        %scan3A_319 = arith.constant 112 : i32
        %scan3A_320 = arith.addi %scan3A_318, %scan3A_319 : i32
        %scan3A_321 = arith.constant 1 : i32
        scf.for %scan3A_332 = %scan3A_318 to %scan3A_320 step %scan3A_321  : i32 {
          %mul3A_333 = arith.constant 1 : i32
          %mul3A_334 = arith.muli %scan3A_332, %mul3A_333 : i32
          %add3A_335 = arith.constant 0 : i32
          %add3A_336 = arith.addi %add3A_335, %mul3A_334 : i32
          %broadcast_in_dim3A_337 = vector.broadcast %add3A_336 : i32 to vector<16xi32>
          %gather3A = tpu.vector_load_idx %arg11[%broadcast_in_dim3A_317, %broadcast_in_dim3A_337] : memref<15x112xf32, #tpu.memory_space<vmem>>[vector<16xi32>, vector<16xi32>], vector<16xf32>,
          %get3A = arith.index_cast %add3A_336 : i32 to index
          %get3A_338 = arith.constant 0 : index
          %get3A_339 = tpu.vector_load %arg14[%get3A, %get3A_338] {strides = array<i32>} : memref<112x128xf32, #tpu.memory_space<vmem>>, vector<16xf32>,
          %mul3A_340 = arith.mulf %get3A_339, %gather3A : vector<16xf32>
          %swap3A = arith.index_cast %add3A_336 : i32 to index
          %swap3A_341 = arith.constant 0 : index
          %swap3A_342 = tpu.vector_load %arg14[%swap3A, %swap3A_341] {strides = array<i32>} : memref<112x128xf32, #tpu.memory_space<vmem>>, vector<16xf32>,
          tpu.vector_store %arg14[%swap3A, %swap3A_341], %mul3A_340 {strides = array<i32>} : memref<112x128xf32, #tpu.memory_space<vmem>>, vector<16xf32>,
          %get3A_343 = arith.index_cast %add3A_336 : i32 to index
          %get3A_344 = arith.constant 16 : index
          %get3A_345 = tpu.vector_load %arg14[%get3A_343, %get3A_344] {strides = array<i32>} : memref<112x128xf32, #tpu.memory_space<vmem>>, vector<16xf32>,
          %mul3A_346 = arith.mulf %get3A_345, %gather3A : vector<16xf32>
          %swap3A_347 = arith.index_cast %add3A_336 : i32 to index
          %swap3A_348 = arith.constant 16 : index
          %swap3A_349 = tpu.vector_load %arg14[%swap3A_347, %swap3A_348] {strides = array<i32>} : memref<112x128xf32, #tpu.memory_space<vmem>>, vector<16xf32>,
          tpu.vector_store %arg14[%swap3A_347, %swap3A_348], %mul3A_346 {strides = array<i32>} : memref<112x128xf32, #tpu.memory_space<vmem>>, vector<16xf32>,
          %get3A_350 = arith.index_cast %add3A_336 : i32 to index
          %get3A_351 = arith.constant 32 : index
          %get3A_352 = tpu.vector_load %arg14[%get3A_350, %get3A_351] {strides = array<i32>} : memref<112x128xf32, #tpu.memory_space<vmem>>, vector<16xf32>,
          %mul3A_353 = arith.mulf %get3A_352, %gather3A : vector<16xf32>
          %swap3A_354 = arith.index_cast %add3A_336 : i32 to index
          %swap3A_355 = arith.constant 32 : index
          %swap3A_356 = tpu.vector_load %arg14[%swap3A_354, %swap3A_355] {strides = array<i32>} : memref<112x128xf32, #tpu.memory_space<vmem>>, vector<16xf32>,
          tpu.vector_store %arg14[%swap3A_354, %swap3A_355], %mul3A_353 {strides = array<i32>} : memref<112x128xf32, #tpu.memory_space<vmem>>, vector<16xf32>,
          %get3A_357 = arith.index_cast %add3A_336 : i32 to index
          %get3A_358 = arith.constant 48 : index
          %get3A_359 = tpu.vector_load %arg14[%get3A_357, %get3A_358] {strides = array<i32>} : memref<112x128xf32, #tpu.memory_space<vmem>>, vector<16xf32>,
          %mul3A_360 = arith.mulf %get3A_359, %gather3A : vector<16xf32>
          %swap3A_361 = arith.index_cast %add3A_336 : i32 to index
          %swap3A_362 = arith.constant 48 : index
          %swap3A_363 = tpu.vector_load %arg14[%swap3A_361, %swap3A_362] {strides = array<i32>} : memref<112x128xf32, #tpu.memory_space<vmem>>, vector<16xf32>,
          tpu.vector_store %arg14[%swap3A_361, %swap3A_362], %mul3A_360 {strides = array<i32>} : memref<112x128xf32, #tpu.memory_space<vmem>>, vector<16xf32>,
          %get3A_364 = arith.index_cast %add3A_336 : i32 to index
          %get3A_365 = arith.constant 64 : index
          %get3A_366 = tpu.vector_load %arg14[%get3A_364, %get3A_365] {strides = array<i32>} : memref<112x128xf32, #tpu.memory_space<vmem>>, vector<16xf32>,
          %mul3A_367 = arith.mulf %get3A_366, %gather3A : vector<16xf32>
          %swap3A_368 = arith.index_cast %add3A_336 : i32 to index
          %swap3A_369 = arith.constant 64 : index
          %swap3A_370 = tpu.vector_load %arg14[%swap3A_368, %swap3A_369] {strides = array<i32>} : memref<112x128xf32, #tpu.memory_space<vmem>>, vector<16xf32>,
          tpu.vector_store %arg14[%swap3A_368, %swap3A_369], %mul3A_367 {strides = array<i32>} : memref<112x128xf32, #tpu.memory_space<vmem>>, vector<16xf32>,
          %get3A_371 = arith.index_cast %add3A_336 : i32 to index
          %get3A_372 = arith.constant 80 : index
          %get3A_373 = tpu.vector_load %arg14[%get3A_371, %get3A_372] {strides = array<i32>} : memref<112x128xf32, #tpu.memory_space<vmem>>, vector<16xf32>,
          %mul3A_374 = arith.mulf %get3A_373, %gather3A : vector<16xf32>
          %swap3A_375 = arith.index_cast %add3A_336 : i32 to index
          %swap3A_376 = arith.constant 80 : index
          %swap3A_377 = tpu.vector_load %arg14[%swap3A_375, %swap3A_376] {strides = array<i32>} : memref<112x128xf32, #tpu.memory_space<vmem>>, vector<16xf32>,
          tpu.vector_store %arg14[%swap3A_375, %swap3A_376], %mul3A_374 {strides = array<i32>} : memref<112x128xf32, #tpu.memory_space<vmem>>, vector<16xf32>,
          %get3A_378 = arith.index_cast %add3A_336 : i32 to index
          %get3A_379 = arith.constant 96 : index
          %get3A_380 = tpu.vector_load %arg14[%get3A_378, %get3A_379] {strides = array<i32>} : memref<112x128xf32, #tpu.memory_space<vmem>>, vector<16xf32>,
          %mul3A_381 = arith.mulf %get3A_380, %gather3A : vector<16xf32>
          %swap3A_382 = arith.index_cast %add3A_336 : i32 to index
          %swap3A_383 = arith.constant 96 : index
          %swap3A_384 = tpu.vector_load %arg14[%swap3A_382, %swap3A_383] {strides = array<i32>} : memref<112x128xf32, #tpu.memory_space<vmem>>, vector<16xf32>,
          tpu.vector_store %arg14[%swap3A_382, %swap3A_383], %mul3A_381 {strides = array<i32>} : memref<112x128xf32, #tpu.memory_space<vmem>>, vector<16xf32>,
          %get3A_385 = arith.index_cast %add3A_336 : i32 to index
          %get3A_386 = arith.constant 112 : index
          %get3A_387 = tpu.vector_load %arg14[%get3A_385, %get3A_386] {strides = array<i32>} : memref<112x128xf32, #tpu.memory_space<vmem>>, vector<16xf32>,
          %mul3A_388 = arith.mulf %get3A_387, %gather3A : vector<16xf32>
          %swap3A_389 = arith.index_cast %add3A_336 : i32 to index
          %swap3A_390 = arith.constant 112 : index
          %swap3A_391 = tpu.vector_load %arg14[%swap3A_389, %swap3A_390] {strides = array<i32>} : memref<112x128xf32, #tpu.memory_space<vmem>>, vector<16xf32>,
          tpu.vector_store %arg14[%swap3A_389, %swap3A_390], %mul3A_388 {strides = array<i32>} : memref<112x128xf32, #tpu.memory_space<vmem>>, vector<16xf32>,
        }
        %scan3A_322 = arith.constant 112 : i32
        %dma_start3A_323 = arith.constant 2 : i32
        %dma_start3A_324 = arith.constant 0 : i32
        %dma_start3A_325 = tpu.memref_slice %arg10[%add3A_295, %dma_start3A_324] : memref<15x112xi32, #tpu.memory_space<vmem>> -> memref<1x112xi32, #tpu.memory_space<vmem>>
        %dma_start3A_326 = tpu.memref_squeeze %dma_start3A_325 : memref<1x112xi32, #tpu.memory_space<vmem>> -> memref<112xi32, #tpu.memory_space<vmem>>
        %dma_start3A_327 = arith.constant 0 : i32
        %dma_start3A_328 = arith.constant 0 : i32
        %dma_start3A_329 = tpu.memref_slice %arg15[%dma_start3A_327, %dma_start3A_328] : memref<10000x128xf32, #tpu.memory_space<vmem_shared>> -> memref<10000x128xf32, #tpu.memory_space<vmem_shared>>
        %dma_start3A_330 = tpu.memref_slice %arg17[%dma_start3A_323] : memref<3x!tpu.dma_semaphore, #tpu.memory_space<semaphore_mem>> -> memref<1x!tpu.dma_semaphore, #tpu.memory_space<semaphore_mem>>
        %dma_start3A_331 = tpu.memref_squeeze %dma_start3A_330 : memref<1x!tpu.dma_semaphore, #tpu.memory_space<semaphore_mem>> -> memref<!tpu.dma_semaphore, #tpu.memory_space<semaphore_mem>>
        tpu.enqueue_indirect_dma source(%arg14 : memref<112x128xf32, #tpu.memory_space<vmem>>) target(%dma_start3A_329 : memref<10000x128xf32, #tpu.memory_space<vmem_shared>>) offsets(%dma_start3A_326 : memref<112xi32, #tpu.memory_space<vmem>>) semaphore(%dma_start3A_331 : memref<!tpu.dma_semaphore, #tpu.memory_space<semaphore_mem>>) {add = true}
      }
      %scan3A_195 = arith.constant 5 : i32
      %dma_wait3A = arith.constant 13 : i32
      %dma_wait3A_196 = arith.constant 1 : i32
      %dma_wait3A_197 = arith.constant 0 : i32
      %dma_wait3A_198 = tpu.memref_slice %arg10[%dma_wait3A, %dma_wait3A_197] : memref<15x112xi32, #tpu.memory_space<vmem>> -> memref<1x112xi32, #tpu.memory_space<vmem>>
      %dma_wait3A_199 = tpu.memref_squeeze %dma_wait3A_198 : memref<1x112xi32, #tpu.memory_space<vmem>> -> memref<112xi32, #tpu.memory_space<vmem>>
      %dma_wait3A_200 = arith.constant 0 : i32
      %dma_wait3A_201 = arith.constant 0 : i32
      %dma_wait3A_202 = tpu.memref_slice %arg15[%dma_wait3A_200, %dma_wait3A_201] : memref<10000x128xf32, #tpu.memory_space<vmem_shared>> -> memref<10000x128xf32, #tpu.memory_space<vmem_shared>>
      %dma_wait3A_203 = tpu.memref_slice %arg17[%dma_wait3A_196] : memref<3x!tpu.dma_semaphore, #tpu.memory_space<semaphore_mem>> -> memref<1x!tpu.dma_semaphore, #tpu.memory_space<semaphore_mem>>
      %dma_wait3A_204 = tpu.memref_squeeze %dma_wait3A_203 : memref<1x!tpu.dma_semaphore, #tpu.memory_space<semaphore_mem>> -> memref<!tpu.dma_semaphore, #tpu.memory_space<semaphore_mem>>
      tpu.wait_indirect_dma semaphore(%dma_wait3A_204 : memref<!tpu.dma_semaphore, #tpu.memory_space<semaphore_mem>>) src(%arg13 : memref<112x128xf32, #tpu.memory_space<vmem>>) dst(%dma_wait3A_202 : memref<10000x128xf32, #tpu.memory_space<vmem_shared>>)
      %dma_wait3A_205 = arith.constant 14 : i32
      %dma_wait3A_206 = arith.constant 2 : i32
      %dma_wait3A_207 = arith.constant 0 : i32
      %dma_wait3A_208 = tpu.memref_slice %arg10[%dma_wait3A_205, %dma_wait3A_207] : memref<15x112xi32, #tpu.memory_space<vmem>> -> memref<1x112xi32, #tpu.memory_space<vmem>>
      %dma_wait3A_209 = tpu.memref_squeeze %dma_wait3A_208 : memref<1x112xi32, #tpu.memory_space<vmem>> -> memref<112xi32, #tpu.memory_space<vmem>>
      %dma_wait3A_210 = arith.constant 0 : i32
      %dma_wait3A_211 = arith.constant 0 : i32
      %dma_wait3A_212 = tpu.memref_slice %arg15[%dma_wait3A_210, %dma_wait3A_211] : memref<10000x128xf32, #tpu.memory_space<vmem_shared>> -> memref<10000x128xf32, #tpu.memory_space<vmem_shared>>
      %dma_wait3A_213 = tpu.memref_slice %arg17[%dma_wait3A_206] : memref<3x!tpu.dma_semaphore, #tpu.memory_space<semaphore_mem>> -> memref<1x!tpu.dma_semaphore, #tpu.memory_space<semaphore_mem>>
      %dma_wait3A_214 = tpu.memref_squeeze %dma_wait3A_213 : memref<1x!tpu.dma_semaphore, #tpu.memory_space<semaphore_mem>> -> memref<!tpu.dma_semaphore, #tpu.memory_space<semaphore_mem>>
      tpu.wait_indirect_dma semaphore(%dma_wait3A_214 : memref<!tpu.dma_semaphore, #tpu.memory_space<semaphore_mem>>) src(%arg14 : memref<112x128xf32, #tpu.memory_space<vmem>>) dst(%dma_wait3A_212 : memref<10000x128xf32, #tpu.memory_space<vmem_shared>>)
    }
    %scan3A_55 = arith.constant 6 : i32
    %barrier3A_56 = arith.constant 0 : index
    tpu.barrier barrier_id(%barrier3A_56)
    %add3A_57 = arith.constant 0 : i32
    %add3A_58 = arith.addi %add3A_57, %arg1 : i32
    %lt3A_59 = arith.constant 50 : i32
    %lt3A_60 = arith.cmpi slt, %add3A_58, %lt3A_59 : i32
    %convert_element_type3A_61 = arith.extui %lt3A_60 : i1 to i32
    %cond3A_62 = arith.constant 0 : i32
    %cond3A_63 = arith.cmpi ne, %convert_element_type3A_61, %cond3A_62 : i32
    scf.if %cond3A_63 {
      %mul3A = arith.constant 200 : i32
      %mul3A_178 = arith.muli %add3A_58, %mul3A : i32
      %mul3A_179 = arith.constant 10000 : i32
      %mul3A_180 = arith.muli %arg0, %mul3A_179 : i32
      %mul3A_181 = arith.constant 200 : i32
      %mul3A_182 = arith.muli %add3A_58, %mul3A_181 : i32
      %add3A_183 = arith.addi %mul3A_180, %mul3A_182 : i32
      "tpu.region"() ({
        %run_scoped3A = tpu.sem_alloc : memref<!tpu.dma_semaphore, #tpu.memory_space<semaphore_mem>>
        %dma_start3A = arith.constant 0 : i32
        %dma_start3A_184 = tpu.memref_slice %arg7[%add3A_183, %dma_start3A] : memref<20000x128xf32, #tpu.memory_space<hbm>> -> memref<200x128xf32, #tpu.memory_space<hbm>>
        %dma_start3A_185 = arith.constant 0 : i32
        %dma_start3A_186 = tpu.memref_slice %arg15[%mul3A_178, %dma_start3A_185] : memref<10000x128xf32, #tpu.memory_space<vmem_shared>> -> memref<200x128xf32, #tpu.memory_space<vmem_shared>>
        tpu.enqueue_dma source(%dma_start3A_186 : memref<200x128xf32, #tpu.memory_space<vmem_shared>>) target(%dma_start3A_184 : memref<200x128xf32, #tpu.memory_space<hbm>>) target_semaphore(%run_scoped3A : memref<!tpu.dma_semaphore, #tpu.memory_space<semaphore_mem>>)
        %dma_wait3A = arith.constant 0 : i32
        %dma_wait3A_187 = tpu.memref_slice %arg7[%add3A_183, %dma_wait3A] : memref<20000x128xf32, #tpu.memory_space<hbm>> -> memref<200x128xf32, #tpu.memory_space<hbm>>
        %dma_wait3A_188 = arith.constant 0 : i32
        %dma_wait3A_189 = tpu.memref_slice %arg15[%mul3A_178, %dma_wait3A_188] : memref<10000x128xf32, #tpu.memory_space<vmem_shared>> -> memref<200x128xf32, #tpu.memory_space<vmem_shared>>
        tpu.wait_dma2 semaphore(%run_scoped3A : memref<!tpu.dma_semaphore, #tpu.memory_space<semaphore_mem>>) src(%dma_wait3A_189 : memref<200x128xf32, #tpu.memory_space<vmem_shared>>) dst(%dma_wait3A_187 : memref<200x128xf32, #tpu.memory_space<hbm>>)
        tpu.yield
      }) : () -> ()
    } else {
    }
    %add3A_64 = arith.constant 16 : i32
    %add3A_65 = arith.addi %add3A_64, %arg1 : i32
    %lt3A_66 = arith.constant 50 : i32
    %lt3A_67 = arith.cmpi slt, %add3A_65, %lt3A_66 : i32
    %convert_element_type3A_68 = arith.extui %lt3A_67 : i1 to i32
    %cond3A_69 = arith.constant 0 : i32
    %cond3A_70 = arith.cmpi ne, %convert_element_type3A_68, %cond3A_69 : i32
    scf.if %cond3A_70 {
      %mul3A = arith.constant 200 : i32
      %mul3A_178 = arith.muli %add3A_65, %mul3A : i32
      %mul3A_179 = arith.constant 10000 : i32
      %mul3A_180 = arith.muli %arg0, %mul3A_179 : i32
      %mul3A_181 = arith.constant 200 : i32
      %mul3A_182 = arith.muli %add3A_65, %mul3A_181 : i32
      %add3A_183 = arith.addi %mul3A_180, %mul3A_182 : i32
      "tpu.region"() ({
        %run_scoped3A = tpu.sem_alloc : memref<!tpu.dma_semaphore, #tpu.memory_space<semaphore_mem>>
        %dma_start3A = arith.constant 0 : i32
        %dma_start3A_184 = tpu.memref_slice %arg7[%add3A_183, %dma_start3A] : memref<20000x128xf32, #tpu.memory_space<hbm>> -> memref<200x128xf32, #tpu.memory_space<hbm>>
        %dma_start3A_185 = arith.constant 0 : i32
        %dma_start3A_186 = tpu.memref_slice %arg15[%mul3A_178, %dma_start3A_185] : memref<10000x128xf32, #tpu.memory_space<vmem_shared>> -> memref<200x128xf32, #tpu.memory_space<vmem_shared>>
        tpu.enqueue_dma source(%dma_start3A_186 : memref<200x128xf32, #tpu.memory_space<vmem_shared>>) target(%dma_start3A_184 : memref<200x128xf32, #tpu.memory_space<hbm>>) target_semaphore(%run_scoped3A : memref<!tpu.dma_semaphore, #tpu.memory_space<semaphore_mem>>)
        %dma_wait3A = arith.constant 0 : i32
        %dma_wait3A_187 = tpu.memref_slice %arg7[%add3A_183, %dma_wait3A] : memref<20000x128xf32, #tpu.memory_space<hbm>> -> memref<200x128xf32, #tpu.memory_space<hbm>>
        %dma_wait3A_188 = arith.constant 0 : i32
        %dma_wait3A_189 = tpu.memref_slice %arg15[%mul3A_178, %dma_wait3A_188] : memref<10000x128xf32, #tpu.memory_space<vmem_shared>> -> memref<200x128xf32, #tpu.memory_space<vmem_shared>>
        tpu.wait_dma2 semaphore(%run_scoped3A : memref<!tpu.dma_semaphore, #tpu.memory_space<semaphore_mem>>) src(%dma_wait3A_189 : memref<200x128xf32, #tpu.memory_space<vmem_shared>>) dst(%dma_wait3A_187 : memref<200x128xf32, #tpu.memory_space<hbm>>)
        tpu.yield
      }) : () -> ()
    } else {
    }
    %add3A_71 = arith.constant 32 : i32
    %add3A_72 = arith.addi %add3A_71, %arg1 : i32
    %lt3A_73 = arith.constant 50 : i32
    %lt3A_74 = arith.cmpi slt, %add3A_72, %lt3A_73 : i32
    %convert_element_type3A_75 = arith.extui %lt3A_74 : i1 to i32
    %cond3A_76 = arith.constant 0 : i32
    %cond3A_77 = arith.cmpi ne, %convert_element_type3A_75, %cond3A_76 : i32
    scf.if %cond3A_77 {
      %mul3A = arith.constant 200 : i32
      %mul3A_178 = arith.muli %add3A_72, %mul3A : i32
      %mul3A_179 = arith.constant 10000 : i32
      %mul3A_180 = arith.muli %arg0, %mul3A_179 : i32
      %mul3A_181 = arith.constant 200 : i32
      %mul3A_182 = arith.muli %add3A_72, %mul3A_181 : i32
      %add3A_183 = arith.addi %mul3A_180, %mul3A_182 : i32
      "tpu.region"() ({
        %run_scoped3A = tpu.sem_alloc : memref<!tpu.dma_semaphore, #tpu.memory_space<semaphore_mem>>
        %dma_start3A = arith.constant 0 : i32
        %dma_start3A_184 = tpu.memref_slice %arg7[%add3A_183, %dma_start3A] : memref<20000x128xf32, #tpu.memory_space<hbm>> -> memref<200x128xf32, #tpu.memory_space<hbm>>
        %dma_start3A_185 = arith.constant 0 : i32
        %dma_start3A_186 = tpu.memref_slice %arg15[%mul3A_178, %dma_start3A_185] : memref<10000x128xf32, #tpu.memory_space<vmem_shared>> -> memref<200x128xf32, #tpu.memory_space<vmem_shared>>
        tpu.enqueue_dma source(%dma_start3A_186 : memref<200x128xf32, #tpu.memory_space<vmem_shared>>) target(%dma_start3A_184 : memref<200x128xf32, #tpu.memory_space<hbm>>) target_semaphore(%run_scoped3A : memref<!tpu.dma_semaphore, #tpu.memory_space<semaphore_mem>>)
        %dma_wait3A = arith.constant 0 : i32
        %dma_wait3A_187 = tpu.memref_slice %arg7[%add3A_183, %dma_wait3A] : memref<20000x128xf32, #tpu.memory_space<hbm>> -> memref<200x128xf32, #tpu.memory_space<hbm>>
        %dma_wait3A_188 = arith.constant 0 : i32
        %dma_wait3A_189 = tpu.memref_slice %arg15[%mul3A_178, %dma_wait3A_188] : memref<10000x128xf32, #tpu.memory_space<vmem_shared>> -> memref<200x128xf32, #tpu.memory_space<vmem_shared>>
        tpu.wait_dma2 semaphore(%run_scoped3A : memref<!tpu.dma_semaphore, #tpu.memory_space<semaphore_mem>>) src(%dma_wait3A_189 : memref<200x128xf32, #tpu.memory_space<vmem_shared>>) dst(%dma_wait3A_187 : memref<200x128xf32, #tpu.memory_space<hbm>>)
        tpu.yield
      }) : () -> ()
    } else {
    }
    %add3A_78 = arith.constant 48 : i32
    %add3A_79 = arith.addi %add3A_78, %arg1 : i32
    %lt3A_80 = arith.constant 50 : i32
    %lt3A_81 = arith.cmpi slt, %add3A_79, %lt3A_80 : i32
    %convert_element_type3A_82 = arith.extui %lt3A_81 : i1 to i32
    %cond3A_83 = arith.constant 0 : i32
    %cond3A_84 = arith.cmpi ne, %convert_element_type3A_82, %cond3A_83 : i32
    scf.if %cond3A_84 {
      %mul3A = arith.constant 200 : i32
      %mul3A_178 = arith.muli %add3A_79, %mul3A : i32
      %mul3A_179 = arith.constant 10000 : i32
      %mul3A_180 = arith.muli %arg0, %mul3A_179 : i32
      %mul3A_181 = arith.constant 200 : i32
      %mul3A_182 = arith.muli %add3A_79, %mul3A_181 : i32
      %add3A_183 = arith.addi %mul3A_180, %mul3A_182 : i32
      "tpu.region"() ({
        %run_scoped3A = tpu.sem_alloc : memref<!tpu.dma_semaphore, #tpu.memory_space<semaphore_mem>>
        %dma_start3A = arith.constant 0 : i32
        %dma_start3A_184 = tpu.memref_slice %arg7[%add3A_183, %dma_start3A] : memref<20000x128xf32, #tpu.memory_space<hbm>> -> memref<200x128xf32, #tpu.memory_space<hbm>>
        %dma_start3A_185 = arith.constant 0 : i32
        %dma_start3A_186 = tpu.memref_slice %arg15[%mul3A_178, %dma_start3A_185] : memref<10000x128xf32, #tpu.memory_space<vmem_shared>> -> memref<200x128xf32, #tpu.memory_space<vmem_shared>>
        tpu.enqueue_dma source(%dma_start3A_186 : memref<200x128xf32, #tpu.memory_space<vmem_shared>>) target(%dma_start3A_184 : memref<200x128xf32, #tpu.memory_space<hbm>>) target_semaphore(%run_scoped3A : memref<!tpu.dma_semaphore, #tpu.memory_space<semaphore_mem>>)
        %dma_wait3A = arith.constant 0 : i32
        %dma_wait3A_187 = tpu.memref_slice %arg7[%add3A_183, %dma_wait3A] : memref<20000x128xf32, #tpu.memory_space<hbm>> -> memref<200x128xf32, #tpu.memory_space<hbm>>
        %dma_wait3A_188 = arith.constant 0 : i32
        %dma_wait3A_189 = tpu.memref_slice %arg15[%mul3A_178, %dma_wait3A_188] : memref<10000x128xf32, #tpu.memory_space<vmem_shared>> -> memref<200x128xf32, #tpu.memory_space<vmem_shared>>
        tpu.wait_dma2 semaphore(%run_scoped3A : memref<!tpu.dma_semaphore, #tpu.memory_space<semaphore_mem>>) src(%dma_wait3A_189 : memref<200x128xf32, #tpu.memory_space<vmem_shared>>) dst(%dma_wait3A_187 : memref<200x128xf32, #tpu.memory_space<hbm>>)
        tpu.yield
      }) : () -> ()
    } else {
    }
    %barrier3A_85 = arith.constant 0 : index
    tpu.barrier barrier_id(%barrier3A_85)
    %add3A_86 = arith.constant 0 : i32
    %add3A_87 = arith.addi %add3A_86, %arg1 : i32
    %lt3A_88 = arith.constant 125 : i32
    %lt3A_89 = arith.cmpi slt, %add3A_87, %lt3A_88 : i32
    %convert_element_type3A_90 = arith.extui %lt3A_89 : i1 to i32
    %cond3A_91 = arith.constant 0 : i32
    %cond3A_92 = arith.cmpi ne, %convert_element_type3A_90, %cond3A_91 : i32
    scf.if %cond3A_92 {
      %mul3A = arith.constant 80 : i32
      %mul3A_178 = arith.muli %add3A_87, %mul3A : i32
      "tpu.region"() ({
        %run_scoped3A = tpu.sem_alloc : memref<!tpu.dma_semaphore, #tpu.memory_space<semaphore_mem>>
        %dma_start3A = arith.constant 0 : i32
        %dma_start3A_179 = tpu.memref_slice %arg15[%mul3A_178, %dma_start3A] : memref<10000x128xf32, #tpu.memory_space<vmem_shared>> -> memref<80x128xf32, #tpu.memory_space<vmem_shared>>
        tpu.enqueue_dma source(%arg6 : memref<80x128xf32, #tpu.memory_space<hbm>>) target(%dma_start3A_179 : memref<80x128xf32, #tpu.memory_space<vmem_shared>>) target_semaphore(%run_scoped3A : memref<!tpu.dma_semaphore, #tpu.memory_space<semaphore_mem>>)
        %dma_wait3A = arith.constant 0 : i32
        %dma_wait3A_180 = tpu.memref_slice %arg15[%mul3A_178, %dma_wait3A] : memref<10000x128xf32, #tpu.memory_space<vmem_shared>> -> memref<80x128xf32, #tpu.memory_space<vmem_shared>>
        tpu.wait_dma2 semaphore(%run_scoped3A : memref<!tpu.dma_semaphore, #tpu.memory_space<semaphore_mem>>) src(%arg6 : memref<80x128xf32, #tpu.memory_space<hbm>>) dst(%dma_wait3A_180 : memref<80x128xf32, #tpu.memory_space<vmem_shared>>)
        tpu.yield
      }) : () -> ()
    } else {
    }
    %add3A_93 = arith.constant 16 : i32
    %add3A_94 = arith.addi %add3A_93, %arg1 : i32
    %lt3A_95 = arith.constant 125 : i32
    %lt3A_96 = arith.cmpi slt, %add3A_94, %lt3A_95 : i32
    %convert_element_type3A_97 = arith.extui %lt3A_96 : i1 to i32
    %cond3A_98 = arith.constant 0 : i32
    %cond3A_99 = arith.cmpi ne, %convert_element_type3A_97, %cond3A_98 : i32
    scf.if %cond3A_99 {
      %mul3A = arith.constant 80 : i32
      %mul3A_178 = arith.muli %add3A_94, %mul3A : i32
      "tpu.region"() ({
        %run_scoped3A = tpu.sem_alloc : memref<!tpu.dma_semaphore, #tpu.memory_space<semaphore_mem>>
        %dma_start3A = arith.constant 0 : i32
        %dma_start3A_179 = tpu.memref_slice %arg15[%mul3A_178, %dma_start3A] : memref<10000x128xf32, #tpu.memory_space<vmem_shared>> -> memref<80x128xf32, #tpu.memory_space<vmem_shared>>
        tpu.enqueue_dma source(%arg6 : memref<80x128xf32, #tpu.memory_space<hbm>>) target(%dma_start3A_179 : memref<80x128xf32, #tpu.memory_space<vmem_shared>>) target_semaphore(%run_scoped3A : memref<!tpu.dma_semaphore, #tpu.memory_space<semaphore_mem>>)
        %dma_wait3A = arith.constant 0 : i32
        %dma_wait3A_180 = tpu.memref_slice %arg15[%mul3A_178, %dma_wait3A] : memref<10000x128xf32, #tpu.memory_space<vmem_shared>> -> memref<80x128xf32, #tpu.memory_space<vmem_shared>>
        tpu.wait_dma2 semaphore(%run_scoped3A : memref<!tpu.dma_semaphore, #tpu.memory_space<semaphore_mem>>) src(%arg6 : memref<80x128xf32, #tpu.memory_space<hbm>>) dst(%dma_wait3A_180 : memref<80x128xf32, #tpu.memory_space<vmem_shared>>)
        tpu.yield
      }) : () -> ()
    } else {
    }
    %add3A_100 = arith.constant 32 : i32
    %add3A_101 = arith.addi %add3A_100, %arg1 : i32
    %lt3A_102 = arith.constant 125 : i32
    %lt3A_103 = arith.cmpi slt, %add3A_101, %lt3A_102 : i32
    %convert_element_type3A_104 = arith.extui %lt3A_103 : i1 to i32
    %cond3A_105 = arith.constant 0 : i32
    %cond3A_106 = arith.cmpi ne, %convert_element_type3A_104, %cond3A_105 : i32
    scf.if %cond3A_106 {
      %mul3A = arith.constant 80 : i32
      %mul3A_178 = arith.muli %add3A_101, %mul3A : i32
      "tpu.region"() ({
        %run_scoped3A = tpu.sem_alloc : memref<!tpu.dma_semaphore, #tpu.memory_space<semaphore_mem>>
        %dma_start3A = arith.constant 0 : i32
        %dma_start3A_179 = tpu.memref_slice %arg15[%mul3A_178, %dma_start3A] : memref<10000x128xf32, #tpu.memory_space<vmem_shared>> -> memref<80x128xf32, #tpu.memory_space<vmem_shared>>
        tpu.enqueue_dma source(%arg6 : memref<80x128xf32, #tpu.memory_space<hbm>>) target(%dma_start3A_179 : memref<80x128xf32, #tpu.memory_space<vmem_shared>>) target_semaphore(%run_scoped3A : memref<!tpu.dma_semaphore, #tpu.memory_space<semaphore_mem>>)
        %dma_wait3A = arith.constant 0 : i32
        %dma_wait3A_180 = tpu.memref_slice %arg15[%mul3A_178, %dma_wait3A] : memref<10000x128xf32, #tpu.memory_space<vmem_shared>> -> memref<80x128xf32, #tpu.memory_space<vmem_shared>>
        tpu.wait_dma2 semaphore(%run_scoped3A : memref<!tpu.dma_semaphore, #tpu.memory_space<semaphore_mem>>) src(%arg6 : memref<80x128xf32, #tpu.memory_space<hbm>>) dst(%dma_wait3A_180 : memref<80x128xf32, #tpu.memory_space<vmem_shared>>)
        tpu.yield
      }) : () -> ()
    } else {
    }
    %add3A_107 = arith.constant 48 : i32
    %add3A_108 = arith.addi %add3A_107, %arg1 : i32
    %lt3A_109 = arith.constant 125 : i32
    %lt3A_110 = arith.cmpi slt, %add3A_108, %lt3A_109 : i32
    %convert_element_type3A_111 = arith.extui %lt3A_110 : i1 to i32
    %cond3A_112 = arith.constant 0 : i32
    %cond3A_113 = arith.cmpi ne, %convert_element_type3A_111, %cond3A_112 : i32
    scf.if %cond3A_113 {
      %mul3A = arith.constant 80 : i32
      %mul3A_178 = arith.muli %add3A_108, %mul3A : i32
      "tpu.region"() ({
        %run_scoped3A = tpu.sem_alloc : memref<!tpu.dma_semaphore, #tpu.memory_space<semaphore_mem>>
        %dma_start3A = arith.constant 0 : i32
        %dma_start3A_179 = tpu.memref_slice %arg15[%mul3A_178, %dma_start3A] : memref<10000x128xf32, #tpu.memory_space<vmem_shared>> -> memref<80x128xf32, #tpu.memory_space<vmem_shared>>
        tpu.enqueue_dma source(%arg6 : memref<80x128xf32, #tpu.memory_space<hbm>>) target(%dma_start3A_179 : memref<80x128xf32, #tpu.memory_space<vmem_shared>>) target_semaphore(%run_scoped3A : memref<!tpu.dma_semaphore, #tpu.memory_space<semaphore_mem>>)
        %dma_wait3A = arith.constant 0 : i32
        %dma_wait3A_180 = tpu.memref_slice %arg15[%mul3A_178, %dma_wait3A] : memref<10000x128xf32, #tpu.memory_space<vmem_shared>> -> memref<80x128xf32, #tpu.memory_space<vmem_shared>>
        tpu.wait_dma2 semaphore(%run_scoped3A : memref<!tpu.dma_semaphore, #tpu.memory_space<semaphore_mem>>) src(%arg6 : memref<80x128xf32, #tpu.memory_space<hbm>>) dst(%dma_wait3A_180 : memref<80x128xf32, #tpu.memory_space<vmem_shared>>)
        tpu.yield
      }) : () -> ()
    } else {
    }
    %add3A_114 = arith.constant 64 : i32
    %add3A_115 = arith.addi %add3A_114, %arg1 : i32
    %lt3A_116 = arith.constant 125 : i32
    %lt3A_117 = arith.cmpi slt, %add3A_115, %lt3A_116 : i32
    %convert_element_type3A_118 = arith.extui %lt3A_117 : i1 to i32
    %cond3A_119 = arith.constant 0 : i32
    %cond3A_120 = arith.cmpi ne, %convert_element_type3A_118, %cond3A_119 : i32
    scf.if %cond3A_120 {
      %mul3A = arith.constant 80 : i32
      %mul3A_178 = arith.muli %add3A_115, %mul3A : i32
      "tpu.region"() ({
        %run_scoped3A = tpu.sem_alloc : memref<!tpu.dma_semaphore, #tpu.memory_space<semaphore_mem>>
        %dma_start3A = arith.constant 0 : i32
        %dma_start3A_179 = tpu.memref_slice %arg15[%mul3A_178, %dma_start3A] : memref<10000x128xf32, #tpu.memory_space<vmem_shared>> -> memref<80x128xf32, #tpu.memory_space<vmem_shared>>
        tpu.enqueue_dma source(%arg6 : memref<80x128xf32, #tpu.memory_space<hbm>>) target(%dma_start3A_179 : memref<80x128xf32, #tpu.memory_space<vmem_shared>>) target_semaphore(%run_scoped3A : memref<!tpu.dma_semaphore, #tpu.memory_space<semaphore_mem>>)
        %dma_wait3A = arith.constant 0 : i32
        %dma_wait3A_180 = tpu.memref_slice %arg15[%mul3A_178, %dma_wait3A] : memref<10000x128xf32, #tpu.memory_space<vmem_shared>> -> memref<80x128xf32, #tpu.memory_space<vmem_shared>>
        tpu.wait_dma2 semaphore(%run_scoped3A : memref<!tpu.dma_semaphore, #tpu.memory_space<semaphore_mem>>) src(%arg6 : memref<80x128xf32, #tpu.memory_space<hbm>>) dst(%dma_wait3A_180 : memref<80x128xf32, #tpu.memory_space<vmem_shared>>)
        tpu.yield
      }) : () -> ()
    } else {
    }
    %add3A_121 = arith.constant 80 : i32
    %add3A_122 = arith.addi %add3A_121, %arg1 : i32
    %lt3A_123 = arith.constant 125 : i32
    %lt3A_124 = arith.cmpi slt, %add3A_122, %lt3A_123 : i32
    %convert_element_type3A_125 = arith.extui %lt3A_124 : i1 to i32
    %cond3A_126 = arith.constant 0 : i32
    %cond3A_127 = arith.cmpi ne, %convert_element_type3A_125, %cond3A_126 : i32
    scf.if %cond3A_127 {
      %mul3A = arith.constant 80 : i32
      %mul3A_178 = arith.muli %add3A_122, %mul3A : i32
      "tpu.region"() ({
        %run_scoped3A = tpu.sem_alloc : memref<!tpu.dma_semaphore, #tpu.memory_space<semaphore_mem>>
        %dma_start3A = arith.constant 0 : i32
        %dma_start3A_179 = tpu.memref_slice %arg15[%mul3A_178, %dma_start3A] : memref<10000x128xf32, #tpu.memory_space<vmem_shared>> -> memref<80x128xf32, #tpu.memory_space<vmem_shared>>
        tpu.enqueue_dma source(%arg6 : memref<80x128xf32, #tpu.memory_space<hbm>>) target(%dma_start3A_179 : memref<80x128xf32, #tpu.memory_space<vmem_shared>>) target_semaphore(%run_scoped3A : memref<!tpu.dma_semaphore, #tpu.memory_space<semaphore_mem>>)
        %dma_wait3A = arith.constant 0 : i32
        %dma_wait3A_180 = tpu.memref_slice %arg15[%mul3A_178, %dma_wait3A] : memref<10000x128xf32, #tpu.memory_space<vmem_shared>> -> memref<80x128xf32, #tpu.memory_space<vmem_shared>>
        tpu.wait_dma2 semaphore(%run_scoped3A : memref<!tpu.dma_semaphore, #tpu.memory_space<semaphore_mem>>) src(%arg6 : memref<80x128xf32, #tpu.memory_space<hbm>>) dst(%dma_wait3A_180 : memref<80x128xf32, #tpu.memory_space<vmem_shared>>)
        tpu.yield
      }) : () -> ()
    } else {
    }
    %add3A_128 = arith.constant 96 : i32
    %add3A_129 = arith.addi %add3A_128, %arg1 : i32
    %lt3A_130 = arith.constant 125 : i32
    %lt3A_131 = arith.cmpi slt, %add3A_129, %lt3A_130 : i32
    %convert_element_type3A_132 = arith.extui %lt3A_131 : i1 to i32
    %cond3A_133 = arith.constant 0 : i32
    %cond3A_134 = arith.cmpi ne, %convert_element_type3A_132, %cond3A_133 : i32
    scf.if %cond3A_134 {
      %mul3A = arith.constant 80 : i32
      %mul3A_178 = arith.muli %add3A_129, %mul3A : i32
      "tpu.region"() ({
        %run_scoped3A = tpu.sem_alloc : memref<!tpu.dma_semaphore, #tpu.memory_space<semaphore_mem>>
        %dma_start3A = arith.constant 0 : i32
        %dma_start3A_179 = tpu.memref_slice %arg15[%mul3A_178, %dma_start3A] : memref<10000x128xf32, #tpu.memory_space<vmem_shared>> -> memref<80x128xf32, #tpu.memory_space<vmem_shared>>
        tpu.enqueue_dma source(%arg6 : memref<80x128xf32, #tpu.memory_space<hbm>>) target(%dma_start3A_179 : memref<80x128xf32, #tpu.memory_space<vmem_shared>>) target_semaphore(%run_scoped3A : memref<!tpu.dma_semaphore, #tpu.memory_space<semaphore_mem>>)
        %dma_wait3A = arith.constant 0 : i32
        %dma_wait3A_180 = tpu.memref_slice %arg15[%mul3A_178, %dma_wait3A] : memref<10000x128xf32, #tpu.memory_space<vmem_shared>> -> memref<80x128xf32, #tpu.memory_space<vmem_shared>>
        tpu.wait_dma2 semaphore(%run_scoped3A : memref<!tpu.dma_semaphore, #tpu.memory_space<semaphore_mem>>) src(%arg6 : memref<80x128xf32, #tpu.memory_space<hbm>>) dst(%dma_wait3A_180 : memref<80x128xf32, #tpu.memory_space<vmem_shared>>)
        tpu.yield
      }) : () -> ()
    } else {
    }
    %add3A_135 = arith.constant 112 : i32
    %add3A_136 = arith.addi %add3A_135, %arg1 : i32
    %lt3A_137 = arith.constant 125 : i32
    %lt3A_138 = arith.cmpi slt, %add3A_136, %lt3A_137 : i32
    %convert_element_type3A_139 = arith.extui %lt3A_138 : i1 to i32
    %cond3A_140 = arith.constant 0 : i32
    %cond3A_141 = arith.cmpi ne, %convert_element_type3A_139, %cond3A_140 : i32
    scf.if %cond3A_141 {
      %mul3A = arith.constant 80 : i32
      %mul3A_178 = arith.muli %add3A_136, %mul3A : i32
      "tpu.region"() ({
        %run_scoped3A = tpu.sem_alloc : memref<!tpu.dma_semaphore, #tpu.memory_space<semaphore_mem>>
        %dma_start3A = arith.constant 0 : i32
        %dma_start3A_179 = tpu.memref_slice %arg15[%mul3A_178, %dma_start3A] : memref<10000x128xf32, #tpu.memory_space<vmem_shared>> -> memref<80x128xf32, #tpu.memory_space<vmem_shared>>
        tpu.enqueue_dma source(%arg6 : memref<80x128xf32, #tpu.memory_space<hbm>>) target(%dma_start3A_179 : memref<80x128xf32, #tpu.memory_space<vmem_shared>>) target_semaphore(%run_scoped3A : memref<!tpu.dma_semaphore, #tpu.memory_space<semaphore_mem>>)
        %dma_wait3A = arith.constant 0 : i32
        %dma_wait3A_180 = tpu.memref_slice %arg15[%mul3A_178, %dma_wait3A] : memref<10000x128xf32, #tpu.memory_space<vmem_shared>> -> memref<80x128xf32, #tpu.memory_space<vmem_shared>>
        tpu.wait_dma2 semaphore(%run_scoped3A : memref<!tpu.dma_semaphore, #tpu.memory_space<semaphore_mem>>) src(%arg6 : memref<80x128xf32, #tpu.memory_space<hbm>>) dst(%dma_wait3A_180 : memref<80x128xf32, #tpu.memory_space<vmem_shared>>)
        tpu.yield
      }) : () -> ()
    } else {
    }
    %barrier3A_142 = arith.constant 0 : index
    tpu.barrier barrier_id(%barrier3A_142)
    %scan3A_143 = arith.constant 0 : i32
    %scan3A_144 = arith.constant 6 : i32
    %scan3A_145 = arith.addi %scan3A_143, %scan3A_144 : i32
    %scan3A_146 = arith.constant 1 : i32
    scf.for %scan3A_178 = %scan3A_143 to %scan3A_145 step %scan3A_146  : i32 {
      %mul3A = arith.constant 1 : i32
      %mul3A_179 = arith.muli %scan3A_178, %mul3A : i32
      %add3A_180 = arith.constant 0 : i32
      %add3A_181 = arith.addi %add3A_180, %mul3A_179 : i32
      "tpu.region"() ({
        %run_scoped3A = tpu.sem_alloc : memref<!tpu.dma_semaphore, #tpu.memory_space<semaphore_mem>>
        %dma_start3A_215 = arith.constant 0 : i32
        %dma_start3A_216 = arith.constant 0 : i32
        %dma_start3A_217 = tpu.memref_slice %arg2[%arg0, %arg1, %add3A_181, %dma_start3A_215, %dma_start3A_216] : memref<2x16x6x15x112xi32, #tpu.memory_space<hbm>> -> memref<1x1x1x15x112xi32, #tpu.memory_space<hbm>>
        %dma_start3A_218 = tpu.memref_squeeze %dma_start3A_217 : memref<1x1x1x15x112xi32, #tpu.memory_space<hbm>> -> memref<15x112xi32, #tpu.memory_space<hbm>>
        %dma_start3A_219 = arith.constant 0 : i32
        %dma_start3A_220 = arith.constant 0 : i32
        %dma_start3A_221 = tpu.memref_slice %arg2[%arg0, %arg1, %add3A_181, %dma_start3A_219, %dma_start3A_220] : memref<2x16x6x15x112xi32, #tpu.memory_space<hbm>> -> memref<1x1x1x15x112xi32, #tpu.memory_space<hbm>>
        %dma_start3A_222 = tpu.memref_squeeze %dma_start3A_221 : memref<1x1x1x15x112xi32, #tpu.memory_space<hbm>> -> memref<15x112xi32, #tpu.memory_space<hbm>>
        tpu.enqueue_dma source(%dma_start3A_222 : memref<15x112xi32, #tpu.memory_space<hbm>>) target(%arg9 : memref<15x112xi32, #tpu.memory_space<vmem>>) target_semaphore(%run_scoped3A : memref<!tpu.dma_semaphore, #tpu.memory_space<semaphore_mem>>)
        %dma_wait3A_223 = arith.constant 0 : i32
        %dma_wait3A_224 = arith.constant 0 : i32
        %dma_wait3A_225 = tpu.memref_slice %arg2[%arg0, %arg1, %add3A_181, %dma_wait3A_223, %dma_wait3A_224] : memref<2x16x6x15x112xi32, #tpu.memory_space<hbm>> -> memref<1x1x1x15x112xi32, #tpu.memory_space<hbm>>
        %dma_wait3A_226 = tpu.memref_squeeze %dma_wait3A_225 : memref<1x1x1x15x112xi32, #tpu.memory_space<hbm>> -> memref<15x112xi32, #tpu.memory_space<hbm>>
        %dma_wait3A_227 = arith.constant 0 : i32
        %dma_wait3A_228 = arith.constant 0 : i32
        %dma_wait3A_229 = tpu.memref_slice %arg2[%arg0, %arg1, %add3A_181, %dma_wait3A_227, %dma_wait3A_228] : memref<2x16x6x15x112xi32, #tpu.memory_space<hbm>> -> memref<1x1x1x15x112xi32, #tpu.memory_space<hbm>>
        %dma_wait3A_230 = tpu.memref_squeeze %dma_wait3A_229 : memref<1x1x1x15x112xi32, #tpu.memory_space<hbm>> -> memref<15x112xi32, #tpu.memory_space<hbm>>
        tpu.wait_dma2 semaphore(%run_scoped3A : memref<!tpu.dma_semaphore, #tpu.memory_space<semaphore_mem>>) src(%dma_wait3A_230 : memref<15x112xi32, #tpu.memory_space<hbm>>) dst(%arg9 : memref<15x112xi32, #tpu.memory_space<vmem>>)
        tpu.yield
      }) : () -> ()
      "tpu.region"() ({
        %run_scoped3A = tpu.sem_alloc : memref<!tpu.dma_semaphore, #tpu.memory_space<semaphore_mem>>
        %dma_start3A_215 = arith.constant 0 : i32
        %dma_start3A_216 = arith.constant 0 : i32
        %dma_start3A_217 = tpu.memref_slice %arg3[%arg1, %add3A_181, %dma_start3A_215, %dma_start3A_216] : memref<16x6x15x112xi32, #tpu.memory_space<hbm>> -> memref<1x1x15x112xi32, #tpu.memory_space<hbm>>
        %dma_start3A_218 = tpu.memref_squeeze %dma_start3A_217 : memref<1x1x15x112xi32, #tpu.memory_space<hbm>> -> memref<15x112xi32, #tpu.memory_space<hbm>>
        %dma_start3A_219 = arith.constant 0 : i32
        %dma_start3A_220 = arith.constant 0 : i32
        %dma_start3A_221 = tpu.memref_slice %arg3[%arg1, %add3A_181, %dma_start3A_219, %dma_start3A_220] : memref<16x6x15x112xi32, #tpu.memory_space<hbm>> -> memref<1x1x15x112xi32, #tpu.memory_space<hbm>>
        %dma_start3A_222 = tpu.memref_squeeze %dma_start3A_221 : memref<1x1x15x112xi32, #tpu.memory_space<hbm>> -> memref<15x112xi32, #tpu.memory_space<hbm>>
        tpu.enqueue_dma source(%dma_start3A_222 : memref<15x112xi32, #tpu.memory_space<hbm>>) target(%arg10 : memref<15x112xi32, #tpu.memory_space<vmem>>) target_semaphore(%run_scoped3A : memref<!tpu.dma_semaphore, #tpu.memory_space<semaphore_mem>>)
        %dma_wait3A_223 = arith.constant 0 : i32
        %dma_wait3A_224 = arith.constant 0 : i32
        %dma_wait3A_225 = tpu.memref_slice %arg3[%arg1, %add3A_181, %dma_wait3A_223, %dma_wait3A_224] : memref<16x6x15x112xi32, #tpu.memory_space<hbm>> -> memref<1x1x15x112xi32, #tpu.memory_space<hbm>>
        %dma_wait3A_226 = tpu.memref_squeeze %dma_wait3A_225 : memref<1x1x15x112xi32, #tpu.memory_space<hbm>> -> memref<15x112xi32, #tpu.memory_space<hbm>>
        %dma_wait3A_227 = arith.constant 0 : i32
        %dma_wait3A_228 = arith.constant 0 : i32
        %dma_wait3A_229 = tpu.memref_slice %arg3[%arg1, %add3A_181, %dma_wait3A_227, %dma_wait3A_228] : memref<16x6x15x112xi32, #tpu.memory_space<hbm>> -> memref<1x1x15x112xi32, #tpu.memory_space<hbm>>
        %dma_wait3A_230 = tpu.memref_squeeze %dma_wait3A_229 : memref<1x1x15x112xi32, #tpu.memory_space<hbm>> -> memref<15x112xi32, #tpu.memory_space<hbm>>
        tpu.wait_dma2 semaphore(%run_scoped3A : memref<!tpu.dma_semaphore, #tpu.memory_space<semaphore_mem>>) src(%dma_wait3A_230 : memref<15x112xi32, #tpu.memory_space<hbm>>) dst(%arg10 : memref<15x112xi32, #tpu.memory_space<vmem>>)
        tpu.yield
      }) : () -> ()
      "tpu.region"() ({
        %run_scoped3A = tpu.sem_alloc : memref<!tpu.dma_semaphore, #tpu.memory_space<semaphore_mem>>
        %dma_start3A_215 = arith.constant 0 : i32
        %dma_start3A_216 = arith.constant 0 : i32
        %dma_start3A_217 = tpu.memref_slice %arg4[%arg1, %add3A_181, %dma_start3A_215, %dma_start3A_216] : memref<16x6x15x112xf32, #tpu.memory_space<hbm>> -> memref<1x1x15x112xf32, #tpu.memory_space<hbm>>
        %dma_start3A_218 = tpu.memref_squeeze %dma_start3A_217 : memref<1x1x15x112xf32, #tpu.memory_space<hbm>> -> memref<15x112xf32, #tpu.memory_space<hbm>>
        %dma_start3A_219 = arith.constant 0 : i32
        %dma_start3A_220 = arith.constant 0 : i32
        %dma_start3A_221 = tpu.memref_slice %arg4[%arg1, %add3A_181, %dma_start3A_219, %dma_start3A_220] : memref<16x6x15x112xf32, #tpu.memory_space<hbm>> -> memref<1x1x15x112xf32, #tpu.memory_space<hbm>>
        %dma_start3A_222 = tpu.memref_squeeze %dma_start3A_221 : memref<1x1x15x112xf32, #tpu.memory_space<hbm>> -> memref<15x112xf32, #tpu.memory_space<hbm>>
        tpu.enqueue_dma source(%dma_start3A_222 : memref<15x112xf32, #tpu.memory_space<hbm>>) target(%arg11 : memref<15x112xf32, #tpu.memory_space<vmem>>) target_semaphore(%run_scoped3A : memref<!tpu.dma_semaphore, #tpu.memory_space<semaphore_mem>>)
        %dma_wait3A_223 = arith.constant 0 : i32
        %dma_wait3A_224 = arith.constant 0 : i32
        %dma_wait3A_225 = tpu.memref_slice %arg4[%arg1, %add3A_181, %dma_wait3A_223, %dma_wait3A_224] : memref<16x6x15x112xf32, #tpu.memory_space<hbm>> -> memref<1x1x15x112xf32, #tpu.memory_space<hbm>>
        %dma_wait3A_226 = tpu.memref_squeeze %dma_wait3A_225 : memref<1x1x15x112xf32, #tpu.memory_space<hbm>> -> memref<15x112xf32, #tpu.memory_space<hbm>>
        %dma_wait3A_227 = arith.constant 0 : i32
        %dma_wait3A_228 = arith.constant 0 : i32
        %dma_wait3A_229 = tpu.memref_slice %arg4[%arg1, %add3A_181, %dma_wait3A_227, %dma_wait3A_228] : memref<16x6x15x112xf32, #tpu.memory_space<hbm>> -> memref<1x1x15x112xf32, #tpu.memory_space<hbm>>
        %dma_wait3A_230 = tpu.memref_squeeze %dma_wait3A_229 : memref<1x1x15x112xf32, #tpu.memory_space<hbm>> -> memref<15x112xf32, #tpu.memory_space<hbm>>
        tpu.wait_dma2 semaphore(%run_scoped3A : memref<!tpu.dma_semaphore, #tpu.memory_space<semaphore_mem>>) src(%dma_wait3A_230 : memref<15x112xf32, #tpu.memory_space<hbm>>) dst(%arg11 : memref<15x112xf32, #tpu.memory_space<vmem>>)
        tpu.yield
      }) : () -> ()
      %dma_start3A = arith.constant 0 : i32
      %dma_start3A_182 = arith.constant 0 : i32
      %dma_start3A_183 = arith.constant 0 : i32
      %dma_start3A_184 = tpu.memref_slice %arg9[%dma_start3A, %dma_start3A_183] : memref<15x112xi32, #tpu.memory_space<vmem>> -> memref<1x112xi32, #tpu.memory_space<vmem>>
      %dma_start3A_185 = tpu.memref_squeeze %dma_start3A_184 : memref<1x112xi32, #tpu.memory_space<vmem>> -> memref<112xi32, #tpu.memory_space<vmem>>
      %dma_start3A_186 = arith.constant 0 : i32
      %dma_start3A_187 = arith.constant 0 : i32
      %dma_start3A_188 = tpu.memref_slice %arg7[%dma_start3A_186, %dma_start3A_187] : memref<20000x128xf32, #tpu.memory_space<hbm>> -> memref<20000x128xf32, #tpu.memory_space<hbm>>
      %dma_start3A_189 = tpu.memref_slice %arg16[%dma_start3A_182] : memref<3x!tpu.dma_semaphore, #tpu.memory_space<semaphore_mem>> -> memref<1x!tpu.dma_semaphore, #tpu.memory_space<semaphore_mem>>
      %dma_start3A_190 = tpu.memref_squeeze %dma_start3A_189 : memref<1x!tpu.dma_semaphore, #tpu.memory_space<semaphore_mem>> -> memref<!tpu.dma_semaphore, #tpu.memory_space<semaphore_mem>>
      tpu.enqueue_indirect_dma source(%dma_start3A_188 : memref<20000x128xf32, #tpu.memory_space<hbm>>) target(%arg12 : memref<112x128xf32, #tpu.memory_space<vmem>>) offsets(%dma_start3A_185 : memref<112xi32, #tpu.memory_space<vmem>>) semaphore(%dma_start3A_190 : memref<!tpu.dma_semaphore, #tpu.memory_space<semaphore_mem>>)
      %scan3A_191 = arith.constant 0 : i32
      %scan3A_192 = arith.constant 5 : i32
      %scan3A_193 = arith.addi %scan3A_191, %scan3A_192 : i32
      %scan3A_194 = arith.constant 1 : i32
      scf.for %scan3A_215 = %scan3A_191 to %scan3A_193 step %scan3A_194  : i32 {
        %mul3A_216 = arith.constant 3 : i32
        %mul3A_217 = arith.muli %scan3A_215, %mul3A_216 : i32
        %add3A_218 = arith.constant 0 : i32
        %add3A_219 = arith.addi %add3A_218, %mul3A_217 : i32
        %add3A_220 = arith.constant 0 : i32
        %add3A_221 = arith.addi %add3A_219, %add3A_220 : i32
        %ge3A = arith.constant 2 : i32
        %ge3A_222 = arith.cmpi sge, %add3A_221, %ge3A : i32
        %convert_element_type3A_223 = arith.extui %ge3A_222 : i1 to i32
        %cond3A_224 = arith.constant 0 : i32
        %cond3A_225 = arith.cmpi ne, %convert_element_type3A_223, %cond3A_224 : i32
        scf.if %cond3A_225 {
          %sub3A = arith.constant 2 : i32
          %sub3A_332 = arith.subi %add3A_221, %sub3A : i32
          %dma_wait3A_333 = arith.constant 1 : i32
          %dma_wait3A_334 = arith.constant 0 : i32
          %dma_wait3A_335 = tpu.memref_slice %arg10[%sub3A_332, %dma_wait3A_334] : memref<15x112xi32, #tpu.memory_space<vmem>> -> memref<1x112xi32, #tpu.memory_space<vmem>>
          %dma_wait3A_336 = tpu.memref_squeeze %dma_wait3A_335 : memref<1x112xi32, #tpu.memory_space<vmem>> -> memref<112xi32, #tpu.memory_space<vmem>>
          %dma_wait3A_337 = arith.constant 0 : i32
          %dma_wait3A_338 = arith.constant 0 : i32
          %dma_wait3A_339 = tpu.memref_slice %arg15[%dma_wait3A_337, %dma_wait3A_338] : memref<10000x128xf32, #tpu.memory_space<vmem_shared>> -> memref<10000x128xf32, #tpu.memory_space<vmem_shared>>
          %dma_wait3A_340 = tpu.memref_slice %arg17[%dma_wait3A_333] : memref<3x!tpu.dma_semaphore, #tpu.memory_space<semaphore_mem>> -> memref<1x!tpu.dma_semaphore, #tpu.memory_space<semaphore_mem>>
          %dma_wait3A_341 = tpu.memref_squeeze %dma_wait3A_340 : memref<1x!tpu.dma_semaphore, #tpu.memory_space<semaphore_mem>> -> memref<!tpu.dma_semaphore, #tpu.memory_space<semaphore_mem>>
          tpu.wait_indirect_dma semaphore(%dma_wait3A_341 : memref<!tpu.dma_semaphore, #tpu.memory_space<semaphore_mem>>) src(%arg13 : memref<112x128xf32, #tpu.memory_space<vmem>>) dst(%dma_wait3A_339 : memref<10000x128xf32, #tpu.memory_space<vmem_shared>>)
        } else {
        }
        %add3A_226 = arith.constant 1 : i32
        %add3A_227 = arith.addi %add3A_221, %add3A_226 : i32
        %lt3A_228 = arith.constant 15 : i32
        %lt3A_229 = arith.cmpi slt, %add3A_227, %lt3A_228 : i32
        %convert_element_type3A_230 = arith.extui %lt3A_229 : i1 to i32
        %cond3A_231 = arith.constant 0 : i32
        %cond3A_232 = arith.cmpi ne, %convert_element_type3A_230, %cond3A_231 : i32
        scf.if %cond3A_232 {
          %add3A_332 = arith.constant 1 : i32
          %add3A_333 = arith.addi %add3A_221, %add3A_332 : i32
          %dma_start3A_334 = arith.constant 1 : i32
          %dma_start3A_335 = arith.constant 0 : i32
          %dma_start3A_336 = tpu.memref_slice %arg9[%add3A_333, %dma_start3A_335] : memref<15x112xi32, #tpu.memory_space<vmem>> -> memref<1x112xi32, #tpu.memory_space<vmem>>
          %dma_start3A_337 = tpu.memref_squeeze %dma_start3A_336 : memref<1x112xi32, #tpu.memory_space<vmem>> -> memref<112xi32, #tpu.memory_space<vmem>>
          %dma_start3A_338 = arith.constant 0 : i32
          %dma_start3A_339 = arith.constant 0 : i32
          %dma_start3A_340 = tpu.memref_slice %arg7[%dma_start3A_338, %dma_start3A_339] : memref<20000x128xf32, #tpu.memory_space<hbm>> -> memref<20000x128xf32, #tpu.memory_space<hbm>>
          %dma_start3A_341 = tpu.memref_slice %arg16[%dma_start3A_334] : memref<3x!tpu.dma_semaphore, #tpu.memory_space<semaphore_mem>> -> memref<1x!tpu.dma_semaphore, #tpu.memory_space<semaphore_mem>>
          %dma_start3A_342 = tpu.memref_squeeze %dma_start3A_341 : memref<1x!tpu.dma_semaphore, #tpu.memory_space<semaphore_mem>> -> memref<!tpu.dma_semaphore, #tpu.memory_space<semaphore_mem>>
          tpu.enqueue_indirect_dma source(%dma_start3A_340 : memref<20000x128xf32, #tpu.memory_space<hbm>>) target(%arg13 : memref<112x128xf32, #tpu.memory_space<vmem>>) offsets(%dma_start3A_337 : memref<112xi32, #tpu.memory_space<vmem>>) semaphore(%dma_start3A_342 : memref<!tpu.dma_semaphore, #tpu.memory_space<semaphore_mem>>)
        } else {
        }
        %dma_wait3A_233 = arith.constant 0 : i32
        %dma_wait3A_234 = arith.constant 0 : i32
        %dma_wait3A_235 = tpu.memref_slice %arg9[%add3A_221, %dma_wait3A_234] : memref<15x112xi32, #tpu.memory_space<vmem>> -> memref<1x112xi32, #tpu.memory_space<vmem>>
        %dma_wait3A_236 = tpu.memref_squeeze %dma_wait3A_235 : memref<1x112xi32, #tpu.memory_space<vmem>> -> memref<112xi32, #tpu.memory_space<vmem>>
        %dma_wait3A_237 = arith.constant 0 : i32
        %dma_wait3A_238 = arith.constant 0 : i32
        %dma_wait3A_239 = tpu.memref_slice %arg7[%dma_wait3A_237, %dma_wait3A_238] : memref<20000x128xf32, #tpu.memory_space<hbm>> -> memref<20000x128xf32, #tpu.memory_space<hbm>>
        %dma_wait3A_240 = tpu.memref_slice %arg16[%dma_wait3A_233] : memref<3x!tpu.dma_semaphore, #tpu.memory_space<semaphore_mem>> -> memref<1x!tpu.dma_semaphore, #tpu.memory_space<semaphore_mem>>
        %dma_wait3A_241 = tpu.memref_squeeze %dma_wait3A_240 : memref<1x!tpu.dma_semaphore, #tpu.memory_space<semaphore_mem>> -> memref<!tpu.dma_semaphore, #tpu.memory_space<semaphore_mem>>
        tpu.wait_indirect_dma semaphore(%dma_wait3A_241 : memref<!tpu.dma_semaphore, #tpu.memory_space<semaphore_mem>>) src(%dma_wait3A_239 : memref<20000x128xf32, #tpu.memory_space<hbm>>) dst(%arg12 : memref<112x128xf32, #tpu.memory_space<vmem>>)
        %broadcast_in_dim3A = vector.broadcast %add3A_221 : i32 to vector<16xi32>
        %scan3A_242 = arith.constant 0 : i32
        %scan3A_243 = arith.constant 112 : i32
        %scan3A_244 = arith.addi %scan3A_242, %scan3A_243 : i32
        %scan3A_245 = arith.constant 1 : i32
        scf.for %scan3A_332 = %scan3A_242 to %scan3A_244 step %scan3A_245  : i32 {
          %mul3A_333 = arith.constant 1 : i32
          %mul3A_334 = arith.muli %scan3A_332, %mul3A_333 : i32
          %add3A_335 = arith.constant 0 : i32
          %add3A_336 = arith.addi %add3A_335, %mul3A_334 : i32
          %broadcast_in_dim3A_337 = vector.broadcast %add3A_336 : i32 to vector<16xi32>
          %gather3A = tpu.vector_load_idx %arg11[%broadcast_in_dim3A, %broadcast_in_dim3A_337] : memref<15x112xf32, #tpu.memory_space<vmem>>[vector<16xi32>, vector<16xi32>], vector<16xf32>,
          %get3A = arith.index_cast %add3A_336 : i32 to index
          %get3A_338 = arith.constant 0 : index
          %get3A_339 = tpu.vector_load %arg12[%get3A, %get3A_338] {strides = array<i32>} : memref<112x128xf32, #tpu.memory_space<vmem>>, vector<16xf32>,
          %mul3A_340 = arith.mulf %get3A_339, %gather3A : vector<16xf32>
          %swap3A = arith.index_cast %add3A_336 : i32 to index
          %swap3A_341 = arith.constant 0 : index
          %swap3A_342 = tpu.vector_load %arg12[%swap3A, %swap3A_341] {strides = array<i32>} : memref<112x128xf32, #tpu.memory_space<vmem>>, vector<16xf32>,
          tpu.vector_store %arg12[%swap3A, %swap3A_341], %mul3A_340 {strides = array<i32>} : memref<112x128xf32, #tpu.memory_space<vmem>>, vector<16xf32>,
          %get3A_343 = arith.index_cast %add3A_336 : i32 to index
          %get3A_344 = arith.constant 16 : index
          %get3A_345 = tpu.vector_load %arg12[%get3A_343, %get3A_344] {strides = array<i32>} : memref<112x128xf32, #tpu.memory_space<vmem>>, vector<16xf32>,
          %mul3A_346 = arith.mulf %get3A_345, %gather3A : vector<16xf32>
          %swap3A_347 = arith.index_cast %add3A_336 : i32 to index
          %swap3A_348 = arith.constant 16 : index
          %swap3A_349 = tpu.vector_load %arg12[%swap3A_347, %swap3A_348] {strides = array<i32>} : memref<112x128xf32, #tpu.memory_space<vmem>>, vector<16xf32>,
          tpu.vector_store %arg12[%swap3A_347, %swap3A_348], %mul3A_346 {strides = array<i32>} : memref<112x128xf32, #tpu.memory_space<vmem>>, vector<16xf32>,
          %get3A_350 = arith.index_cast %add3A_336 : i32 to index
          %get3A_351 = arith.constant 32 : index
          %get3A_352 = tpu.vector_load %arg12[%get3A_350, %get3A_351] {strides = array<i32>} : memref<112x128xf32, #tpu.memory_space<vmem>>, vector<16xf32>,
          %mul3A_353 = arith.mulf %get3A_352, %gather3A : vector<16xf32>
          %swap3A_354 = arith.index_cast %add3A_336 : i32 to index
          %swap3A_355 = arith.constant 32 : index
          %swap3A_356 = tpu.vector_load %arg12[%swap3A_354, %swap3A_355] {strides = array<i32>} : memref<112x128xf32, #tpu.memory_space<vmem>>, vector<16xf32>,
          tpu.vector_store %arg12[%swap3A_354, %swap3A_355], %mul3A_353 {strides = array<i32>} : memref<112x128xf32, #tpu.memory_space<vmem>>, vector<16xf32>,
          %get3A_357 = arith.index_cast %add3A_336 : i32 to index
          %get3A_358 = arith.constant 48 : index
          %get3A_359 = tpu.vector_load %arg12[%get3A_357, %get3A_358] {strides = array<i32>} : memref<112x128xf32, #tpu.memory_space<vmem>>, vector<16xf32>,
          %mul3A_360 = arith.mulf %get3A_359, %gather3A : vector<16xf32>
          %swap3A_361 = arith.index_cast %add3A_336 : i32 to index
          %swap3A_362 = arith.constant 48 : index
          %swap3A_363 = tpu.vector_load %arg12[%swap3A_361, %swap3A_362] {strides = array<i32>} : memref<112x128xf32, #tpu.memory_space<vmem>>, vector<16xf32>,
          tpu.vector_store %arg12[%swap3A_361, %swap3A_362], %mul3A_360 {strides = array<i32>} : memref<112x128xf32, #tpu.memory_space<vmem>>, vector<16xf32>,
          %get3A_364 = arith.index_cast %add3A_336 : i32 to index
          %get3A_365 = arith.constant 64 : index
          %get3A_366 = tpu.vector_load %arg12[%get3A_364, %get3A_365] {strides = array<i32>} : memref<112x128xf32, #tpu.memory_space<vmem>>, vector<16xf32>,
          %mul3A_367 = arith.mulf %get3A_366, %gather3A : vector<16xf32>
          %swap3A_368 = arith.index_cast %add3A_336 : i32 to index
          %swap3A_369 = arith.constant 64 : index
          %swap3A_370 = tpu.vector_load %arg12[%swap3A_368, %swap3A_369] {strides = array<i32>} : memref<112x128xf32, #tpu.memory_space<vmem>>, vector<16xf32>,
          tpu.vector_store %arg12[%swap3A_368, %swap3A_369], %mul3A_367 {strides = array<i32>} : memref<112x128xf32, #tpu.memory_space<vmem>>, vector<16xf32>,
          %get3A_371 = arith.index_cast %add3A_336 : i32 to index
          %get3A_372 = arith.constant 80 : index
          %get3A_373 = tpu.vector_load %arg12[%get3A_371, %get3A_372] {strides = array<i32>} : memref<112x128xf32, #tpu.memory_space<vmem>>, vector<16xf32>,
          %mul3A_374 = arith.mulf %get3A_373, %gather3A : vector<16xf32>
          %swap3A_375 = arith.index_cast %add3A_336 : i32 to index
          %swap3A_376 = arith.constant 80 : index
          %swap3A_377 = tpu.vector_load %arg12[%swap3A_375, %swap3A_376] {strides = array<i32>} : memref<112x128xf32, #tpu.memory_space<vmem>>, vector<16xf32>,
          tpu.vector_store %arg12[%swap3A_375, %swap3A_376], %mul3A_374 {strides = array<i32>} : memref<112x128xf32, #tpu.memory_space<vmem>>, vector<16xf32>,
          %get3A_378 = arith.index_cast %add3A_336 : i32 to index
          %get3A_379 = arith.constant 96 : index
          %get3A_380 = tpu.vector_load %arg12[%get3A_378, %get3A_379] {strides = array<i32>} : memref<112x128xf32, #tpu.memory_space<vmem>>, vector<16xf32>,
          %mul3A_381 = arith.mulf %get3A_380, %gather3A : vector<16xf32>
          %swap3A_382 = arith.index_cast %add3A_336 : i32 to index
          %swap3A_383 = arith.constant 96 : index
          %swap3A_384 = tpu.vector_load %arg12[%swap3A_382, %swap3A_383] {strides = array<i32>} : memref<112x128xf32, #tpu.memory_space<vmem>>, vector<16xf32>,
          tpu.vector_store %arg12[%swap3A_382, %swap3A_383], %mul3A_381 {strides = array<i32>} : memref<112x128xf32, #tpu.memory_space<vmem>>, vector<16xf32>,
          %get3A_385 = arith.index_cast %add3A_336 : i32 to index
          %get3A_386 = arith.constant 112 : index
          %get3A_387 = tpu.vector_load %arg12[%get3A_385, %get3A_386] {strides = array<i32>} : memref<112x128xf32, #tpu.memory_space<vmem>>, vector<16xf32>,
          %mul3A_388 = arith.mulf %get3A_387, %gather3A : vector<16xf32>
          %swap3A_389 = arith.index_cast %add3A_336 : i32 to index
          %swap3A_390 = arith.constant 112 : index
          %swap3A_391 = tpu.vector_load %arg12[%swap3A_389, %swap3A_390] {strides = array<i32>} : memref<112x128xf32, #tpu.memory_space<vmem>>, vector<16xf32>,
          tpu.vector_store %arg12[%swap3A_389, %swap3A_390], %mul3A_388 {strides = array<i32>} : memref<112x128xf32, #tpu.memory_space<vmem>>, vector<16xf32>,
        }
        %scan3A_246 = arith.constant 112 : i32
        %dma_start3A_247 = arith.constant 0 : i32
        %dma_start3A_248 = arith.constant 0 : i32
        %dma_start3A_249 = tpu.memref_slice %arg10[%add3A_221, %dma_start3A_248] : memref<15x112xi32, #tpu.memory_space<vmem>> -> memref<1x112xi32, #tpu.memory_space<vmem>>
        %dma_start3A_250 = tpu.memref_squeeze %dma_start3A_249 : memref<1x112xi32, #tpu.memory_space<vmem>> -> memref<112xi32, #tpu.memory_space<vmem>>
        %dma_start3A_251 = arith.constant 0 : i32
        %dma_start3A_252 = arith.constant 0 : i32
        %dma_start3A_253 = tpu.memref_slice %arg15[%dma_start3A_251, %dma_start3A_252] : memref<10000x128xf32, #tpu.memory_space<vmem_shared>> -> memref<10000x128xf32, #tpu.memory_space<vmem_shared>>
        %dma_start3A_254 = tpu.memref_slice %arg17[%dma_start3A_247] : memref<3x!tpu.dma_semaphore, #tpu.memory_space<semaphore_mem>> -> memref<1x!tpu.dma_semaphore, #tpu.memory_space<semaphore_mem>>
        %dma_start3A_255 = tpu.memref_squeeze %dma_start3A_254 : memref<1x!tpu.dma_semaphore, #tpu.memory_space<semaphore_mem>> -> memref<!tpu.dma_semaphore, #tpu.memory_space<semaphore_mem>>
        tpu.enqueue_indirect_dma source(%arg12 : memref<112x128xf32, #tpu.memory_space<vmem>>) target(%dma_start3A_253 : memref<10000x128xf32, #tpu.memory_space<vmem_shared>>) offsets(%dma_start3A_250 : memref<112xi32, #tpu.memory_space<vmem>>) semaphore(%dma_start3A_255 : memref<!tpu.dma_semaphore, #tpu.memory_space<semaphore_mem>>) {add = true}
        %add3A_256 = arith.constant 1 : i32
        %add3A_257 = arith.addi %add3A_219, %add3A_256 : i32
        %ge3A_258 = arith.constant 2 : i32
        %ge3A_259 = arith.cmpi sge, %add3A_257, %ge3A_258 : i32
        %convert_element_type3A_260 = arith.extui %ge3A_259 : i1 to i32
        %cond3A_261 = arith.constant 0 : i32
        %cond3A_262 = arith.cmpi ne, %convert_element_type3A_260, %cond3A_261 : i32
        scf.if %cond3A_262 {
          %sub3A = arith.constant 2 : i32
          %sub3A_332 = arith.subi %add3A_257, %sub3A : i32
          %dma_wait3A_333 = arith.constant 2 : i32
          %dma_wait3A_334 = arith.constant 0 : i32
          %dma_wait3A_335 = tpu.memref_slice %arg10[%sub3A_332, %dma_wait3A_334] : memref<15x112xi32, #tpu.memory_space<vmem>> -> memref<1x112xi32, #tpu.memory_space<vmem>>
          %dma_wait3A_336 = tpu.memref_squeeze %dma_wait3A_335 : memref<1x112xi32, #tpu.memory_space<vmem>> -> memref<112xi32, #tpu.memory_space<vmem>>
          %dma_wait3A_337 = arith.constant 0 : i32
          %dma_wait3A_338 = arith.constant 0 : i32
          %dma_wait3A_339 = tpu.memref_slice %arg15[%dma_wait3A_337, %dma_wait3A_338] : memref<10000x128xf32, #tpu.memory_space<vmem_shared>> -> memref<10000x128xf32, #tpu.memory_space<vmem_shared>>
          %dma_wait3A_340 = tpu.memref_slice %arg17[%dma_wait3A_333] : memref<3x!tpu.dma_semaphore, #tpu.memory_space<semaphore_mem>> -> memref<1x!tpu.dma_semaphore, #tpu.memory_space<semaphore_mem>>
          %dma_wait3A_341 = tpu.memref_squeeze %dma_wait3A_340 : memref<1x!tpu.dma_semaphore, #tpu.memory_space<semaphore_mem>> -> memref<!tpu.dma_semaphore, #tpu.memory_space<semaphore_mem>>
          tpu.wait_indirect_dma semaphore(%dma_wait3A_341 : memref<!tpu.dma_semaphore, #tpu.memory_space<semaphore_mem>>) src(%arg14 : memref<112x128xf32, #tpu.memory_space<vmem>>) dst(%dma_wait3A_339 : memref<10000x128xf32, #tpu.memory_space<vmem_shared>>)
        } else {
        }
        %add3A_263 = arith.constant 1 : i32
        %add3A_264 = arith.addi %add3A_257, %add3A_263 : i32
        %lt3A_265 = arith.constant 15 : i32
        %lt3A_266 = arith.cmpi slt, %add3A_264, %lt3A_265 : i32
        %convert_element_type3A_267 = arith.extui %lt3A_266 : i1 to i32
        %cond3A_268 = arith.constant 0 : i32
        %cond3A_269 = arith.cmpi ne, %convert_element_type3A_267, %cond3A_268 : i32
        scf.if %cond3A_269 {
          %add3A_332 = arith.constant 1 : i32
          %add3A_333 = arith.addi %add3A_257, %add3A_332 : i32
          %dma_start3A_334 = arith.constant 2 : i32
          %dma_start3A_335 = arith.constant 0 : i32
          %dma_start3A_336 = tpu.memref_slice %arg9[%add3A_333, %dma_start3A_335] : memref<15x112xi32, #tpu.memory_space<vmem>> -> memref<1x112xi32, #tpu.memory_space<vmem>>
          %dma_start3A_337 = tpu.memref_squeeze %dma_start3A_336 : memref<1x112xi32, #tpu.memory_space<vmem>> -> memref<112xi32, #tpu.memory_space<vmem>>
          %dma_start3A_338 = arith.constant 0 : i32
          %dma_start3A_339 = arith.constant 0 : i32
          %dma_start3A_340 = tpu.memref_slice %arg7[%dma_start3A_338, %dma_start3A_339] : memref<20000x128xf32, #tpu.memory_space<hbm>> -> memref<20000x128xf32, #tpu.memory_space<hbm>>
          %dma_start3A_341 = tpu.memref_slice %arg16[%dma_start3A_334] : memref<3x!tpu.dma_semaphore, #tpu.memory_space<semaphore_mem>> -> memref<1x!tpu.dma_semaphore, #tpu.memory_space<semaphore_mem>>
          %dma_start3A_342 = tpu.memref_squeeze %dma_start3A_341 : memref<1x!tpu.dma_semaphore, #tpu.memory_space<semaphore_mem>> -> memref<!tpu.dma_semaphore, #tpu.memory_space<semaphore_mem>>
          tpu.enqueue_indirect_dma source(%dma_start3A_340 : memref<20000x128xf32, #tpu.memory_space<hbm>>) target(%arg14 : memref<112x128xf32, #tpu.memory_space<vmem>>) offsets(%dma_start3A_337 : memref<112xi32, #tpu.memory_space<vmem>>) semaphore(%dma_start3A_342 : memref<!tpu.dma_semaphore, #tpu.memory_space<semaphore_mem>>)
        } else {
        }
        %dma_wait3A_270 = arith.constant 1 : i32
        %dma_wait3A_271 = arith.constant 0 : i32
        %dma_wait3A_272 = tpu.memref_slice %arg9[%add3A_257, %dma_wait3A_271] : memref<15x112xi32, #tpu.memory_space<vmem>> -> memref<1x112xi32, #tpu.memory_space<vmem>>
        %dma_wait3A_273 = tpu.memref_squeeze %dma_wait3A_272 : memref<1x112xi32, #tpu.memory_space<vmem>> -> memref<112xi32, #tpu.memory_space<vmem>>
        %dma_wait3A_274 = arith.constant 0 : i32
        %dma_wait3A_275 = arith.constant 0 : i32
        %dma_wait3A_276 = tpu.memref_slice %arg7[%dma_wait3A_274, %dma_wait3A_275] : memref<20000x128xf32, #tpu.memory_space<hbm>> -> memref<20000x128xf32, #tpu.memory_space<hbm>>
        %dma_wait3A_277 = tpu.memref_slice %arg16[%dma_wait3A_270] : memref<3x!tpu.dma_semaphore, #tpu.memory_space<semaphore_mem>> -> memref<1x!tpu.dma_semaphore, #tpu.memory_space<semaphore_mem>>
        %dma_wait3A_278 = tpu.memref_squeeze %dma_wait3A_277 : memref<1x!tpu.dma_semaphore, #tpu.memory_space<semaphore_mem>> -> memref<!tpu.dma_semaphore, #tpu.memory_space<semaphore_mem>>
        tpu.wait_indirect_dma semaphore(%dma_wait3A_278 : memref<!tpu.dma_semaphore, #tpu.memory_space<semaphore_mem>>) src(%dma_wait3A_276 : memref<20000x128xf32, #tpu.memory_space<hbm>>) dst(%arg13 : memref<112x128xf32, #tpu.memory_space<vmem>>)
        %broadcast_in_dim3A_279 = vector.broadcast %add3A_257 : i32 to vector<16xi32>
        %scan3A_280 = arith.constant 0 : i32
        %scan3A_281 = arith.constant 112 : i32
        %scan3A_282 = arith.addi %scan3A_280, %scan3A_281 : i32
        %scan3A_283 = arith.constant 1 : i32
        scf.for %scan3A_332 = %scan3A_280 to %scan3A_282 step %scan3A_283  : i32 {
          %mul3A_333 = arith.constant 1 : i32
          %mul3A_334 = arith.muli %scan3A_332, %mul3A_333 : i32
          %add3A_335 = arith.constant 0 : i32
          %add3A_336 = arith.addi %add3A_335, %mul3A_334 : i32
          %broadcast_in_dim3A_337 = vector.broadcast %add3A_336 : i32 to vector<16xi32>
          %gather3A = tpu.vector_load_idx %arg11[%broadcast_in_dim3A_279, %broadcast_in_dim3A_337] : memref<15x112xf32, #tpu.memory_space<vmem>>[vector<16xi32>, vector<16xi32>], vector<16xf32>,
          %get3A = arith.index_cast %add3A_336 : i32 to index
          %get3A_338 = arith.constant 0 : index
          %get3A_339 = tpu.vector_load %arg13[%get3A, %get3A_338] {strides = array<i32>} : memref<112x128xf32, #tpu.memory_space<vmem>>, vector<16xf32>,
          %mul3A_340 = arith.mulf %get3A_339, %gather3A : vector<16xf32>
          %swap3A = arith.index_cast %add3A_336 : i32 to index
          %swap3A_341 = arith.constant 0 : index
          %swap3A_342 = tpu.vector_load %arg13[%swap3A, %swap3A_341] {strides = array<i32>} : memref<112x128xf32, #tpu.memory_space<vmem>>, vector<16xf32>,
          tpu.vector_store %arg13[%swap3A, %swap3A_341], %mul3A_340 {strides = array<i32>} : memref<112x128xf32, #tpu.memory_space<vmem>>, vector<16xf32>,
          %get3A_343 = arith.index_cast %add3A_336 : i32 to index
          %get3A_344 = arith.constant 16 : index
          %get3A_345 = tpu.vector_load %arg13[%get3A_343, %get3A_344] {strides = array<i32>} : memref<112x128xf32, #tpu.memory_space<vmem>>, vector<16xf32>,
          %mul3A_346 = arith.mulf %get3A_345, %gather3A : vector<16xf32>
          %swap3A_347 = arith.index_cast %add3A_336 : i32 to index
          %swap3A_348 = arith.constant 16 : index
          %swap3A_349 = tpu.vector_load %arg13[%swap3A_347, %swap3A_348] {strides = array<i32>} : memref<112x128xf32, #tpu.memory_space<vmem>>, vector<16xf32>,
          tpu.vector_store %arg13[%swap3A_347, %swap3A_348], %mul3A_346 {strides = array<i32>} : memref<112x128xf32, #tpu.memory_space<vmem>>, vector<16xf32>,
          %get3A_350 = arith.index_cast %add3A_336 : i32 to index
          %get3A_351 = arith.constant 32 : index
          %get3A_352 = tpu.vector_load %arg13[%get3A_350, %get3A_351] {strides = array<i32>} : memref<112x128xf32, #tpu.memory_space<vmem>>, vector<16xf32>,
          %mul3A_353 = arith.mulf %get3A_352, %gather3A : vector<16xf32>
          %swap3A_354 = arith.index_cast %add3A_336 : i32 to index
          %swap3A_355 = arith.constant 32 : index
          %swap3A_356 = tpu.vector_load %arg13[%swap3A_354, %swap3A_355] {strides = array<i32>} : memref<112x128xf32, #tpu.memory_space<vmem>>, vector<16xf32>,
          tpu.vector_store %arg13[%swap3A_354, %swap3A_355], %mul3A_353 {strides = array<i32>} : memref<112x128xf32, #tpu.memory_space<vmem>>, vector<16xf32>,
          %get3A_357 = arith.index_cast %add3A_336 : i32 to index
          %get3A_358 = arith.constant 48 : index
          %get3A_359 = tpu.vector_load %arg13[%get3A_357, %get3A_358] {strides = array<i32>} : memref<112x128xf32, #tpu.memory_space<vmem>>, vector<16xf32>,
          %mul3A_360 = arith.mulf %get3A_359, %gather3A : vector<16xf32>
          %swap3A_361 = arith.index_cast %add3A_336 : i32 to index
          %swap3A_362 = arith.constant 48 : index
          %swap3A_363 = tpu.vector_load %arg13[%swap3A_361, %swap3A_362] {strides = array<i32>} : memref<112x128xf32, #tpu.memory_space<vmem>>, vector<16xf32>,
          tpu.vector_store %arg13[%swap3A_361, %swap3A_362], %mul3A_360 {strides = array<i32>} : memref<112x128xf32, #tpu.memory_space<vmem>>, vector<16xf32>,
          %get3A_364 = arith.index_cast %add3A_336 : i32 to index
          %get3A_365 = arith.constant 64 : index
          %get3A_366 = tpu.vector_load %arg13[%get3A_364, %get3A_365] {strides = array<i32>} : memref<112x128xf32, #tpu.memory_space<vmem>>, vector<16xf32>,
          %mul3A_367 = arith.mulf %get3A_366, %gather3A : vector<16xf32>
          %swap3A_368 = arith.index_cast %add3A_336 : i32 to index
          %swap3A_369 = arith.constant 64 : index
          %swap3A_370 = tpu.vector_load %arg13[%swap3A_368, %swap3A_369] {strides = array<i32>} : memref<112x128xf32, #tpu.memory_space<vmem>>, vector<16xf32>,
          tpu.vector_store %arg13[%swap3A_368, %swap3A_369], %mul3A_367 {strides = array<i32>} : memref<112x128xf32, #tpu.memory_space<vmem>>, vector<16xf32>,
          %get3A_371 = arith.index_cast %add3A_336 : i32 to index
          %get3A_372 = arith.constant 80 : index
          %get3A_373 = tpu.vector_load %arg13[%get3A_371, %get3A_372] {strides = array<i32>} : memref<112x128xf32, #tpu.memory_space<vmem>>, vector<16xf32>,
          %mul3A_374 = arith.mulf %get3A_373, %gather3A : vector<16xf32>
          %swap3A_375 = arith.index_cast %add3A_336 : i32 to index
          %swap3A_376 = arith.constant 80 : index
          %swap3A_377 = tpu.vector_load %arg13[%swap3A_375, %swap3A_376] {strides = array<i32>} : memref<112x128xf32, #tpu.memory_space<vmem>>, vector<16xf32>,
          tpu.vector_store %arg13[%swap3A_375, %swap3A_376], %mul3A_374 {strides = array<i32>} : memref<112x128xf32, #tpu.memory_space<vmem>>, vector<16xf32>,
          %get3A_378 = arith.index_cast %add3A_336 : i32 to index
          %get3A_379 = arith.constant 96 : index
          %get3A_380 = tpu.vector_load %arg13[%get3A_378, %get3A_379] {strides = array<i32>} : memref<112x128xf32, #tpu.memory_space<vmem>>, vector<16xf32>,
          %mul3A_381 = arith.mulf %get3A_380, %gather3A : vector<16xf32>
          %swap3A_382 = arith.index_cast %add3A_336 : i32 to index
          %swap3A_383 = arith.constant 96 : index
          %swap3A_384 = tpu.vector_load %arg13[%swap3A_382, %swap3A_383] {strides = array<i32>} : memref<112x128xf32, #tpu.memory_space<vmem>>, vector<16xf32>,
          tpu.vector_store %arg13[%swap3A_382, %swap3A_383], %mul3A_381 {strides = array<i32>} : memref<112x128xf32, #tpu.memory_space<vmem>>, vector<16xf32>,
          %get3A_385 = arith.index_cast %add3A_336 : i32 to index
          %get3A_386 = arith.constant 112 : index
          %get3A_387 = tpu.vector_load %arg13[%get3A_385, %get3A_386] {strides = array<i32>} : memref<112x128xf32, #tpu.memory_space<vmem>>, vector<16xf32>,
          %mul3A_388 = arith.mulf %get3A_387, %gather3A : vector<16xf32>
          %swap3A_389 = arith.index_cast %add3A_336 : i32 to index
          %swap3A_390 = arith.constant 112 : index
          %swap3A_391 = tpu.vector_load %arg13[%swap3A_389, %swap3A_390] {strides = array<i32>} : memref<112x128xf32, #tpu.memory_space<vmem>>, vector<16xf32>,
          tpu.vector_store %arg13[%swap3A_389, %swap3A_390], %mul3A_388 {strides = array<i32>} : memref<112x128xf32, #tpu.memory_space<vmem>>, vector<16xf32>,
        }
        %scan3A_284 = arith.constant 112 : i32
        %dma_start3A_285 = arith.constant 1 : i32
        %dma_start3A_286 = arith.constant 0 : i32
        %dma_start3A_287 = tpu.memref_slice %arg10[%add3A_257, %dma_start3A_286] : memref<15x112xi32, #tpu.memory_space<vmem>> -> memref<1x112xi32, #tpu.memory_space<vmem>>
        %dma_start3A_288 = tpu.memref_squeeze %dma_start3A_287 : memref<1x112xi32, #tpu.memory_space<vmem>> -> memref<112xi32, #tpu.memory_space<vmem>>
        %dma_start3A_289 = arith.constant 0 : i32
        %dma_start3A_290 = arith.constant 0 : i32
        %dma_start3A_291 = tpu.memref_slice %arg15[%dma_start3A_289, %dma_start3A_290] : memref<10000x128xf32, #tpu.memory_space<vmem_shared>> -> memref<10000x128xf32, #tpu.memory_space<vmem_shared>>
        %dma_start3A_292 = tpu.memref_slice %arg17[%dma_start3A_285] : memref<3x!tpu.dma_semaphore, #tpu.memory_space<semaphore_mem>> -> memref<1x!tpu.dma_semaphore, #tpu.memory_space<semaphore_mem>>
        %dma_start3A_293 = tpu.memref_squeeze %dma_start3A_292 : memref<1x!tpu.dma_semaphore, #tpu.memory_space<semaphore_mem>> -> memref<!tpu.dma_semaphore, #tpu.memory_space<semaphore_mem>>
        tpu.enqueue_indirect_dma source(%arg13 : memref<112x128xf32, #tpu.memory_space<vmem>>) target(%dma_start3A_291 : memref<10000x128xf32, #tpu.memory_space<vmem_shared>>) offsets(%dma_start3A_288 : memref<112xi32, #tpu.memory_space<vmem>>) semaphore(%dma_start3A_293 : memref<!tpu.dma_semaphore, #tpu.memory_space<semaphore_mem>>) {add = true}
        %add3A_294 = arith.constant 2 : i32
        %add3A_295 = arith.addi %add3A_219, %add3A_294 : i32
        %ge3A_296 = arith.constant 2 : i32
        %ge3A_297 = arith.cmpi sge, %add3A_295, %ge3A_296 : i32
        %convert_element_type3A_298 = arith.extui %ge3A_297 : i1 to i32
        %cond3A_299 = arith.constant 0 : i32
        %cond3A_300 = arith.cmpi ne, %convert_element_type3A_298, %cond3A_299 : i32
        scf.if %cond3A_300 {
          %sub3A = arith.constant 2 : i32
          %sub3A_332 = arith.subi %add3A_295, %sub3A : i32
          %dma_wait3A_333 = arith.constant 0 : i32
          %dma_wait3A_334 = arith.constant 0 : i32
          %dma_wait3A_335 = tpu.memref_slice %arg10[%sub3A_332, %dma_wait3A_334] : memref<15x112xi32, #tpu.memory_space<vmem>> -> memref<1x112xi32, #tpu.memory_space<vmem>>
          %dma_wait3A_336 = tpu.memref_squeeze %dma_wait3A_335 : memref<1x112xi32, #tpu.memory_space<vmem>> -> memref<112xi32, #tpu.memory_space<vmem>>
          %dma_wait3A_337 = arith.constant 0 : i32
          %dma_wait3A_338 = arith.constant 0 : i32
          %dma_wait3A_339 = tpu.memref_slice %arg15[%dma_wait3A_337, %dma_wait3A_338] : memref<10000x128xf32, #tpu.memory_space<vmem_shared>> -> memref<10000x128xf32, #tpu.memory_space<vmem_shared>>
          %dma_wait3A_340 = tpu.memref_slice %arg17[%dma_wait3A_333] : memref<3x!tpu.dma_semaphore, #tpu.memory_space<semaphore_mem>> -> memref<1x!tpu.dma_semaphore, #tpu.memory_space<semaphore_mem>>
          %dma_wait3A_341 = tpu.memref_squeeze %dma_wait3A_340 : memref<1x!tpu.dma_semaphore, #tpu.memory_space<semaphore_mem>> -> memref<!tpu.dma_semaphore, #tpu.memory_space<semaphore_mem>>
          tpu.wait_indirect_dma semaphore(%dma_wait3A_341 : memref<!tpu.dma_semaphore, #tpu.memory_space<semaphore_mem>>) src(%arg12 : memref<112x128xf32, #tpu.memory_space<vmem>>) dst(%dma_wait3A_339 : memref<10000x128xf32, #tpu.memory_space<vmem_shared>>)
        } else {
        }
        %add3A_301 = arith.constant 1 : i32
        %add3A_302 = arith.addi %add3A_295, %add3A_301 : i32
        %lt3A_303 = arith.constant 15 : i32
        %lt3A_304 = arith.cmpi slt, %add3A_302, %lt3A_303 : i32
        %convert_element_type3A_305 = arith.extui %lt3A_304 : i1 to i32
        %cond3A_306 = arith.constant 0 : i32
        %cond3A_307 = arith.cmpi ne, %convert_element_type3A_305, %cond3A_306 : i32
        scf.if %cond3A_307 {
          %add3A_332 = arith.constant 1 : i32
          %add3A_333 = arith.addi %add3A_295, %add3A_332 : i32
          %dma_start3A_334 = arith.constant 0 : i32
          %dma_start3A_335 = arith.constant 0 : i32
          %dma_start3A_336 = tpu.memref_slice %arg9[%add3A_333, %dma_start3A_335] : memref<15x112xi32, #tpu.memory_space<vmem>> -> memref<1x112xi32, #tpu.memory_space<vmem>>
          %dma_start3A_337 = tpu.memref_squeeze %dma_start3A_336 : memref<1x112xi32, #tpu.memory_space<vmem>> -> memref<112xi32, #tpu.memory_space<vmem>>
          %dma_start3A_338 = arith.constant 0 : i32
          %dma_start3A_339 = arith.constant 0 : i32
          %dma_start3A_340 = tpu.memref_slice %arg7[%dma_start3A_338, %dma_start3A_339] : memref<20000x128xf32, #tpu.memory_space<hbm>> -> memref<20000x128xf32, #tpu.memory_space<hbm>>
          %dma_start3A_341 = tpu.memref_slice %arg16[%dma_start3A_334] : memref<3x!tpu.dma_semaphore, #tpu.memory_space<semaphore_mem>> -> memref<1x!tpu.dma_semaphore, #tpu.memory_space<semaphore_mem>>
          %dma_start3A_342 = tpu.memref_squeeze %dma_start3A_341 : memref<1x!tpu.dma_semaphore, #tpu.memory_space<semaphore_mem>> -> memref<!tpu.dma_semaphore, #tpu.memory_space<semaphore_mem>>
          tpu.enqueue_indirect_dma source(%dma_start3A_340 : memref<20000x128xf32, #tpu.memory_space<hbm>>) target(%arg12 : memref<112x128xf32, #tpu.memory_space<vmem>>) offsets(%dma_start3A_337 : memref<112xi32, #tpu.memory_space<vmem>>) semaphore(%dma_start3A_342 : memref<!tpu.dma_semaphore, #tpu.memory_space<semaphore_mem>>)
        } else {
        }
        %dma_wait3A_308 = arith.constant 2 : i32
        %dma_wait3A_309 = arith.constant 0 : i32
        %dma_wait3A_310 = tpu.memref_slice %arg9[%add3A_295, %dma_wait3A_309] : memref<15x112xi32, #tpu.memory_space<vmem>> -> memref<1x112xi32, #tpu.memory_space<vmem>>
        %dma_wait3A_311 = tpu.memref_squeeze %dma_wait3A_310 : memref<1x112xi32, #tpu.memory_space<vmem>> -> memref<112xi32, #tpu.memory_space<vmem>>
        %dma_wait3A_312 = arith.constant 0 : i32
        %dma_wait3A_313 = arith.constant 0 : i32
        %dma_wait3A_314 = tpu.memref_slice %arg7[%dma_wait3A_312, %dma_wait3A_313] : memref<20000x128xf32, #tpu.memory_space<hbm>> -> memref<20000x128xf32, #tpu.memory_space<hbm>>
        %dma_wait3A_315 = tpu.memref_slice %arg16[%dma_wait3A_308] : memref<3x!tpu.dma_semaphore, #tpu.memory_space<semaphore_mem>> -> memref<1x!tpu.dma_semaphore, #tpu.memory_space<semaphore_mem>>
        %dma_wait3A_316 = tpu.memref_squeeze %dma_wait3A_315 : memref<1x!tpu.dma_semaphore, #tpu.memory_space<semaphore_mem>> -> memref<!tpu.dma_semaphore, #tpu.memory_space<semaphore_mem>>
        tpu.wait_indirect_dma semaphore(%dma_wait3A_316 : memref<!tpu.dma_semaphore, #tpu.memory_space<semaphore_mem>>) src(%dma_wait3A_314 : memref<20000x128xf32, #tpu.memory_space<hbm>>) dst(%arg14 : memref<112x128xf32, #tpu.memory_space<vmem>>)
        %broadcast_in_dim3A_317 = vector.broadcast %add3A_295 : i32 to vector<16xi32>
        %scan3A_318 = arith.constant 0 : i32
        %scan3A_319 = arith.constant 112 : i32
        %scan3A_320 = arith.addi %scan3A_318, %scan3A_319 : i32
        %scan3A_321 = arith.constant 1 : i32
        scf.for %scan3A_332 = %scan3A_318 to %scan3A_320 step %scan3A_321  : i32 {
          %mul3A_333 = arith.constant 1 : i32
          %mul3A_334 = arith.muli %scan3A_332, %mul3A_333 : i32
          %add3A_335 = arith.constant 0 : i32
          %add3A_336 = arith.addi %add3A_335, %mul3A_334 : i32
          %broadcast_in_dim3A_337 = vector.broadcast %add3A_336 : i32 to vector<16xi32>
          %gather3A = tpu.vector_load_idx %arg11[%broadcast_in_dim3A_317, %broadcast_in_dim3A_337] : memref<15x112xf32, #tpu.memory_space<vmem>>[vector<16xi32>, vector<16xi32>], vector<16xf32>,
          %get3A = arith.index_cast %add3A_336 : i32 to index
          %get3A_338 = arith.constant 0 : index
          %get3A_339 = tpu.vector_load %arg14[%get3A, %get3A_338] {strides = array<i32>} : memref<112x128xf32, #tpu.memory_space<vmem>>, vector<16xf32>,
          %mul3A_340 = arith.mulf %get3A_339, %gather3A : vector<16xf32>
          %swap3A = arith.index_cast %add3A_336 : i32 to index
          %swap3A_341 = arith.constant 0 : index
          %swap3A_342 = tpu.vector_load %arg14[%swap3A, %swap3A_341] {strides = array<i32>} : memref<112x128xf32, #tpu.memory_space<vmem>>, vector<16xf32>,
          tpu.vector_store %arg14[%swap3A, %swap3A_341], %mul3A_340 {strides = array<i32>} : memref<112x128xf32, #tpu.memory_space<vmem>>, vector<16xf32>,
          %get3A_343 = arith.index_cast %add3A_336 : i32 to index
          %get3A_344 = arith.constant 16 : index
          %get3A_345 = tpu.vector_load %arg14[%get3A_343, %get3A_344] {strides = array<i32>} : memref<112x128xf32, #tpu.memory_space<vmem>>, vector<16xf32>,
          %mul3A_346 = arith.mulf %get3A_345, %gather3A : vector<16xf32>
          %swap3A_347 = arith.index_cast %add3A_336 : i32 to index
          %swap3A_348 = arith.constant 16 : index
          %swap3A_349 = tpu.vector_load %arg14[%swap3A_347, %swap3A_348] {strides = array<i32>} : memref<112x128xf32, #tpu.memory_space<vmem>>, vector<16xf32>,
          tpu.vector_store %arg14[%swap3A_347, %swap3A_348], %mul3A_346 {strides = array<i32>} : memref<112x128xf32, #tpu.memory_space<vmem>>, vector<16xf32>,
          %get3A_350 = arith.index_cast %add3A_336 : i32 to index
          %get3A_351 = arith.constant 32 : index
          %get3A_352 = tpu.vector_load %arg14[%get3A_350, %get3A_351] {strides = array<i32>} : memref<112x128xf32, #tpu.memory_space<vmem>>, vector<16xf32>,
          %mul3A_353 = arith.mulf %get3A_352, %gather3A : vector<16xf32>
          %swap3A_354 = arith.index_cast %add3A_336 : i32 to index
          %swap3A_355 = arith.constant 32 : index
          %swap3A_356 = tpu.vector_load %arg14[%swap3A_354, %swap3A_355] {strides = array<i32>} : memref<112x128xf32, #tpu.memory_space<vmem>>, vector<16xf32>,
          tpu.vector_store %arg14[%swap3A_354, %swap3A_355], %mul3A_353 {strides = array<i32>} : memref<112x128xf32, #tpu.memory_space<vmem>>, vector<16xf32>,
          %get3A_357 = arith.index_cast %add3A_336 : i32 to index
          %get3A_358 = arith.constant 48 : index
          %get3A_359 = tpu.vector_load %arg14[%get3A_357, %get3A_358] {strides = array<i32>} : memref<112x128xf32, #tpu.memory_space<vmem>>, vector<16xf32>,
          %mul3A_360 = arith.mulf %get3A_359, %gather3A : vector<16xf32>
          %swap3A_361 = arith.index_cast %add3A_336 : i32 to index
          %swap3A_362 = arith.constant 48 : index
          %swap3A_363 = tpu.vector_load %arg14[%swap3A_361, %swap3A_362] {strides = array<i32>} : memref<112x128xf32, #tpu.memory_space<vmem>>, vector<16xf32>,
          tpu.vector_store %arg14[%swap3A_361, %swap3A_362], %mul3A_360 {strides = array<i32>} : memref<112x128xf32, #tpu.memory_space<vmem>>, vector<16xf32>,
          %get3A_364 = arith.index_cast %add3A_336 : i32 to index
          %get3A_365 = arith.constant 64 : index
          %get3A_366 = tpu.vector_load %arg14[%get3A_364, %get3A_365] {strides = array<i32>} : memref<112x128xf32, #tpu.memory_space<vmem>>, vector<16xf32>,
          %mul3A_367 = arith.mulf %get3A_366, %gather3A : vector<16xf32>
          %swap3A_368 = arith.index_cast %add3A_336 : i32 to index
          %swap3A_369 = arith.constant 64 : index
          %swap3A_370 = tpu.vector_load %arg14[%swap3A_368, %swap3A_369] {strides = array<i32>} : memref<112x128xf32, #tpu.memory_space<vmem>>, vector<16xf32>,
          tpu.vector_store %arg14[%swap3A_368, %swap3A_369], %mul3A_367 {strides = array<i32>} : memref<112x128xf32, #tpu.memory_space<vmem>>, vector<16xf32>,
          %get3A_371 = arith.index_cast %add3A_336 : i32 to index
          %get3A_372 = arith.constant 80 : index
          %get3A_373 = tpu.vector_load %arg14[%get3A_371, %get3A_372] {strides = array<i32>} : memref<112x128xf32, #tpu.memory_space<vmem>>, vector<16xf32>,
          %mul3A_374 = arith.mulf %get3A_373, %gather3A : vector<16xf32>
          %swap3A_375 = arith.index_cast %add3A_336 : i32 to index
          %swap3A_376 = arith.constant 80 : index
          %swap3A_377 = tpu.vector_load %arg14[%swap3A_375, %swap3A_376] {strides = array<i32>} : memref<112x128xf32, #tpu.memory_space<vmem>>, vector<16xf32>,
          tpu.vector_store %arg14[%swap3A_375, %swap3A_376], %mul3A_374 {strides = array<i32>} : memref<112x128xf32, #tpu.memory_space<vmem>>, vector<16xf32>,
          %get3A_378 = arith.index_cast %add3A_336 : i32 to index
          %get3A_379 = arith.constant 96 : index
          %get3A_380 = tpu.vector_load %arg14[%get3A_378, %get3A_379] {strides = array<i32>} : memref<112x128xf32, #tpu.memory_space<vmem>>, vector<16xf32>,
          %mul3A_381 = arith.mulf %get3A_380, %gather3A : vector<16xf32>
          %swap3A_382 = arith.index_cast %add3A_336 : i32 to index
          %swap3A_383 = arith.constant 96 : index
          %swap3A_384 = tpu.vector_load %arg14[%swap3A_382, %swap3A_383] {strides = array<i32>} : memref<112x128xf32, #tpu.memory_space<vmem>>, vector<16xf32>,
          tpu.vector_store %arg14[%swap3A_382, %swap3A_383], %mul3A_381 {strides = array<i32>} : memref<112x128xf32, #tpu.memory_space<vmem>>, vector<16xf32>,
          %get3A_385 = arith.index_cast %add3A_336 : i32 to index
          %get3A_386 = arith.constant 112 : index
          %get3A_387 = tpu.vector_load %arg14[%get3A_385, %get3A_386] {strides = array<i32>} : memref<112x128xf32, #tpu.memory_space<vmem>>, vector<16xf32>,
          %mul3A_388 = arith.mulf %get3A_387, %gather3A : vector<16xf32>
          %swap3A_389 = arith.index_cast %add3A_336 : i32 to index
          %swap3A_390 = arith.constant 112 : index
          %swap3A_391 = tpu.vector_load %arg14[%swap3A_389, %swap3A_390] {strides = array<i32>} : memref<112x128xf32, #tpu.memory_space<vmem>>, vector<16xf32>,
          tpu.vector_store %arg14[%swap3A_389, %swap3A_390], %mul3A_388 {strides = array<i32>} : memref<112x128xf32, #tpu.memory_space<vmem>>, vector<16xf32>,
        }
        %scan3A_322 = arith.constant 112 : i32
        %dma_start3A_323 = arith.constant 2 : i32
        %dma_start3A_324 = arith.constant 0 : i32
        %dma_start3A_325 = tpu.memref_slice %arg10[%add3A_295, %dma_start3A_324] : memref<15x112xi32, #tpu.memory_space<vmem>> -> memref<1x112xi32, #tpu.memory_space<vmem>>
        %dma_start3A_326 = tpu.memref_squeeze %dma_start3A_325 : memref<1x112xi32, #tpu.memory_space<vmem>> -> memref<112xi32, #tpu.memory_space<vmem>>
        %dma_start3A_327 = arith.constant 0 : i32
        %dma_start3A_328 = arith.constant 0 : i32
        %dma_start3A_329 = tpu.memref_slice %arg15[%dma_start3A_327, %dma_start3A_328] : memref<10000x128xf32, #tpu.memory_space<vmem_shared>> -> memref<10000x128xf32, #tpu.memory_space<vmem_shared>>
        %dma_start3A_330 = tpu.memref_slice %arg17[%dma_start3A_323] : memref<3x!tpu.dma_semaphore, #tpu.memory_space<semaphore_mem>> -> memref<1x!tpu.dma_semaphore, #tpu.memory_space<semaphore_mem>>
        %dma_start3A_331 = tpu.memref_squeeze %dma_start3A_330 : memref<1x!tpu.dma_semaphore, #tpu.memory_space<semaphore_mem>> -> memref<!tpu.dma_semaphore, #tpu.memory_space<semaphore_mem>>
        tpu.enqueue_indirect_dma source(%arg14 : memref<112x128xf32, #tpu.memory_space<vmem>>) target(%dma_start3A_329 : memref<10000x128xf32, #tpu.memory_space<vmem_shared>>) offsets(%dma_start3A_326 : memref<112xi32, #tpu.memory_space<vmem>>) semaphore(%dma_start3A_331 : memref<!tpu.dma_semaphore, #tpu.memory_space<semaphore_mem>>) {add = true}
      }
      %scan3A_195 = arith.constant 5 : i32
      %dma_wait3A = arith.constant 13 : i32
      %dma_wait3A_196 = arith.constant 1 : i32
      %dma_wait3A_197 = arith.constant 0 : i32
      %dma_wait3A_198 = tpu.memref_slice %arg10[%dma_wait3A, %dma_wait3A_197] : memref<15x112xi32, #tpu.memory_space<vmem>> -> memref<1x112xi32, #tpu.memory_space<vmem>>
      %dma_wait3A_199 = tpu.memref_squeeze %dma_wait3A_198 : memref<1x112xi32, #tpu.memory_space<vmem>> -> memref<112xi32, #tpu.memory_space<vmem>>
      %dma_wait3A_200 = arith.constant 0 : i32
      %dma_wait3A_201 = arith.constant 0 : i32
      %dma_wait3A_202 = tpu.memref_slice %arg15[%dma_wait3A_200, %dma_wait3A_201] : memref<10000x128xf32, #tpu.memory_space<vmem_shared>> -> memref<10000x128xf32, #tpu.memory_space<vmem_shared>>
      %dma_wait3A_203 = tpu.memref_slice %arg17[%dma_wait3A_196] : memref<3x!tpu.dma_semaphore, #tpu.memory_space<semaphore_mem>> -> memref<1x!tpu.dma_semaphore, #tpu.memory_space<semaphore_mem>>
      %dma_wait3A_204 = tpu.memref_squeeze %dma_wait3A_203 : memref<1x!tpu.dma_semaphore, #tpu.memory_space<semaphore_mem>> -> memref<!tpu.dma_semaphore, #tpu.memory_space<semaphore_mem>>
      tpu.wait_indirect_dma semaphore(%dma_wait3A_204 : memref<!tpu.dma_semaphore, #tpu.memory_space<semaphore_mem>>) src(%arg13 : memref<112x128xf32, #tpu.memory_space<vmem>>) dst(%dma_wait3A_202 : memref<10000x128xf32, #tpu.memory_space<vmem_shared>>)
      %dma_wait3A_205 = arith.constant 14 : i32
      %dma_wait3A_206 = arith.constant 2 : i32
      %dma_wait3A_207 = arith.constant 0 : i32
      %dma_wait3A_208 = tpu.memref_slice %arg10[%dma_wait3A_205, %dma_wait3A_207] : memref<15x112xi32, #tpu.memory_space<vmem>> -> memref<1x112xi32, #tpu.memory_space<vmem>>
      %dma_wait3A_209 = tpu.memref_squeeze %dma_wait3A_208 : memref<1x112xi32, #tpu.memory_space<vmem>> -> memref<112xi32, #tpu.memory_space<vmem>>
      %dma_wait3A_210 = arith.constant 0 : i32
      %dma_wait3A_211 = arith.constant 0 : i32
      %dma_wait3A_212 = tpu.memref_slice %arg15[%dma_wait3A_210, %dma_wait3A_211] : memref<10000x128xf32, #tpu.memory_space<vmem_shared>> -> memref<10000x128xf32, #tpu.memory_space<vmem_shared>>
      %dma_wait3A_213 = tpu.memref_slice %arg17[%dma_wait3A_206] : memref<3x!tpu.dma_semaphore, #tpu.memory_space<semaphore_mem>> -> memref<1x!tpu.dma_semaphore, #tpu.memory_space<semaphore_mem>>
      %dma_wait3A_214 = tpu.memref_squeeze %dma_wait3A_213 : memref<1x!tpu.dma_semaphore, #tpu.memory_space<semaphore_mem>> -> memref<!tpu.dma_semaphore, #tpu.memory_space<semaphore_mem>>
      tpu.wait_indirect_dma semaphore(%dma_wait3A_214 : memref<!tpu.dma_semaphore, #tpu.memory_space<semaphore_mem>>) src(%arg14 : memref<112x128xf32, #tpu.memory_space<vmem>>) dst(%dma_wait3A_212 : memref<10000x128xf32, #tpu.memory_space<vmem_shared>>)
    }
    %scan3A_147 = arith.constant 6 : i32
    %barrier3A_148 = arith.constant 0 : index
    tpu.barrier barrier_id(%barrier3A_148)
    %add3A_149 = arith.constant 0 : i32
    %add3A_150 = arith.addi %add3A_149, %arg1 : i32
    %lt3A_151 = arith.constant 50 : i32
    %lt3A_152 = arith.cmpi slt, %add3A_150, %lt3A_151 : i32
    %convert_element_type3A_153 = arith.extui %lt3A_152 : i1 to i32
    %cond3A_154 = arith.constant 0 : i32
    %cond3A_155 = arith.cmpi ne, %convert_element_type3A_153, %cond3A_154 : i32
    scf.if %cond3A_155 {
      %mul3A = arith.constant 200 : i32
      %mul3A_178 = arith.muli %add3A_150, %mul3A : i32
      %mul3A_179 = arith.constant 10000 : i32
      %mul3A_180 = arith.muli %arg0, %mul3A_179 : i32
      %mul3A_181 = arith.constant 200 : i32
      %mul3A_182 = arith.muli %add3A_150, %mul3A_181 : i32
      %add3A_183 = arith.addi %mul3A_180, %mul3A_182 : i32
      "tpu.region"() ({
        %run_scoped3A = tpu.sem_alloc : memref<!tpu.dma_semaphore, #tpu.memory_space<semaphore_mem>>
        %dma_start3A = arith.constant 0 : i32
        %dma_start3A_184 = tpu.memref_slice %arg8[%add3A_183, %dma_start3A] : memref<20000x128xf32, #tpu.memory_space<hbm>> -> memref<200x128xf32, #tpu.memory_space<hbm>>
        %dma_start3A_185 = arith.constant 0 : i32
        %dma_start3A_186 = tpu.memref_slice %arg15[%mul3A_178, %dma_start3A_185] : memref<10000x128xf32, #tpu.memory_space<vmem_shared>> -> memref<200x128xf32, #tpu.memory_space<vmem_shared>>
        tpu.enqueue_dma source(%dma_start3A_186 : memref<200x128xf32, #tpu.memory_space<vmem_shared>>) target(%dma_start3A_184 : memref<200x128xf32, #tpu.memory_space<hbm>>) target_semaphore(%run_scoped3A : memref<!tpu.dma_semaphore, #tpu.memory_space<semaphore_mem>>)
        %dma_wait3A = arith.constant 0 : i32
        %dma_wait3A_187 = tpu.memref_slice %arg8[%add3A_183, %dma_wait3A] : memref<20000x128xf32, #tpu.memory_space<hbm>> -> memref<200x128xf32, #tpu.memory_space<hbm>>
        %dma_wait3A_188 = arith.constant 0 : i32
        %dma_wait3A_189 = tpu.memref_slice %arg15[%mul3A_178, %dma_wait3A_188] : memref<10000x128xf32, #tpu.memory_space<vmem_shared>> -> memref<200x128xf32, #tpu.memory_space<vmem_shared>>
        tpu.wait_dma2 semaphore(%run_scoped3A : memref<!tpu.dma_semaphore, #tpu.memory_space<semaphore_mem>>) src(%dma_wait3A_189 : memref<200x128xf32, #tpu.memory_space<vmem_shared>>) dst(%dma_wait3A_187 : memref<200x128xf32, #tpu.memory_space<hbm>>)
        tpu.yield
      }) : () -> ()
    } else {
    }
    %add3A_156 = arith.constant 16 : i32
    %add3A_157 = arith.addi %add3A_156, %arg1 : i32
    %lt3A_158 = arith.constant 50 : i32
    %lt3A_159 = arith.cmpi slt, %add3A_157, %lt3A_158 : i32
    %convert_element_type3A_160 = arith.extui %lt3A_159 : i1 to i32
    %cond3A_161 = arith.constant 0 : i32
    %cond3A_162 = arith.cmpi ne, %convert_element_type3A_160, %cond3A_161 : i32
    scf.if %cond3A_162 {
      %mul3A = arith.constant 200 : i32
      %mul3A_178 = arith.muli %add3A_157, %mul3A : i32
      %mul3A_179 = arith.constant 10000 : i32
      %mul3A_180 = arith.muli %arg0, %mul3A_179 : i32
      %mul3A_181 = arith.constant 200 : i32
      %mul3A_182 = arith.muli %add3A_157, %mul3A_181 : i32
      %add3A_183 = arith.addi %mul3A_180, %mul3A_182 : i32
      "tpu.region"() ({
        %run_scoped3A = tpu.sem_alloc : memref<!tpu.dma_semaphore, #tpu.memory_space<semaphore_mem>>
        %dma_start3A = arith.constant 0 : i32
        %dma_start3A_184 = tpu.memref_slice %arg8[%add3A_183, %dma_start3A] : memref<20000x128xf32, #tpu.memory_space<hbm>> -> memref<200x128xf32, #tpu.memory_space<hbm>>
        %dma_start3A_185 = arith.constant 0 : i32
        %dma_start3A_186 = tpu.memref_slice %arg15[%mul3A_178, %dma_start3A_185] : memref<10000x128xf32, #tpu.memory_space<vmem_shared>> -> memref<200x128xf32, #tpu.memory_space<vmem_shared>>
        tpu.enqueue_dma source(%dma_start3A_186 : memref<200x128xf32, #tpu.memory_space<vmem_shared>>) target(%dma_start3A_184 : memref<200x128xf32, #tpu.memory_space<hbm>>) target_semaphore(%run_scoped3A : memref<!tpu.dma_semaphore, #tpu.memory_space<semaphore_mem>>)
        %dma_wait3A = arith.constant 0 : i32
        %dma_wait3A_187 = tpu.memref_slice %arg8[%add3A_183, %dma_wait3A] : memref<20000x128xf32, #tpu.memory_space<hbm>> -> memref<200x128xf32, #tpu.memory_space<hbm>>
        %dma_wait3A_188 = arith.constant 0 : i32
        %dma_wait3A_189 = tpu.memref_slice %arg15[%mul3A_178, %dma_wait3A_188] : memref<10000x128xf32, #tpu.memory_space<vmem_shared>> -> memref<200x128xf32, #tpu.memory_space<vmem_shared>>
        tpu.wait_dma2 semaphore(%run_scoped3A : memref<!tpu.dma_semaphore, #tpu.memory_space<semaphore_mem>>) src(%dma_wait3A_189 : memref<200x128xf32, #tpu.memory_space<vmem_shared>>) dst(%dma_wait3A_187 : memref<200x128xf32, #tpu.memory_space<hbm>>)
        tpu.yield
      }) : () -> ()
    } else {
    }
    %add3A_163 = arith.constant 32 : i32
    %add3A_164 = arith.addi %add3A_163, %arg1 : i32
    %lt3A_165 = arith.constant 50 : i32
    %lt3A_166 = arith.cmpi slt, %add3A_164, %lt3A_165 : i32
    %convert_element_type3A_167 = arith.extui %lt3A_166 : i1 to i32
    %cond3A_168 = arith.constant 0 : i32
    %cond3A_169 = arith.cmpi ne, %convert_element_type3A_167, %cond3A_168 : i32
    scf.if %cond3A_169 {
      %mul3A = arith.constant 200 : i32
      %mul3A_178 = arith.muli %add3A_164, %mul3A : i32
      %mul3A_179 = arith.constant 10000 : i32
      %mul3A_180 = arith.muli %arg0, %mul3A_179 : i32
      %mul3A_181 = arith.constant 200 : i32
      %mul3A_182 = arith.muli %add3A_164, %mul3A_181 : i32
      %add3A_183 = arith.addi %mul3A_180, %mul3A_182 : i32
      "tpu.region"() ({
        %run_scoped3A = tpu.sem_alloc : memref<!tpu.dma_semaphore, #tpu.memory_space<semaphore_mem>>
        %dma_start3A = arith.constant 0 : i32
        %dma_start3A_184 = tpu.memref_slice %arg8[%add3A_183, %dma_start3A] : memref<20000x128xf32, #tpu.memory_space<hbm>> -> memref<200x128xf32, #tpu.memory_space<hbm>>
        %dma_start3A_185 = arith.constant 0 : i32
        %dma_start3A_186 = tpu.memref_slice %arg15[%mul3A_178, %dma_start3A_185] : memref<10000x128xf32, #tpu.memory_space<vmem_shared>> -> memref<200x128xf32, #tpu.memory_space<vmem_shared>>
        tpu.enqueue_dma source(%dma_start3A_186 : memref<200x128xf32, #tpu.memory_space<vmem_shared>>) target(%dma_start3A_184 : memref<200x128xf32, #tpu.memory_space<hbm>>) target_semaphore(%run_scoped3A : memref<!tpu.dma_semaphore, #tpu.memory_space<semaphore_mem>>)
        %dma_wait3A = arith.constant 0 : i32
        %dma_wait3A_187 = tpu.memref_slice %arg8[%add3A_183, %dma_wait3A] : memref<20000x128xf32, #tpu.memory_space<hbm>> -> memref<200x128xf32, #tpu.memory_space<hbm>>
        %dma_wait3A_188 = arith.constant 0 : i32
        %dma_wait3A_189 = tpu.memref_slice %arg15[%mul3A_178, %dma_wait3A_188] : memref<10000x128xf32, #tpu.memory_space<vmem_shared>> -> memref<200x128xf32, #tpu.memory_space<vmem_shared>>
        tpu.wait_dma2 semaphore(%run_scoped3A : memref<!tpu.dma_semaphore, #tpu.memory_space<semaphore_mem>>) src(%dma_wait3A_189 : memref<200x128xf32, #tpu.memory_space<vmem_shared>>) dst(%dma_wait3A_187 : memref<200x128xf32, #tpu.memory_space<hbm>>)
        tpu.yield
      }) : () -> ()
    } else {
    }
    %add3A_170 = arith.constant 48 : i32
    %add3A_171 = arith.addi %add3A_170, %arg1 : i32
    %lt3A_172 = arith.constant 50 : i32
    %lt3A_173 = arith.cmpi slt, %add3A_171, %lt3A_172 : i32
    %convert_element_type3A_174 = arith.extui %lt3A_173 : i1 to i32
    %cond3A_175 = arith.constant 0 : i32
    %cond3A_176 = arith.cmpi ne, %convert_element_type3A_174, %cond3A_175 : i32
    scf.if %cond3A_176 {
      %mul3A = arith.constant 200 : i32
      %mul3A_178 = arith.muli %add3A_171, %mul3A : i32
      %mul3A_179 = arith.constant 10000 : i32
      %mul3A_180 = arith.muli %arg0, %mul3A_179 : i32
      %mul3A_181 = arith.constant 200 : i32
      %mul3A_182 = arith.muli %add3A_171, %mul3A_181 : i32
      %add3A_183 = arith.addi %mul3A_180, %mul3A_182 : i32
      "tpu.region"() ({
        %run_scoped3A = tpu.sem_alloc : memref<!tpu.dma_semaphore, #tpu.memory_space<semaphore_mem>>
        %dma_start3A = arith.constant 0 : i32
        %dma_start3A_184 = tpu.memref_slice %arg8[%add3A_183, %dma_start3A] : memref<20000x128xf32, #tpu.memory_space<hbm>> -> memref<200x128xf32, #tpu.memory_space<hbm>>
        %dma_start3A_185 = arith.constant 0 : i32
        %dma_start3A_186 = tpu.memref_slice %arg15[%mul3A_178, %dma_start3A_185] : memref<10000x128xf32, #tpu.memory_space<vmem_shared>> -> memref<200x128xf32, #tpu.memory_space<vmem_shared>>
        tpu.enqueue_dma source(%dma_start3A_186 : memref<200x128xf32, #tpu.memory_space<vmem_shared>>) target(%dma_start3A_184 : memref<200x128xf32, #tpu.memory_space<hbm>>) target_semaphore(%run_scoped3A : memref<!tpu.dma_semaphore, #tpu.memory_space<semaphore_mem>>)
        %dma_wait3A = arith.constant 0 : i32
        %dma_wait3A_187 = tpu.memref_slice %arg8[%add3A_183, %dma_wait3A] : memref<20000x128xf32, #tpu.memory_space<hbm>> -> memref<200x128xf32, #tpu.memory_space<hbm>>
        %dma_wait3A_188 = arith.constant 0 : i32
        %dma_wait3A_189 = tpu.memref_slice %arg15[%mul3A_178, %dma_wait3A_188] : memref<10000x128xf32, #tpu.memory_space<vmem_shared>> -> memref<200x128xf32, #tpu.memory_space<vmem_shared>>
        tpu.wait_dma2 semaphore(%run_scoped3A : memref<!tpu.dma_semaphore, #tpu.memory_space<semaphore_mem>>) src(%dma_wait3A_189 : memref<200x128xf32, #tpu.memory_space<vmem_shared>>) dst(%dma_wait3A_187 : memref<200x128xf32, #tpu.memory_space<hbm>>)
        tpu.yield
      }) : () -> ()
    } else {
    }
    %barrier3A_177 = arith.constant 0 : index
    tpu.barrier barrier_id(%barrier3A_177)
    return
  }
}

module attributes {stable_mosaic.version = 14 : i64} {
  func.func @_combine_body(%arg0: i32, %arg1: memref<4x256xf32, #tpu.memory_space<vmem>>, %arg2: memref<1000x128xf32, #tpu.memory_space<vmem>>, %arg3: memref<1000x128xf32, #tpu.memory_space<vmem>>, %arg4: memref<1000x128xf32, #tpu.memory_space<vmem>>, %arg5: memref<1000x128xf32, #tpu.memory_space<vmem>>, %arg6: memref<1000x128xf32, #tpu.memory_space<vmem>>, %arg7: memref<1000x128xf32, #tpu.memory_space<vmem>>, %arg8: memref<1000x256xf32, #tpu.memory_space<vmem>>) attributes {dimension_semantics = [#tpu.dimension_semantics<arbitrary>], iteration_bounds = array<i64: 10>, scalar_prefetch = 0 : i64, scratch_operands = 0 : i64, tpu.core_type = #tpu.core_type<tc>, window_params = [{pipeline_mode = #tpu.pipeline_mode<synchronous>, transform_indices = @transform_0, window_bounds = array<i64: 4, 256>}, {transform_indices = @transform_1, window_bounds = array<i64: 1000, 128>}, {transform_indices = @transform_2, window_bounds = array<i64: 1000, 128>}, {transform_indices = @transform_3, window_bounds = array<i64: 1000, 128>}, {transform_indices = @transform_4, window_bounds = array<i64: 1000, 128>}, {transform_indices = @transform_5, window_bounds = array<i64: 1000, 128>}, {transform_indices = @transform_6, window_bounds = array<i64: 1000, 128>}, {transform_indices = @transform_7, window_bounds = array<i64: 1000, 256>}]} {
    %get3A = arith.constant 0 : index
    %get3A_0 = arith.constant 0 : index
    %get3A_1 = vector.load %arg1[%get3A, %get3A_0] : memref<4x256xf32, #tpu.memory_space<vmem>>, vector<4x256xf32>
    %tanh3A = math.tanh %get3A_1 : vector<4x256xf32>
    %mul3A = arith.constant 1.000000e+00 : f32
    %mul3A_2 = vector.broadcast %mul3A : f32 to vector<4x256xf32>
    %mul3A_3 = arith.mulf %tanh3A, %mul3A_2 : vector<4x256xf32>
    %slice3A = vector.extract_strided_slice %mul3A_3 {offsets = [0, 0], sizes = [1, 256], strides = [1, 1]} : vector<4x256xf32> to vector<1x256xf32>
    %slice3A_4 = vector.extract_strided_slice %mul3A_3 {offsets = [1, 0], sizes = [1, 256], strides = [1, 1]} : vector<4x256xf32> to vector<1x256xf32>
    %mul3A_5 = arith.mulf %slice3A, %slice3A_4 : vector<1x256xf32>
    %slice3A_6 = vector.extract_strided_slice %mul3A_3 {offsets = [2, 0], sizes = [1, 256], strides = [1, 1]} : vector<4x256xf32> to vector<1x256xf32>
    %mul3A_7 = arith.mulf %mul3A_5, %slice3A_6 : vector<1x256xf32>
    %slice3A_8 = vector.extract_strided_slice %mul3A_3 {offsets = [3, 0], sizes = [1, 256], strides = [1, 1]} : vector<4x256xf32> to vector<1x256xf32>
    %mul3A_9 = arith.mulf %mul3A_7, %slice3A_8 : vector<1x256xf32>
    %mul3A_10 = arith.constant 2.000000e+00 : f32
    %mul3A_11 = vector.broadcast %mul3A_10 : f32 to vector<1x256xf32>
    %mul3A_12 = arith.mulf %mul3A_11, %mul3A_5 : vector<1x256xf32>
    %add3A = arith.addf %slice3A, %mul3A_12 : vector<1x256xf32>
    %mul3A_13 = arith.constant -7.500000e-01 : f32
    %mul3A_14 = vector.broadcast %mul3A_13 : f32 to vector<1x256xf32>
    %mul3A_15 = arith.mulf %mul3A_14, %mul3A_7 : vector<1x256xf32>
    %add3A_16 = arith.addf %add3A, %mul3A_15 : vector<1x256xf32>
    %mul3A_17 = arith.constant -1.600000e+00 : f32
    %mul3A_18 = vector.broadcast %mul3A_17 : f32 to vector<1x256xf32>
    %mul3A_19 = arith.mulf %mul3A_18, %mul3A_9 : vector<1x256xf32>
    %add3A_20 = arith.addf %add3A_16, %mul3A_19 : vector<1x256xf32>
    %mul3A_21 = arith.constant 3.750000e+00 : f32
    %mul3A_22 = vector.broadcast %mul3A_21 : f32 to vector<1x256xf32>
    %mul3A_23 = arith.mulf %mul3A_22, %mul3A_7 : vector<1x256xf32>
    %mul3A_24 = arith.constant -1.400000e+00 : f32
    %mul3A_25 = vector.broadcast %mul3A_24 : f32 to vector<1x256xf32>
    %mul3A_26 = arith.mulf %mul3A_25, %mul3A_9 : vector<1x256xf32>
    %add3A_27 = arith.addf %mul3A_23, %mul3A_26 : vector<1x256xf32>
    %mul3A_28 = arith.constant 7.000000e+00 : f32
    %mul3A_29 = vector.broadcast %mul3A_28 : f32 to vector<1x256xf32>
    %mul3A_30 = arith.mulf %mul3A_29, %mul3A_9 : vector<1x256xf32>
    %slice3A_31 = vector.extract_strided_slice %add3A_20 {offsets = [0, 0], sizes = [1, 128], strides = [1, 1]} : vector<1x256xf32> to vector<1x128xf32>
    %get3A_32 = arith.constant 0 : index
    %get3A_33 = arith.constant 0 : index
    %get3A_34 = vector.load %arg2[%get3A_32, %get3A_33] : memref<1000x128xf32, #tpu.memory_space<vmem>>, vector<1000x128xf32>
    %mul3A_35 = vector.broadcast %slice3A_31 : vector<1x128xf32> to vector<1000x128xf32>
    %mul3A_36 = arith.mulf %mul3A_35, %get3A_34 : vector<1000x128xf32>
    %slice3A_37 = vector.extract_strided_slice %add3A_27 {offsets = [0, 0], sizes = [1, 128], strides = [1, 1]} : vector<1x256xf32> to vector<1x128xf32>
    %get3A_38 = arith.constant 0 : index
    %get3A_39 = arith.constant 0 : index
    %get3A_40 = vector.load %arg4[%get3A_38, %get3A_39] : memref<1000x128xf32, #tpu.memory_space<vmem>>, vector<1000x128xf32>
    %mul3A_41 = vector.broadcast %slice3A_37 : vector<1x128xf32> to vector<1000x128xf32>
    %mul3A_42 = arith.mulf %mul3A_41, %get3A_40 : vector<1000x128xf32>
    %add3A_43 = arith.addf %mul3A_36, %mul3A_42 : vector<1000x128xf32>
    %slice3A_44 = vector.extract_strided_slice %mul3A_30 {offsets = [0, 0], sizes = [1, 128], strides = [1, 1]} : vector<1x256xf32> to vector<1x128xf32>
    %get3A_45 = arith.constant 0 : index
    %get3A_46 = arith.constant 0 : index
    %get3A_47 = vector.load %arg6[%get3A_45, %get3A_46] : memref<1000x128xf32, #tpu.memory_space<vmem>>, vector<1000x128xf32>
    %mul3A_48 = vector.broadcast %slice3A_44 : vector<1x128xf32> to vector<1000x128xf32>
    %mul3A_49 = arith.mulf %mul3A_48, %get3A_47 : vector<1000x128xf32>
    %add3A_50 = arith.addf %add3A_43, %mul3A_49 : vector<1000x128xf32>
    %swap3A = arith.constant 0 : index
    %swap3A_51 = arith.constant 0 : index
    %swap3A_52 = vector.load %arg8[%swap3A, %swap3A_51] : memref<1000x256xf32, #tpu.memory_space<vmem>>, vector<1000x128xf32>
    tpu.vector_store %arg8[%swap3A, %swap3A_51], %add3A_50 {strides = array<i32>} : memref<1000x256xf32, #tpu.memory_space<vmem>>, vector<1000x128xf32>,
    %slice3A_53 = vector.extract_strided_slice %add3A_20 {offsets = [0, 128], sizes = [1, 128], strides = [1, 1]} : vector<1x256xf32> to vector<1x128xf32>
    %get3A_54 = arith.constant 0 : index
    %get3A_55 = arith.constant 0 : index
    %get3A_56 = vector.load %arg3[%get3A_54, %get3A_55] : memref<1000x128xf32, #tpu.memory_space<vmem>>, vector<1000x128xf32>
    %mul3A_57 = vector.broadcast %slice3A_53 : vector<1x128xf32> to vector<1000x128xf32>
    %mul3A_58 = arith.mulf %mul3A_57, %get3A_56 : vector<1000x128xf32>
    %slice3A_59 = vector.extract_strided_slice %add3A_27 {offsets = [0, 128], sizes = [1, 128], strides = [1, 1]} : vector<1x256xf32> to vector<1x128xf32>
    %get3A_60 = arith.constant 0 : index
    %get3A_61 = arith.constant 0 : index
    %get3A_62 = vector.load %arg5[%get3A_60, %get3A_61] : memref<1000x128xf32, #tpu.memory_space<vmem>>, vector<1000x128xf32>
    %mul3A_63 = vector.broadcast %slice3A_59 : vector<1x128xf32> to vector<1000x128xf32>
    %mul3A_64 = arith.mulf %mul3A_63, %get3A_62 : vector<1000x128xf32>
    %add3A_65 = arith.addf %mul3A_58, %mul3A_64 : vector<1000x128xf32>
    %slice3A_66 = vector.extract_strided_slice %mul3A_30 {offsets = [0, 128], sizes = [1, 128], strides = [1, 1]} : vector<1x256xf32> to vector<1x128xf32>
    %get3A_67 = arith.constant 0 : index
    %get3A_68 = arith.constant 0 : index
    %get3A_69 = vector.load %arg7[%get3A_67, %get3A_68] : memref<1000x128xf32, #tpu.memory_space<vmem>>, vector<1000x128xf32>
    %mul3A_70 = vector.broadcast %slice3A_66 : vector<1x128xf32> to vector<1000x128xf32>
    %mul3A_71 = arith.mulf %mul3A_70, %get3A_69 : vector<1000x128xf32>
    %add3A_72 = arith.addf %add3A_65, %mul3A_71 : vector<1000x128xf32>
    %swap3A_73 = arith.constant 0 : index
    %swap3A_74 = arith.constant 128 : index
    %swap3A_75 = vector.load %arg8[%swap3A_73, %swap3A_74] : memref<1000x256xf32, #tpu.memory_space<vmem>>, vector<1000x128xf32>
    tpu.vector_store %arg8[%swap3A_73, %swap3A_74], %add3A_72 {strides = array<i32>} : memref<1000x256xf32, #tpu.memory_space<vmem>>, vector<1000x128xf32>,
    return
  }
  func.func @transform_0(%arg0: i32) -> (i32, i32) {
    %c0_i32 = arith.constant 0 : i32
    %c0_i32_0 = arith.constant 0 : i32
    %c0_i32_1 = arith.constant 0 : i32
    return %c0_i32, %c0_i32_0 : i32, i32
  }
  func.func @transform_1(%arg0: i32) -> (i32, i32) {
    %c0_i32 = arith.constant 0 : i32
    %c0_i32_0 = arith.constant 0 : i32
    return %arg0, %c0_i32 : i32, i32
  }
  func.func @transform_2(%arg0: i32) -> (i32, i32) {
    %add3A = arith.constant 10 : i32
    %add3A_0 = arith.addi %arg0, %add3A : i32
    %c0_i32 = arith.constant 0 : i32
    %c0_i32_1 = arith.constant 0 : i32
    return %add3A_0, %c0_i32 : i32, i32
  }
  func.func @transform_3(%arg0: i32) -> (i32, i32) {
    %c0_i32 = arith.constant 0 : i32
    %c0_i32_0 = arith.constant 0 : i32
    return %arg0, %c0_i32 : i32, i32
  }
  func.func @transform_4(%arg0: i32) -> (i32, i32) {
    %add3A = arith.constant 10 : i32
    %add3A_0 = arith.addi %arg0, %add3A : i32
    %c0_i32 = arith.constant 0 : i32
    %c0_i32_1 = arith.constant 0 : i32
    return %add3A_0, %c0_i32 : i32, i32
  }
  func.func @transform_5(%arg0: i32) -> (i32, i32) {
    %c0_i32 = arith.constant 0 : i32
    %c0_i32_0 = arith.constant 0 : i32
    return %arg0, %c0_i32 : i32, i32
  }
  func.func @transform_6(%arg0: i32) -> (i32, i32) {
    %add3A = arith.constant 10 : i32
    %add3A_0 = arith.addi %arg0, %add3A : i32
    %c0_i32 = arith.constant 0 : i32
    %c0_i32_1 = arith.constant 0 : i32
    return %add3A_0, %c0_i32 : i32, i32
  }
  func.func @transform_7(%arg0: i32) -> (i32, i32) {
    %c0_i32 = arith.constant 0 : i32
    %c0_i32_0 = arith.constant 0 : i32
    return %arg0, %c0_i32 : i32, i32
  }
}

</mosaic_0001>

<sc_bundles>
// kernel: kernel.4.cloned.1.call-start
scs
__scs_entry_jumppad:
0x0: {  	(pc) =	sbr.rel $0x88, $3  }
0x1: {  	(tag) =	ssettag $0x0;
	lr =	simm.s32 $0x1  }
0x2: {  	[smem:$0x3F9D] =	sst lr;
	_ =	strace $0xD0000000  }
0x3: {  	_ = 	snop  }
0x4: {  	_ = 	snop  }
0x5: {  	_ = 	snop  }
0x6: {  	_ = 	snop  }
0x7: {  	_ = 	snop  }
__scs_overlays_trampoline_lowered:
0x8: {  	[smem:$0x3FAC] =	sst s0  }
0x9: {  	[smem:$0x3FAD] =	sst s1  }
0xa: {  	[smem:$0x3FAE] =	sst s2  }
0xb: {  	[smem:$0x3FAF] =	sst s3  }
0xc: {  	[smem:$0x3FB0] =	sst s4  }
0xd: {  	[smem:$0x3FB1] =	sst s5  }
0xe: {  	[smem:$0x3FB2] =	sst s6  }
0xf: {  	[smem:$0x3FB3] =	sst s7  }
0x10: {  	[smem:$0x3FB4] =	sst s8  }
0x11: {  	[smem:$0x3FB5] =	sst s9;
	s0 =	simm.s32 @!p0 $0x0  }
0x12: {  	s1 =	sld [smem:$0x3F9B];
	s0 =	simm.s32 @p0 $0x1  }
0x13: {  	[smem:$0x3FB6] =	sst s0;
	s0 =	simm.s32 @!p1 $0x0  }
0x14: {  	s2 =	sld [smem:$0x3F9A];
	s0 =	simm.s32 @p1 $0x1  }
0x15: {  	[smem:$0x3FB7] =	sst s0;
	s0 =	simm.s32 @!p2 $0x0  }
0x16: {  	s3 =	sld [smem:$0x3FDB];
	s0 =	simm.s32 @p2 $0x1  }
0x17: {  	s4 =	simm.s32 $0x1BF5;
	[smem:$0x3FB9] =	sst s0  }
0x18: {  	s0 =	sld [smem:$0x3F9C];
	_ =	swait.ge [sflag:s4], $0x0  }
0x19: {  	s7 =	sld [smem:$0x3F9D]  }
0x1a: {  	s8 =	sadd.s32 $0xFFFFE003, lr  }
0x1b: {  	s9 =	sadd.s32 $0xFFFFFEF7, lr;
	s5 =	simm.s32 $0xFFFFFFFF;
	p2 =	slt.u32 s8, $0xFFFFF086  }
0x1c: {  	p1 =	slt.u32 s9, $0xF7A;
	s5 =	simm.s32 @!p2 $0x0  }
0x1d: {  	s5 =	simm.s32 @p1 $0x1;
	p0 =	seq.s32 s7, s2  }
0x1e: {  	s7 =	smul.u32 @!p0 $0xF7A, s2;
	p2 =	seq.s32 @!p0 s5, $0x0  }
0x1f: {  	s9 =	smul.u32 $0xF7A, s1;
	s8 =	simm.s32 @!p0 $0x1BF5;
	p2 =	por !p2, p0  }
0x20: {  	[sflag:s8] =	ssyncset.s32 @!p0 $0xFFFFF086;
	s6 =	sadd.s32 @!p0 s3, s7;
	s7 =	simm.s32 @!p0 $0x108  }
0x21: {  	s3 =	sadd.s32 s3, s9;
	s6 =	sadd.s32 @!p0 $0x88, s6;
	s7 =	simm.s32 @p2 $0x1082  }
0x22: {  	[simem:s7], [sflag:s8] =	dma.local @!p0 [hbm:s6], $0xF7A  }
0x23: {  	s9 =	sor.u32 $0xD0000000, s2;
	s6 =	simm.s32 $0x108;
	_ =	swait.ge @!p0 [sflag:s8], $0x0  }
0x24: {  	s3 =	sadd.s32 $0x88, s3;
	s6 =	simm.s32 @!p1 $0x1082;
	[sflag:s4] =	ssyncset.s32 $0xFFFFF086  }
0x25: {  	[simem:s6], [sflag:s4] =	dma.local [hbm:s3], $0xF7A  }
0x26: {  	[smem:$0x3F9D] =	sst s1;
	(tag) =	ssettag s2;
	_ =	strace s9  }
0x27: {  	s1 =	sld [smem:$0x3FAD]  }
0x28: {  	s2 =	sld [smem:$0x3FAE]  }
0x29: {  	s4 =	sld [smem:$0x3FB0]  }
0x2a: {  	p0 =	seq.s32 s5, $0x0;
	s5 =	sld [smem:$0x3FB1]  }
0x2b: {  	s6 =	sld [smem:$0x3FB2]  }
0x2c: {  	s7 =	sld [smem:$0x3FB3]  }
0x2d: {  	s3 =	simm.s32 $0x108;
	s8 =	sld [smem:$0x3FB4]  }
0x2e: {  	s3 =	simm.s32 @!p0 $0x1082;
	s9 =	sld [smem:$0x3FB5]  }
0x2f: {  	lr =	sadd.s32 s0, s3;
	s0 =	sld [smem:$0x3FAC]  }
0x30: {  	s3 =	sld [smem:$0x3FAF]  }
0x31: {  	[smem:$0x3FB8] =	sst s10  }
0x32: {  	s10 =	sld [smem:$0x3FB6];
	_ =	sdelay $0x3  }
0x33: {  	p0 =	seq.s32 s10, $0x1;
	s10 =	sld [smem:$0x3FB8];
	_ =	sdelay $0x3  }
0x34: {  	[smem:$0x3FB8] =	sst s10  }
0x35: {  	s10 =	sld [smem:$0x3FB7];
	_ =	sdelay $0x3  }
0x36: {  	p1 =	seq.s32 s10, $0x1;
	s10 =	sld [smem:$0x3FB8];
	_ =	sdelay $0x3  }
0x37: {  	[smem:$0x3FB8] =	sst s10  }
0x38: {  	s10 =	sld [smem:$0x3FB9]  }
0x39: {  	_ = 	snop;
	(pc) =	sbr.ind lr, $3  }
0x3a: {  	_ = 	snop  }
0x3b: {  	_ = 	snop  }
0x3c: {  	p2 =	seq.s32 s10, $0x1;
	s10 =	sld [smem:$0x3FB8]  }
0x3d: {  	_ =	shalt  }
0x3e: {  	_ =	shalt  }
0x3f: {  	_ =	shalt  }
0x40: {  	_ =	shalt  }
0x41: {  	_ =	shalt  }
0x42: {  	_ =	shalt  }
0x43: {  	_ =	shalt  }
0x44: {  	_ =	shalt  }
0x45: {  	_ =	shalt  }
0x46: {  	_ =	shalt  }
0x47: {  	_ =	shalt  }
0x48: {  	_ =	shalt  }
0x49: {  	_ =	shalt  }
0x4a: {  	_ =	shalt  }
0x4b: {  	_ =	shalt  }
0x4c: {  	_ =	shalt  }
0x4d: {  	_ =	shalt  }
0x4e: {  	_ =	shalt  }
0x4f: {  	_ =	shalt  }
0x50: {  	_ =	shalt  }
0x51: {  	_ =	shalt  }
0x52: {  	_ =	shalt  }
0x53: {  	_ =	shalt  }
0x54: {  	_ =	shalt  }
0x55: {  	_ =	shalt  }
0x56: {  	_ =	shalt  }
0x57: {  	_ =	shalt  }
0x58: {  	_ =	shalt  }
0x59: {  	_ =	shalt  }
0x5a: {  	_ =	shalt  }
0x5b: {  	_ =	shalt  }
0x5c: {  	_ =	shalt  }
0x5d: {  	_ =	shalt  }
0x5e: {  	_ =	shalt  }
0x5f: {  	_ =	shalt  }
0x60: {  	_ =	shalt  }
0x61: {  	_ =	shalt  }
0x62: {  	_ =	shalt  }
0x63: {  	_ =	shalt  }
0x64: {  	_ =	shalt  }
0x65: {  	_ =	shalt  }
0x66: {  	_ =	shalt  }
0x67: {  	_ =	shalt  }
0x68: {  	_ =	shalt  }
0x69: {  	_ =	shalt  }
0x6a: {  	_ =	shalt  }
0x6b: {  	_ =	shalt  }
0x6c: {  	_ =	shalt  }
0x6d: {  	_ =	shalt  }
0x6e: {  	_ =	shalt  }
0x6f: {  	_ =	shalt  }
0x70: {  	_ =	shalt  }
0x71: {  	_ =	shalt  }
0x72: {  	_ =	shalt  }
0x73: {  	_ =	shalt  }
0x74: {  	_ =	shalt  }
0x75: {  	_ =	shalt  }
0x76: {  	_ =	shalt  }
0x77: {  	_ =	shalt  }
0x78: {  	_ =	shalt  }
0x79: {  	_ =	shalt  }
0x7a: {  	_ =	shalt  }
0x7b: {  	_ =	shalt  }
0x7c: {  	_ =	shalt  }
0x7d: {  	_ =	shalt  }
0x7e: {  	_ =	shalt  }
0x7f: {  	_ =	shalt  }
0x80: {  	_ =	shalt  }
0x81: {  	_ =	shalt  }
0x82: {  	_ =	shalt  }
0x83: {  	_ =	shalt  }
0x84: {  	_ =	shalt  }
0x85: {  	_ =	shalt  }
0x86: {  	_ =	shalt  }
0x87: {  	_ =	shalt  }
.Lfunc_end0:
.L_simem_size_0:
called_computation_lowered:
.L_overlay_start_0:
0x88: {  	s2 =	sld [smem:$0x3FD9]  }
0x89: {  	s3 =	sld [smem:$0x3FFE];
	_ =	sdelay $0x1  }
0x8a: {  	s1 =	srdreg.scid  }
0x8b: {  	s0 =	sand.u32 $0x1, s1  }
0x8c: {  	s17 =	sshll.u32 s0, $0xA;
	s2 =	sadd.s32 s3, s2  }
0x8d: {  	s2 =	sadd.s32 s2, s17  }
0x8e: {  	[smem:$0x3FC4] =	sst s2  }
0x8f: {  	_ = 	snop  }
0x90: {  	s2 =	sld [smem:$0x3FD0];
	(tm) =	ssettm $0x1  }
0x91: {  	s18 =	sld [smem:$0x3FFB];
	_ =	sdelay $0x3  }
0x92: {  	_ =	strace s18  }
0x93: {  	s3 =	sld [smem:$0x3FFC];
	_ =	sdelay $0x3  }
0x94: {  	_ =	strace s3  }
0x95: {  	s3 =	sld [smem:$0x3FFD];
	_ =	sdelay $0x3  }
0x96: {  	_ =	strace s3  }
0x97: {  	_ =	strace $0x8FFFFFFF  }
0x98: {  	s19 =	sld [smem:$0x3FDB];
	_ =	sdelay $0x1  }
0x99: {  	s4 =	simm.s32 $_scs_section_size  }
0x9a: {  	s5 =	simm.s32 $_size__tile_overlayer_lowered;
	s6 =	simm.s32 $_tile_overlayer_lowered  }
0x9b: {  	s22 =	simm.s32 $0x1BFF;
	s21 =	sshll.u32 s6, $0x1;
	s3 =	sadd.s32 s4, s19  }
0x9c: {  	s7 =	simm.s32 $0x0;
	s20 =	sshll.u32 s5, $0x1;
	s5 =	sadd.s32 s21, s3  }
0x9d: {  	[timem:s7], [sflag:s22] =	dma.local [hbm:s5], s20  }
0x9e: {  	_ =	swait.ge [sflag:s22], s20  }
0x9f: {  	s4 =	ssub.s32 $0x0, s20;
	[sflag:s22] =	ssyncset.done $0x0  }
0xa0: {  	[sflag:s22] =	ssyncadd.s32 s4;
	_ =	sdelay $0x1  }
0xa1: {  	s23 =	simm.s32 $0x1B8B  }
0xa2: {  	_ =	swait.ge [sflag:s23], $0x1  }
0xa3: {  	[sflag:s23] =	ssyncset.done $0x0  }
0xa4: {  	s25 =	simm.s32 $0x1B8E;
	s24 =	sld [smem:$0x3FFE];
	[sflag:s23] =	ssyncadd.s32 $0xFFFFFFFF  }
0xa5: {  	s26 =	simm.s32 $execute0_lowered;
	[smem:$0x3FD2] =	sst s25  }
0xa6: {  	s5 =	sshll.u32 s26, $0x1;
	_ =	strace $0x80000046;
	[dreg:$0x1] =	wrdreg $0xFFFFFFFF  }
0xa7: {  	s28 =	simm.s32 $_size_execute0_lowered;
	s3 =	sadd.s32 s3, s5;
	[dreg:$0x0] =	wrdreg $0x0  }
0xa8: {  	s5 =	sshll.u32 s28, $0x1;
	[dreg:$0x2] =	wrdreg s3  }
0xa9: {  	[dreg:$0x3] =	wrdreg s5  }
0xaa: {  	[dreg:$0x4] =	wrdreg $0xC0  }
0xab: {  	_ =	task [dreg:s7], $0x5FFFF  }
0xac: {  	[dreg:$0x1] =	wrdreg $0xFFFFFFFF  }
0xad: {  	[dreg:$0x0] =	wrdreg $0x60  }
0xae: {  	[dreg:$0x2] =	wrdreg s24  }
0xaf: {  	[dreg:$0x3] =	wrdreg s2  }
0xb0: {  	[dreg:$0x4] =	wrdreg $0xC0000  }
0xb1: {  	[dreg:$0x5] =	wrdreg $0x9  }
0xb2: {  	_ =	task.clear_ibuf [dreg:s7], $0x6FFFF;
	_ =	strace $0x90000046  }
0xb3: {  	s29 =	simm.s32 $0x9;
	_ =	strace $0x80000048  }
0xb4: {  	_ =	swait.ge [sflag:s29], $0x1  }
0xb5: {  	[sflag:s29] =	ssyncadd.s32 $0xFFFFFFFF  }
0xb6: {  	_ =	strace $0x90000048  }
0xb7: {  	_ =	sfence  }
0xb8: {  	s30 =	sld [smem:$0x0];
	_ =	sdelay $0x2  }
0xb9: {  	s31 =	sshll.u32 s1, $0xD;
	s1 =	sshrl.u32 s1, $0x2  }
0xba: {  	s3 =	sand.u32 $0x4000, s31;
	s1 =	sadd.s32 s1, s30  }
0xbb: {  	s0 =	sor.u32 s3, s0;
	s1 =	sshll.u32 s1, $0x11  }
0xbc: {  	s0 =	sor.u32 s1, s0  }
0xbd: {  	s0 =	sadd.s32 $0x8F2B, s0  }
0xbe: {  	[sflag:s0] =	ssyncadd.remote.s32 $0x1  }
0xbf: {  	_ =	sfence.sel $0xFFFF  }
0xc0: {  	[dreg:$0x0] =	wrdreg $0xFFFFFFFF;
	(pc) =	sbr.abs _section_cstart, $3  }
0xc1: {  	[dreg:$0x1] =	wrdreg $0xFFFFFFFF  }
0xc2: {  	_ =	task.clear_ibuf [dreg:s7], $0x2FFFF;
	_ =	strace $0x9FFFFFFF  }
0xc3: {  	(tm) =	ssettm $0x7FFFFFFF  }
tec
execute0_lowered:
.L_overlay_start_1:
0x0: {  	(tag) =	ssettag $0x1  }
0x1: {  	s0 =	rddreg [dreg:$0x0]  }
0x2: {  	s1 =	rddreg [dreg:$0x1]  }
0x3: {  	s2 =	rddreg [dreg:$0x2];
	s29 =	simm.s32 $0x0;
	s21 =	stileid.u32  }
0x4: {  	s8 =	srdreg.scid;
	s31 =	smul.u32 $0xA000, s21;
	s4 =	sor.u32 $0x10, s21  }
0x5: {  	s28 =	simm.s32 $0x6;
	s11 =	sor.u32 $0x20, s21;
	s10 =	smul.u32 $0xA000, s4  }
0x6: {  	[smem:$0x7FF] =	sst s29;
	s13 =	sor.u32 $0x30, s21;
	s12 =	smul.u32 $0xA000, s11  }
0x7: {  	s5 =	sadd.s32 $0xD600, s0;
	s8 =	sand.u32 $0x1, s8;
	s15 =	smul.u32 $0xA000, s13  }
0x8: {  	s6 =	sadd.s32 $0x7600, s0;
	s7 =	sadd.s32 $0x1600, s0;
	s17 =	smul.u32 $0x2710, s8  }
0x9: {  	s3 =	sadd.s32 $0x19600, s0;
	s9 =	sadd.s32 $0x19C00, s0;
	s20 =	smul.u32 $0xC8, s4  }
0xa: {  	s0 =	sadd.s32 $0x67E00, s0;
	s19 =	sshll.u32 s21, $0x6;
	s24 =	smul.u32 $0xC8, s11  }
0xb: {  	p0 =	sgt.u32 s21, $0xC;
	p1 =	sgt.u32 s21, $0x1;
	s26 =	smul.u32 $0xC8, s13  }
0xc: {  	_ =	strace $0x80000047;
	s14 =	ssub.s32 $0x2, s8;
	s8 =	smul.u32 $0x30000, s8  }
0xd: {  	[dreg:$0x5] =	wrdreg s3;
	s30 =	sor.u32 $0x1C07, s19;
	s4 =	smul.u32 $0x19000, s4  }
0xe: {  	s16 =	sshrl.u32 s14, $0x1;
	s3 =	sshrl.u32 s31, $0x2;
	s31 =	smul.u32 $0x19000, s21  }
0xf: {  	[dreg:$0x7] =	wrdreg s30;
	s18 =	ssub.s32 s14, s16;
	s16 =	smul.u32 $0xC8, s21  }
0x10: {  	s22 =	sadd.s32 s3, s2;
	s23 =	sshrl.u32 s10, $0x2;
	s25 =	sshrl.u32 s12, $0x2  }
0x11: {  	s20 =	sadd.s32 s17, s20;
	s10 =	sadd.s32 s17, s24;
	s12 =	sadd.s32 s17, s26  }
0x12: {  	s15 =	sshrl.u32 s15, $0x2;
	s4 =	sshrl.u32 s4, $0x2;
	s3 =	sadd.s32 s23, s2  }
0x13: {  	s4 =	sadd.s32 s4, s2;
	s26 =	sshll.u32 s20, $0x4;
	[dreg:$0x6] =	wrdreg s22  }
0x14: {  	[dreg:$0x8] =	wrdreg s3;
	s19 =	sadd.s32 s16, s17;
	s3 =	sadd.s32 s25, s2  }
0x15: {  	s17 =	sshrl.u32 s31, $0x2;
	s25 =	smul.u32 $0x19000, s13;
	[dreg:$0xc] =	wrdreg s4  }
0x16: {  	s31 =	sshll.u32 s10, $0x4;
	s4 =	sadd.s32 s0, s26;
	[dreg:$0x9] =	wrdreg s3  }
0x17: {  	s13 =	sshll.u32 s12, $0x4;
	s3 =	sadd.s32 s15, s2;
	[dreg:$0x12] =	wrdreg s4  }
0x18: {  	s24 =	sshll.u32 s19, $0x4;
	s19 =	sadd.s32 s9, s31;
	[dreg:$0xa] =	wrdreg s3  }
0x19: {  	s14 =	smul.u32 $0x3000, s21;
	s20 =	sadd.s32 s9, s13;
	[dreg:$0x13] =	wrdreg s19  }
0x1a: {  	s21 =	simm.s32 $0x1;
	s3 =	sadd.s32 s17, s2;
	[dreg:$0x16] =	wrdreg s20  }
0x1b: {  	s23 =	smul.u32 $0x19000, s11;
	s15 =	sadd.s32 s9, s24;
	[dreg:$0xb] =	wrdreg s3  }
0x1c: {  	s16 =	sadd.s32 s8, s14;
	s8 =	sadd.s32 s0, s24;
	[dreg:$0xf] =	wrdreg s15  }
0x1d: {  	s11 =	sshrl.u32 s25, $0x2;
	s17 =	sadd.s32 s9, s26;
	[dreg:$0x10] =	wrdreg s8  }
0x1e: {  	s24 =	sadd.s32 $0xA0000, s22;
	s25 =	sadd.s32 $0xC8000, s22;
	[dreg:$0x11] =	wrdreg s17  }
0x1f: {  	s26 =	sadd.s32 $0xF0000, s22;
	s19 =	simm.s32 $0x1800;
	[dreg:$0x18] =	wrdreg s24  }
0x20: {  	s20 =	simm.s32 $0x5000;
	s3 =	sshrl.u32 s23, $0x2;
	[dreg:$0x19] =	wrdreg s25  }
0x21: {  	s10 =	sadd.s32 s11, s2;
	s23 =	smax.u32 s18, $0x1;
	[dreg:$0x1a] =	wrdreg s26  }
0x22: {  	s17 =	simm.s32 $0x1000;
	s18 =	simm.s32 $0x70;
	[dreg:$0xe] =	wrdreg s10  }
0x23: {  	s24 =	simm.s32 $0x4;
	s3 =	sadd.s32 s3, s2;
	[dreg:$0x17] =	wrdreg s23  }
0x24: {  	s25 =	simm.s32 $0x3;
	[dreg:$0xd] =	wrdreg s3;
	s3 =	sadd.s32 s0, s31  }
0x25: {  	s26 =	simm.s32 $0x5;
	s0 =	sadd.s32 s0, s13;
	[dreg:$0x14] =	wrdreg s3  }
0x26: {  	s23 =	simm.s32 $0x2;
	s31 =	sadd.s32 $0x118000, s22;
	[dreg:$0x15] =	wrdreg s0  }
0x27: {  	s13 =	simm.s32 $0x7;
	s22 =	simm.s32 $0x8800;
	[dreg:$0x1b] =	wrdreg s31  }
.LBB2_1:
0x28: {  	[dreg:$0x4] =	wrdreg s29  }
0x29: {  	s0 =	rddreg [dreg:$0x6]  }
0x2a: {  	s3 =	sshrl.u32 s0, $0x3;
	s0 =	rddreg [dreg:$0x5]  }
0x2b: {  	[dreg:$0x1c] =	wrdreg s3  }
0x2c: {  	[spmem:s3], [sflag:s30] =	dma.local [hbm:s0], $0x500  }
0x2d: {  	_ =	swait.ge [sflag:s13], $0x500  }
0x2e: {  	s10 =	rddreg [dreg:$0x8]  }
0x2f: {  	[sflag:s13] =	ssyncset.done $0x0;
	s3 =	sshrl.u32 s10, $0x3  }
0x30: {  	[sflag:s13] =	ssyncadd.s32 $0xFFFFFB00;
	[dreg:$0x1d] =	wrdreg s3  }
0x31: {  	[spmem:s3], [sflag:s30] =	dma.local [hbm:s0], $0x500  }
0x32: {  	_ =	swait.ge [sflag:s13], $0x500  }
0x33: {  	s11 =	rddreg [dreg:$0x9]  }
0x34: {  	[sflag:s13] =	ssyncset.done $0x0;
	s3 =	sshrl.u32 s11, $0x3  }
0x35: {  	[sflag:s13] =	ssyncadd.s32 $0xFFFFFB00;
	[dreg:$0x1e] =	wrdreg s3  }
0x36: {  	[spmem:s3], [sflag:s30] =	dma.local [hbm:s0], $0x500  }
0x37: {  	_ =	swait.ge [sflag:s13], $0x500  }
0x38: {  	s12 =	rddreg [dreg:$0xa]  }
0x39: {  	[sflag:s13] =	ssyncset.done $0x0;
	s3 =	sshrl.u32 s12, $0x3  }
0x3a: {  	[sflag:s13] =	ssyncadd.s32 $0xFFFFFB00;
	[dreg:$0x1f] =	wrdreg s3  }
0x3b: {  	[spmem:s3], [sflag:s30] =	dma.local [hbm:s0], $0x500  }
0x3c: {  	_ =	swait.ge [sflag:s13], $0x500  }
0x3d: {  	s15 =	rddreg [dreg:$0x18]  }
0x3e: {  	[sflag:s13] =	ssyncset.done $0x0;
	s3 =	sshrl.u32 s15, $0x3  }
0x3f: {  	[sflag:s13] =	ssyncadd.s32 $0xFFFFFB00;
	[smem:$0x7FA] =	sst s3  }
0x40: {  	[spmem:s3], [sflag:s30] =	dma.local [hbm:s0], $0x500  }
0x41: {  	_ =	swait.ge [sflag:s13], $0x500  }
0x42: {  	s29 =	rddreg [dreg:$0x19]  }
0x43: {  	[sflag:s13] =	ssyncset.done $0x0;
	s3 =	sshrl.u32 s29, $0x3  }
0x44: {  	[sflag:s13] =	ssyncadd.s32 $0xFFFFFB00;
	[smem:$0x7FB] =	sst s3  }
0x45: {  	[spmem:s3], [sflag:s30] =	dma.local [hbm:s0], $0x500  }
0x46: {  	_ =	swait.ge [sflag:s13], $0x500  }
0x47: {  	s31 =	rddreg [dreg:$0x1a]  }
0x48: {  	[sflag:s13] =	ssyncset.done $0x0;
	s3 =	sshrl.u32 s31, $0x3  }
0x49: {  	[sflag:s13] =	ssyncadd.s32 $0xFFFFFB00;
	[smem:$0x7FC] =	sst s3  }
0x4a: {  	[spmem:s3], [sflag:s30] =	dma.local [hbm:s0], $0x500  }
0x4b: {  	_ =	swait.ge [sflag:s13], $0x500  }
0x4c: {  	s3 =	rddreg [dreg:$0x1b]  }
0x4d: {  	[sflag:s13] =	ssyncset.done $0x0;
	s3 =	sshrl.u32 @!p0 s3, $0x3  }
0x4e: {  	[sflag:s13] =	ssyncadd.s32 $0xFFFFFB00;
	[smem:$0x7FD] =	sst s3  }
0x4f: {  	[spmem:s3], [sflag:s30] =	dma.local @!p0 [hbm:s0], $0x500  }
0x50: {  	s0 =	simm.s32 @!p0 $0x7  }
0x51: {  	_ =	swait.ge @!p0 [sflag:s0], $0x500  }
0x52: {  	[sflag:s0] =	ssyncset.done @!p0 $0x0  }
0x53: {  	[sflag:s0] =	ssyncadd.s32 @!p0 $0xFFFFFB00  }
0x54: {  	s0 =	simm.s32 $0x0;
	[bflag:$0x0] =	sbarrier.arrive $0xFFFF  }
.LBB2_2:
0x55: {  	s3 =	sshll.u32 s0, $0xB  }
0x56: {  	s4 =	sadd.s32 s16, s3  }
0x57: {  	s4 =	sshrl.u32 s4, $0x3  }
0x58: {  	s8 =	sadd.s32 s5, s4;
	s4 =	simm.s32 $0x0  }
0x59: {  	[tilespmem:s4], [sflag:$0x7] =	stream.linear.gather [hbm4b:s8+s4], $0x780, $0x38;
	[tilespmem:$0x1F880] =	vst v63  }
0x5a: {  	s3 =	sadd.s32 s14, s3;
	_ =	swait.ge [sflag:s13], $0x780  }
0x5b: {  	s3 =	sshrl.u32 s3, $0x3;
	[sflag:s13] =	ssyncset.done $0x0  }
0x5c: {  	s10 =	simm.s32 $0x800;
	s31 =	sadd.s32 s6, s3;
	[sflag:s13] =	ssyncadd.s32 $0xFFFFF880  }
0x5d: {  	[tilespmem:s10], [sflag:$0x7] =	stream.linear.gather [hbm4b:s31+s4], $0x780, $0x38;
	[tilespmem:$0x1F880] =	vst v63  }
0x5e: {  	_ =	swait.ge [sflag:s13], $0x780  }
0x5f: {  	[sflag:s13] =	ssyncset.done $0x0  }
0x60: {  	s3 =	sadd.s32 s7, s3;
	[sflag:s13] =	ssyncadd.s32 $0xFFFFF880  }
0x61: {  	[tilespmem:s17], [sflag:$0x7] =	stream.linear.gather [hbm4b:s3+s4], $0x780, $0x38;
	[tilespmem:$0x1F880] =	vst v63  }
0x62: {  	_ =	swait.ge [sflag:s13], $0x780  }
0x63: {  	[sflag:s13] =	ssyncset.done $0x0  }
0x64: {  	s30 =	simm.s32 $0x0;
	[sflag:s13] =	ssyncadd.s32 $0xFFFFF880  }
0x65: {  	[tilespmem:s19], [sflag:$0x1] =	stream.indirect.gather [hbm4b:s1+s18], $0x80, s4, s18, $0xb8;
	[tilespmem:$0x1F880] =	vst v63  }
.LBB2_3:
0x66: {  	s12 =	smul.u32 $0x3, s30;
	p2 =	seq.s32 s30, $0x0  }
0x67: {  	s3 =	simm.s32 @!p2 $0x5  }
0x68: {  	_ =	swait.ge @!p2 [sflag:s3], $0x3800;
	s29 =	sadd.s32 $0x1, s12  }
0x69: {  	v1 =	vmov s4;
	s10 =	sshll.u32 s12, $0x7;
	[sflag:s3] =	ssyncset.done @!p2 $0x0;
	s8 =	sshll.u32 s29, $0x9  }
0x6a: {  	v1 =	vand.u32 $0x7F, v1;
	v0 =	vmov s10;
	[sflag:s3] =	ssyncadd.s32 @!p2 $0xFFFFC800;
	s31 =	sshrl.u32 s8, $0x2  }
0x6b: {  	v1 =	vadd.s32 v0, v1;
	[tilespmem:s20], [sflag:$0x2] =	stream.indirect.gather [hbm4b:s1+s18], $0x80, s31, s18, $0xb8;
	[tilespmem:$0x1F880] =	vst v63  }
0x6c: {  	v1 =	vbroadcast v1, $0x0;
	_ =	swait.ge [sflag:s21], $0x3800  }
0x6d: {  	[sflag:s21] =	ssyncset.done $0x0  }
0x6e: {  	s3 =	simm.s32 $0x1840;
	[sflag:s21] =	ssyncadd.s32 $0xFFFFC800  }
0x6f: {  	v5 =	vld [tilespmem:s3+$0x30]  }
0x70: {  	v8 =	vld [tilespmem:s3+$0x10]  }
0x71: {  	v6 =	vld [tilespmem:s3+$0xFFFFFFC0]  }
0x72: {  	v2 =	vld.idx.msk [tilespmem:v1+s17+$0x0], $0xffff  }
0x73: {  	v11 =	vld [tilespmem:s3+$0xFFFFFFE0]  }
0x74: {  	v3 =	vld [tilespmem:s3+$0x20]  }
0x75: {  	v4 =	vld [tilespmem:s3+$0xFFFFFFD0]  }
0x76: {  	v1 =	vld [tilespmem:s3+$0xFFFFFFF0]  }
0x77: {  	v9 =	vmul.f32 v5, v2;
	v5 =	vld [tilespmem:s3+$0x0]  }
0x78: {  	s15 =	simm.s32 $0x1;
	v7 =	vmul.f32 v6, v2  }
0x79: {  	v10 =	vmov s15;
	s10 =	simm.s32 $0x1840;
	s8 =	simm.s32 $0x2;
	v6 =	vmul.f32 v11, v2;
	v8 =	vmul.f32 v8, v2  }
.LBB2_4:
0x7a: {  	p3 =	sne.s32 s8, $0x6F  }
0x7b: {  	v10 =	vand.u32 $0x7F, v10;
	v4 =	vmul.f32 v4, v2;
	v3 =	vmul.f32 v3, v2;
	[tilespmem:s3+$0x30] =	vst v9;
	s10 =	sadd.s32 $0x80, s10;
	s11 =	smov.u32 s8;
	s8 =	sadd.s32 $0x1, s8  }
0x7c: {  	v9 =	vadd.s32 v0, v10;
	[tilespmem:s3+$0xFFFFFFC0] =	vst v7;
	v7 =	vmul.f32 v1, v2;
	v2 =	vmul.f32 v5, v2  }
0x7d: {  	v5 =	vbroadcast v9, $0x0;
	[tilespmem:s3+$0x10] =	vst v8  }
0x7e: {  	[tilespmem:s3+$0xFFFFFFE0] =	vst v6  }
0x7f: {  	v1 =	vld [tilespmem:s10+$0xFFFFFFF0];
	[tilespmem:s3+$0xFFFFFFF0] =	vst v7  }
0x80: {  	v6 =	vld [tilespmem:s10+$0x30];
	[tilespmem:s3+$0x0] =	vst v2  }
0x81: {  	v8 =	vld [tilespmem:s10+$0x10];
	[tilespmem:s3+$0x20] =	vst v3  }
0x82: {  	v7 =	vld [tilespmem:s10+$0xFFFFFFC0];
	[tilespmem:s3+$0xFFFFFFD0] =	vst v4;
	s3 =	smov.u32 s10  }
0x83: {  	v2 =	vld.idx.msk [tilespmem:v5+s17+$0x0], $0xffff  }
0x84: {  	v11 =	vld [tilespmem:s10+$0xFFFFFFE0]  }
0x85: {  	v3 =	vld [tilespmem:s10+$0x20]  }
.Ltmp0:
0x86: {  	v4 =	vld [tilespmem:s10+$0xFFFFFFD0];
	(pc) =	sbr.rel @p3 .LBB2_4-.Ltmp0, $3  }
0x87: {  	v5 =	vld [tilespmem:s10+$0x0];
	_ =	sdelay $0x1  }
0x88: {  	v7 =	vmul.f32 v7, v2;
	v9 =	vmul.f32 v6, v2  }
0x89: {  	v10 =	vmov s11;
	v8 =	vmul.f32 v8, v2;
	v6 =	vmul.f32 v11, v2  }
0x8a: {  	[tilespmem:s3+$0xFFFFFFC0] =	vst v7;
	v7 =	vand.u32 $0x7F, v10  }
0x8b: {  	[tilespmem:s3+$0x30] =	vst v9;
	v0 =	vadd.s32 v0, v7  }
0x8c: {  	v1 =	vmul.f32 v1, v2;
	[tilespmem:s3+$0x10] =	vst v8;
	v0 =	vbroadcast v0, $0x0  }
0x8d: {  	s8 =	sadd.s32 $0x80, s10;
	[tilespmem:s3+$0xFFFFFFE0] =	vst v6;
	v5 =	vmul.f32 v5, v2  }
0x8e: {  	v3 =	vmul.f32 v3, v2;
	v6 =	vld [tilespmem:s8+$0xFFFFFFF0];
	[tilespmem:s3+$0xFFFFFFF0] =	vst v1  }
0x8f: {  	v2 =	vmul.f32 v4, v2;
	v1 =	vld [tilespmem:s8+$0x30];
	[tilespmem:s3+$0x0] =	vst v5  }
0x90: {  	v4 =	vld [tilespmem:s8+$0x10];
	[tilespmem:s3+$0x20] =	vst v3  }
0x91: {  	v3 =	vld [tilespmem:s8+$0xFFFFFFC0];
	[tilespmem:s3+$0xFFFFFFD0] =	vst v2  }
0x92: {  	v0 =	vld.idx.msk [tilespmem:v0+s17+$0x0], $0xffff;
	_ =	sdelay $0x2  }
0x93: {  	v2 =	vld [tilespmem:s8+$0xFFFFFFE0];
	_ =	sdelay $0x1  }
0x94: {  	v5 =	vld [tilespmem:s8+$0x0];
	v1 =	vmul.f32 v1, v0  }
0x95: {  	v7 =	vld [tilespmem:s8+$0x20];
	v3 =	vmul.f32 v3, v0  }
0x96: {  	v8 =	vld [tilespmem:s8+$0xFFFFFFD0];
	v4 =	vmul.f32 v4, v0;
	[tilespmem:s8+$0x30] =	vst v1  }
0x97: {  	v1 =	vmul.f32 v2, v0;
	[tilespmem:s8+$0xFFFFFFC0] =	vst v3  }
0x98: {  	v2 =	vmul.f32 v6, v0;
	[tilespmem:s8+$0x10] =	vst v4  }
0x99: {  	v3 =	vmul.f32 v5, v0;
	[tilespmem:s8+$0xFFFFFFE0] =	vst v1  }
0x9a: {  	s10 =	smul.u32 $0x600, s30;
	v1 =	vmul.f32 v7, v0;
	[tilespmem:s8+$0xFFFFFFF0] =	vst v2  }
0x9b: {  	v0 =	vmul.f32 v8, v0;
	[tilespmem:s8+$0x0] =	vst v3  }
0x9c: {  	s11 =	sshra.s32 s10, $0x2;
	[tilespmem:s8+$0x20] =	vst v1  }
0x9d: {  	s3 =	sadd.s32 $0x800, s11;
	[tilespmem:s8+$0xFFFFFFD0] =	vst v0;
	s8 =	simm.s32 @!p2 $0x6  }
0x9e: {  	[spmem:s2] =	stream.indirect.scatter.add.f32 [tilespmem:s19], [sflag:$0x4], $0x80, s3, s18, $0xb8;
	[tilespmem:$0x1F880] =	vst v63  }
0x9f: {  	s11 =	simm.s32 $0x0;
	s3 =	sadd.s32 $0x2, s12;
	_ =	swait.ge @!p2 [sflag:s8], $0x3800  }
0xa0: {  	s29 =	sshll.u32 s29, $0x7;
	v1 =	vmov s11;
	s12 =	sshll.u32 s3, $0x9;
	[sflag:s8] =	ssyncset.done @!p2 $0x0  }
0xa1: {  	v0 =	vmov s29;
	v1 =	vand.u32 $0x7F, v1;
	s12 =	sshrl.u32 s12, $0x2;
	[sflag:s8] =	ssyncadd.s32 @!p2 $0xFFFFC800  }
0xa2: {  	v1 =	vadd.s32 v0, v1;
	[tilespmem:s22], [sflag:$0x3] =	stream.indirect.gather [hbm4b:s1+s18], $0x80, s12, s18, $0xb8;
	[tilespmem:$0x1F880] =	vst v63  }
0xa3: {  	v1 =	vbroadcast v1, $0x0;
	_ =	swait.ge [sflag:s23], $0x3800  }
0xa4: {  	[sflag:s23] =	ssyncset.done $0x0  }
0xa5: {  	s29 =	simm.s32 $0x5040;
	[sflag:s23] =	ssyncadd.s32 $0xFFFFC800  }
0xa6: {  	v5 =	vld [tilespmem:s29+$0x30]  }
0xa7: {  	v8 =	vld [tilespmem:s29+$0x10]  }
0xa8: {  	v6 =	vld [tilespmem:s29+$0xFFFFFFC0]  }
0xa9: {  	v2 =	vld.idx.msk [tilespmem:v1+s17+$0x0], $0xffff  }
0xaa: {  	v11 =	vld [tilespmem:s29+$0xFFFFFFE0]  }
0xab: {  	v1 =	vld [tilespmem:s29+$0xFFFFFFF0]  }
0xac: {  	v3 =	vld [tilespmem:s29+$0x20]  }
0xad: {  	v4 =	vld [tilespmem:s29+$0xFFFFFFD0]  }
0xae: {  	v9 =	vmul.f32 v5, v2;
	v5 =	vld [tilespmem:s29+$0x0]  }
0xaf: {  	s15 =	simm.s32 $0x1;
	v7 =	vmul.f32 v6, v2  }
0xb0: {  	v10 =	vmov s15;
	s11 =	simm.s32 $0x2;
	s8 =	simm.s32 $0x5040;
	v6 =	vmul.f32 v11, v2;
	v8 =	vmul.f32 v8, v2  }
.LBB2_6:
0xb1: {  	p2 =	sne.s32 s11, $0x6F  }
0xb2: {  	v10 =	vand.u32 $0x7F, v10;
	v4 =	vmul.f32 v4, v2;
	v3 =	vmul.f32 v3, v2;
	[tilespmem:s29+$0x30] =	vst v9;
	s8 =	sadd.s32 $0x80, s8;
	s15 =	smov.u32 s11;
	s11 =	sadd.s32 $0x1, s11  }
0xb3: {  	v9 =	vadd.s32 v0, v10;
	[tilespmem:s29+$0xFFFFFFC0] =	vst v7;
	v7 =	vmul.f32 v1, v2;
	v2 =	vmul.f32 v5, v2  }
0xb4: {  	v5 =	vbroadcast v9, $0x0;
	[tilespmem:s29+$0x10] =	vst v8  }
0xb5: {  	[tilespmem:s29+$0xFFFFFFE0] =	vst v6  }
0xb6: {  	v1 =	vld [tilespmem:s8+$0xFFFFFFF0];
	[tilespmem:s29+$0xFFFFFFF0] =	vst v7  }
0xb7: {  	v6 =	vld [tilespmem:s8+$0x30];
	[tilespmem:s29+$0x0] =	vst v2  }
0xb8: {  	v8 =	vld [tilespmem:s8+$0x10];
	[tilespmem:s29+$0x20] =	vst v3  }
0xb9: {  	v7 =	vld [tilespmem:s8+$0xFFFFFFC0];
	[tilespmem:s29+$0xFFFFFFD0] =	vst v4;
	s29 =	smov.u32 s8  }
0xba: {  	v2 =	vld.idx.msk [tilespmem:v5+s17+$0x0], $0xffff  }
0xbb: {  	v11 =	vld [tilespmem:s8+$0xFFFFFFE0]  }
0xbc: {  	v3 =	vld [tilespmem:s8+$0x20]  }
.Ltmp1:
0xbd: {  	v4 =	vld [tilespmem:s8+$0xFFFFFFD0];
	(pc) =	sbr.rel @p2 .LBB2_6-.Ltmp1, $3  }
0xbe: {  	v5 =	vld [tilespmem:s8+$0x0];
	_ =	sdelay $0x1  }
0xbf: {  	v7 =	vmul.f32 v7, v2;
	v9 =	vmul.f32 v6, v2  }
0xc0: {  	v10 =	vmov s15;
	v8 =	vmul.f32 v8, v2;
	v6 =	vmul.f32 v11, v2  }
0xc1: {  	[tilespmem:s29+$0xFFFFFFC0] =	vst v7;
	v7 =	vand.u32 $0x7F, v10  }
0xc2: {  	[tilespmem:s29+$0x30] =	vst v9;
	v0 =	vadd.s32 v0, v7  }
0xc3: {  	v1 =	vmul.f32 v1, v2;
	[tilespmem:s29+$0x10] =	vst v8;
	v0 =	vbroadcast v0, $0x0  }
0xc4: {  	s8 =	sadd.s32 $0x80, s8;
	[tilespmem:s29+$0xFFFFFFE0] =	vst v6;
	v5 =	vmul.f32 v5, v2  }
0xc5: {  	v3 =	vmul.f32 v3, v2;
	v6 =	vld [tilespmem:s8+$0xFFFFFFF0];
	[tilespmem:s29+$0xFFFFFFF0] =	vst v1  }
0xc6: {  	v2 =	vmul.f32 v4, v2;
	v1 =	vld [tilespmem:s8+$0x30];
	[tilespmem:s29+$0x0] =	vst v5  }
0xc7: {  	v4 =	vld [tilespmem:s8+$0x10];
	[tilespmem:s29+$0x20] =	vst v3  }
0xc8: {  	v3 =	vld [tilespmem:s8+$0xFFFFFFC0];
	[tilespmem:s29+$0xFFFFFFD0] =	vst v2  }
0xc9: {  	v0 =	vld.idx.msk [tilespmem:v0+s17+$0x0], $0xffff;
	_ =	sdelay $0x2  }
0xca: {  	v2 =	vld [tilespmem:s8+$0xFFFFFFE0];
	_ =	sdelay $0x1  }
0xcb: {  	v5 =	vld [tilespmem:s8+$0x0];
	v1 =	vmul.f32 v1, v0  }
0xcc: {  	v7 =	vld [tilespmem:s8+$0x20];
	v3 =	vmul.f32 v3, v0  }
0xcd: {  	v8 =	vld [tilespmem:s8+$0xFFFFFFD0];
	v4 =	vmul.f32 v4, v0;
	[tilespmem:s8+$0x30] =	vst v1  }
0xce: {  	v1 =	vmul.f32 v2, v0;
	[tilespmem:s8+$0xFFFFFFC0] =	vst v3  }
0xcf: {  	v2 =	vmul.f32 v6, v0;
	[tilespmem:s8+$0x10] =	vst v4  }
0xd0: {  	v3 =	vmul.f32 v5, v0;
	[tilespmem:s8+$0xFFFFFFE0] =	vst v1  }
0xd1: {  	v1 =	vmul.f32 v7, v0;
	[tilespmem:s8+$0xFFFFFFF0] =	vst v2  }
0xd2: {  	v0 =	vmul.f32 v8, v0;
	[tilespmem:s8+$0x0] =	vst v3  }
0xd3: {  	[tilespmem:s8+$0x20] =	vst v1  }
0xd4: {  	s15 =	sadd.s32 $0x800, s31;
	p2 =	seq.s32 s30, $0x4;
	[tilespmem:s8+$0xFFFFFFD0] =	vst v0  }
0xd5: {  	[spmem:s2] =	stream.indirect.scatter.add.f32 [tilespmem:s20], [sflag:$0x5], $0x80, s15, s18, $0xb8;
	[tilespmem:$0x1F880] =	vst v63  }
0xd6: {  	s3 =	sshll.u32 s3, $0x7;
	s29 =	simm.s32 $0x0;
	_ =	swait.ge [sflag:s24], $0x3800  }
0xd7: {  	s10 =	sshra.s32 @!p2 s10, $0x2;
	s11 =	simm.s32 @!p2 $0x1800;
	v1 =	vmov s29;
	[sflag:s24] =	ssyncset.done $0x0  }
0xd8: {  	s8 =	sadd.s32 @!p2 $0x180, s10;
	s10 =	simm.s32 @!p2 $0x70;
	v0 =	vmov s3;
	v1 =	vand.u32 $0x7F, v1;
	[sflag:s24] =	ssyncadd.s32 $0xFFFFC800  }
0xd9: {  	v1 =	vadd.s32 v0, v1;
	[tilespmem:s11], [sflag:$0x1] =	stream.indirect.gather @!p2 [hbm4b:s1+s10], $0x80, s8, s10, $0xb8;
	[tilespmem:$0x1F880] =	vst v63  }
0xda: {  	v1 =	vbroadcast v1, $0x0;
	_ =	swait.ge [sflag:s25], $0x3800  }
0xdb: {  	[sflag:s25] =	ssyncset.done $0x0  }
0xdc: {  	s3 =	simm.s32 $0x8840;
	[sflag:s25] =	ssyncadd.s32 $0xFFFFC800  }
0xdd: {  	v5 =	vld [tilespmem:s3+$0x30]  }
0xde: {  	v8 =	vld [tilespmem:s3+$0x10]  }
0xdf: {  	v6 =	vld [tilespmem:s3+$0xFFFFFFC0]  }
0xe0: {  	v2 =	vld.idx.msk [tilespmem:v1+s17+$0x0], $0xffff  }
0xe1: {  	v11 =	vld [tilespmem:s3+$0xFFFFFFE0]  }
0xe2: {  	v1 =	vld [tilespmem:s3+$0xFFFFFFF0]  }
0xe3: {  	v3 =	vld [tilespmem:s3+$0x20]  }
0xe4: {  	v4 =	vld [tilespmem:s3+$0xFFFFFFD0]  }
0xe5: {  	v9 =	vmul.f32 v5, v2;
	v5 =	vld [tilespmem:s3+$0x0]  }
0xe6: {  	s31 =	simm.s32 $0x1;
	v7 =	vmul.f32 v6, v2  }
0xe7: {  	v10 =	vmov s31;
	s10 =	simm.s32 $0x2;
	s8 =	simm.s32 $0x8840;
	v6 =	vmul.f32 v11, v2;
	v8 =	vmul.f32 v8, v2  }
.LBB2_8:
0xe8: {  	p2 =	sne.s32 s10, $0x6F  }
0xe9: {  	v10 =	vand.u32 $0x7F, v10;
	v4 =	vmul.f32 v4, v2;
	v3 =	vmul.f32 v3, v2;
	[tilespmem:s3+$0x30] =	vst v9;
	s8 =	sadd.s32 $0x80, s8;
	s11 =	smov.u32 s10;
	s10 =	sadd.s32 $0x1, s10  }
0xea: {  	v9 =	vadd.s32 v0, v10;
	[tilespmem:s3+$0xFFFFFFC0] =	vst v7;
	v7 =	vmul.f32 v1, v2;
	v2 =	vmul.f32 v5, v2  }
0xeb: {  	v5 =	vbroadcast v9, $0x0;
	[tilespmem:s3+$0x10] =	vst v8  }
0xec: {  	[tilespmem:s3+$0xFFFFFFE0] =	vst v6  }
0xed: {  	v1 =	vld [tilespmem:s8+$0xFFFFFFF0];
	[tilespmem:s3+$0xFFFFFFF0] =	vst v7  }
0xee: {  	v6 =	vld [tilespmem:s8+$0x30];
	[tilespmem:s3+$0x0] =	vst v2  }
0xef: {  	v8 =	vld [tilespmem:s8+$0x10];
	[tilespmem:s3+$0x20] =	vst v3  }
0xf0: {  	v7 =	vld [tilespmem:s8+$0xFFFFFFC0];
	[tilespmem:s3+$0xFFFFFFD0] =	vst v4;
	s3 =	smov.u32 s8  }
0xf1: {  	v2 =	vld.idx.msk [tilespmem:v5+s17+$0x0], $0xffff  }
0xf2: {  	v11 =	vld [tilespmem:s8+$0xFFFFFFE0]  }
0xf3: {  	v3 =	vld [tilespmem:s8+$0x20]  }
.Ltmp2:
0xf4: {  	v4 =	vld [tilespmem:s8+$0xFFFFFFD0];
	(pc) =	sbr.rel @p2 .LBB2_8-.Ltmp2, $3  }
0xf5: {  	v5 =	vld [tilespmem:s8+$0x0];
	_ =	sdelay $0x1  }
0xf6: {  	v7 =	vmul.f32 v7, v2;
	v9 =	vmul.f32 v6, v2  }
0xf7: {  	v10 =	vmov s11;
	v8 =	vmul.f32 v8, v2;
	v6 =	vmul.f32 v11, v2  }
0xf8: {  	[tilespmem:s3+$0x30] =	vst v9;
	v53 =	vand.u32 $0x7F, v10  }
0xf9: {  	[tilespmem:s3+$0xFFFFFFC0] =	vst v7;
	v0 =	vadd.s32 v0, v53  }
0xfa: {  	v1 =	vmul.f32 v1, v2;
	[tilespmem:s3+$0x10] =	vst v8;
	v0 =	vbroadcast v0, $0x0  }
0xfb: {  	s8 =	sadd.s32 $0x80, s8;
	[tilespmem:s3+$0xFFFFFFE0] =	vst v6;
	v5 =	vmul.f32 v5, v2  }
0xfc: {  	v55 =	vmul.f32 v4, v2;
	v6 =	vld [tilespmem:s8+$0xFFFFFFF0];
	[tilespmem:s3+$0xFFFFFFF0] =	vst v1  }
0xfd: {  	v3 =	vmul.f32 v3, v2;
	v54 =	vld [tilespmem:s8+$0x30];
	[tilespmem:s3+$0x0] =	vst v5  }
0xfe: {  	v57 =	vld [tilespmem:s8+$0xFFFFFFC0];
	[tilespmem:s3+$0xFFFFFFD0] =	vst v55  }
0xff: {  	v56 =	vld [tilespmem:s8+$0x10];
	[tilespmem:s3+$0x20] =	vst v3  }
0x100: {  	v0 =	vld.idx.msk [tilespmem:v0+s17+$0x0], $0xffff;
	_ =	sdelay $0x2  }
0x101: {  	v2 =	vld [tilespmem:s8+$0xFFFFFFE0];
	_ =	sdelay $0x1  }
0x102: {  	v5 =	vld [tilespmem:s8+$0x0];
	v1 =	vmul.f32 v54, v0  }
0x103: {  	v58 =	vld [tilespmem:s8+$0x20];
	v3 =	vmul.f32 v57, v0  }
0x104: {  	v59 =	vld [tilespmem:s8+$0xFFFFFFD0];
	v4 =	vmul.f32 v56, v0;
	[tilespmem:s8+$0x30] =	vst v1  }
0x105: {  	v60 =	vmul.f32 v2, v0;
	[tilespmem:s8+$0xFFFFFFC0] =	vst v3  }
0x106: {  	s30 =	sadd.s32 $0x1, s30;
	v61 =	vmul.f32 v6, v0;
	[tilespmem:s8+$0x10] =	vst v4  }
0x107: {  	p2 =	sne.s32 s30, $0x5;
	v62 =	vmul.f32 v5, v0;
	[tilespmem:s8+$0xFFFFFFE0] =	vst v60  }
.Ltmp3:
0x108: {  	v63 =	vmul.f32 v58, v0;
	[tilespmem:s8+$0xFFFFFFF0] =	vst v61;
	(pc) =	sbr.rel @p2 .LBB2_3-.Ltmp3, $4  }
0x109: {  	v0 =	vmul.f32 v59, v0;
	[tilespmem:s8+$0x0] =	vst v62  }
0x10a: {  	[tilespmem:s8+$0x20] =	vst v63  }
0x10b: {  	s31 =	sadd.s32 $0x800, s12;
	[tilespmem:s8+$0xFFFFFFD0] =	vst v0  }
0x10c: {  	[spmem:s2] =	stream.indirect.scatter.add.f32 [tilespmem:s22], [sflag:$0x6], $0x80, s31, s18, $0xb8;
	[tilespmem:$0x1F880] =	vst v63  }
0x10d: {  	s0 =	sadd.s32 $0x1, s0  }
0x10e: {  	_ =	swait.ge [sflag:s26], $0x3800;
	p2 =	sne.s32 s0, $0x6  }
.Ltmp4:
0x10f: {  	[sflag:s26] =	ssyncset.done $0x0;
	(pc) =	sbr.rel @p2 .LBB2_2-.Ltmp4, $4  }
0x110: {  	[sflag:s26] =	ssyncadd.s32 $0xFFFFC800  }
0x111: {  	_ =	swait.ge [sflag:s28], $0x3800  }
0x112: {  	[sflag:s28] =	ssyncset.done $0x0  }
0x113: {  	[sflag:s28] =	ssyncadd.s32 $0xFFFFC800  }
0x114: {  	[bflag:$0x0] =	sbarrier.arrive $0xFFFF  }
0x115: {  	s0 =	rddreg [dreg:$0xb]  }
0x116: {  	s3 =	rddreg [dreg:$0x7]  }
0x117: {  	s12 =	rddreg [dreg:$0xf];
	s4 =	sshrl.u32 s0, $0x3  }
0x118: {  	[smem:$0x7F6] =	sst s4  }
0x119: {  	[hbm:s12], [sflag:s3] =	dma.local [spmem:s4], $0xC80  }
0x11a: {  	_ =	swait.ge [sflag:s13], $0xC80  }
0x11b: {  	s15 =	rddreg [dreg:$0xc]  }
0x11c: {  	[sflag:s13] =	ssyncset.done $0x0;
	s30 =	rddreg [dreg:$0x11];
	s29 =	sshrl.u32 s15, $0x3  }
0x11d: {  	[sflag:s13] =	ssyncadd.s32 $0xFFFFF380;
	[smem:$0x7F7] =	sst s29  }
0x11e: {  	[hbm:s30], [sflag:s3] =	dma.local [spmem:s29], $0xC80  }
0x11f: {  	_ =	swait.ge [sflag:s13], $0xC80  }
0x120: {  	s31 =	rddreg [dreg:$0xd]  }
0x121: {  	[sflag:s13] =	ssyncset.done $0x0;
	s8 =	rddreg [dreg:$0x13];
	s0 =	sshrl.u32 s31, $0x3  }
0x122: {  	[sflag:s13] =	ssyncadd.s32 $0xFFFFF380;
	[smem:$0x7F8] =	sst s0  }
0x123: {  	[hbm:s8], [sflag:s3] =	dma.local [spmem:s0], $0xC80  }
0x124: {  	_ =	swait.ge [sflag:s13], $0xC80  }
0x125: {  	s0 =	rddreg [dreg:$0xe]  }
0x126: {  	[sflag:s13] =	ssyncset.done $0x0;
	s4 =	sshrl.u32 @!p1 s0, $0x3;
	s0 =	rddreg [dreg:$0x16]  }
0x127: {  	[sflag:s13] =	ssyncadd.s32 $0xFFFFF380;
	[smem:$0x7F9] =	sst s4  }
0x128: {  	[hbm:s0], [sflag:s3] =	dma.local @!p1 [spmem:s4], $0xC80  }
0x129: {  	s0 =	simm.s32 @!p1 $0x7  }
0x12a: {  	_ =	swait.ge @!p1 [sflag:s0], $0xC80  }
0x12b: {  	[sflag:s0] =	ssyncset.done @!p1 $0x0  }
0x12c: {  	[sflag:s0] =	ssyncadd.s32 @!p1 $0xFFFFF380  }
0x12d: {  	[bflag:$0x0] =	sbarrier.arrive $0xFFFF  }
0x12e: {  	s0 =	rddreg [dreg:$0x5]  }
0x12f: {  	s10 =	rddreg [dreg:$0x1c]  }
0x130: {  	[spmem:s10], [sflag:s3] =	dma.local [hbm:s0], $0x500  }
0x131: {  	_ =	swait.ge [sflag:s13], $0x500  }
0x132: {  	[sflag:s13] =	ssyncset.done $0x0  }
0x133: {  	s11 =	rddreg [dreg:$0x1d];
	[sflag:s13] =	ssyncadd.s32 $0xFFFFFB00  }
0x134: {  	[spmem:s11], [sflag:s3] =	dma.local [hbm:s0], $0x500  }
0x135: {  	_ =	swait.ge [sflag:s13], $0x500  }
0x136: {  	[sflag:s13] =	ssyncset.done $0x0  }
0x137: {  	s12 =	rddreg [dreg:$0x1e];
	[sflag:s13] =	ssyncadd.s32 $0xFFFFFB00  }
0x138: {  	[spmem:s12], [sflag:s3] =	dma.local [hbm:s0], $0x500  }
0x139: {  	_ =	swait.ge [sflag:s13], $0x500  }
0x13a: {  	[sflag:s13] =	ssyncset.done $0x0  }
0x13b: {  	s15 =	rddreg [dreg:$0x1f];
	[sflag:s13] =	ssyncadd.s32 $0xFFFFFB00  }
0x13c: {  	[spmem:s15], [sflag:s3] =	dma.local [hbm:s0], $0x500  }
0x13d: {  	_ =	swait.ge [sflag:s13], $0x500  }
0x13e: {  	s29 =	sld [smem:$0x7FA]  }
0x13f: {  	[sflag:s13] =	ssyncset.done $0x0  }
0x140: {  	[sflag:s13] =	ssyncadd.s32 $0xFFFFFB00  }
0x141: {  	[spmem:s29], [sflag:s3] =	dma.local [hbm:s0], $0x500  }
0x142: {  	_ =	swait.ge [sflag:s13], $0x500  }
0x143: {  	s30 =	sld [smem:$0x7FB]  }
0x144: {  	[sflag:s13] =	ssyncset.done $0x0  }
0x145: {  	[sflag:s13] =	ssyncadd.s32 $0xFFFFFB00  }
0x146: {  	[spmem:s30], [sflag:s3] =	dma.local [hbm:s0], $0x500  }
0x147: {  	_ =	swait.ge [sflag:s13], $0x500  }
0x148: {  	s31 =	sld [smem:$0x7FC]  }
0x149: {  	[sflag:s13] =	ssyncset.done $0x0  }
0x14a: {  	[sflag:s13] =	ssyncadd.s32 $0xFFFFFB00  }
0x14b: {  	[spmem:s31], [sflag:s3] =	dma.local [hbm:s0], $0x500  }
0x14c: {  	_ =	swait.ge [sflag:s13], $0x500  }
0x14d: {  	s4 =	sld [smem:$0x7FD]  }
0x14e: {  	[sflag:s13] =	ssyncset.done $0x0  }
0x14f: {  	[sflag:s13] =	ssyncadd.s32 $0xFFFFFB00  }
0x150: {  	[spmem:s4], [sflag:s3] =	dma.local @!p0 [hbm:s0], $0x500  }
0x151: {  	s0 =	simm.s32 @!p0 $0x7  }
0x152: {  	_ =	swait.ge @!p0 [sflag:s0], $0x500  }
0x153: {  	[sflag:s0] =	ssyncset.done @!p0 $0x0  }
0x154: {  	[sflag:s0] =	ssyncadd.s32 @!p0 $0xFFFFFB00  }
0x155: {  	s10 =	simm.s32 $0x0;
	s12 =	simm.s32 $0x0;
	[bflag:$0x0] =	sbarrier.arrive $0xFFFF  }
.LBB2_12:
0x156: {  	s0 =	sshll.u32 s12, $0xB  }
0x157: {  	s3 =	sadd.s32 s16, s0  }
0x158: {  	s3 =	sshrl.u32 s3, $0x3  }
0x159: {  	s3 =	sadd.s32 s5, s3  }
0x15a: {  	[tilespmem:s10], [sflag:$0x7] =	stream.linear.gather [hbm4b:s3+s10], $0x780, $0x38;
	[tilespmem:$0x1F880] =	vst v63  }
0x15b: {  	s0 =	sadd.s32 s14, s0;
	_ =	swait.ge [sflag:s13], $0x780  }
0x15c: {  	s0 =	sshrl.u32 s0, $0x3;
	[sflag:s13] =	ssyncset.done $0x0  }
0x15d: {  	s4 =	simm.s32 $0x800;
	s31 =	sadd.s32 s6, s0;
	[sflag:s13] =	ssyncadd.s32 $0xFFFFF880  }
0x15e: {  	[tilespmem:s4], [sflag:$0x7] =	stream.linear.gather [hbm4b:s31+s10], $0x780, $0x38;
	[tilespmem:$0x1F880] =	vst v63  }
0x15f: {  	_ =	swait.ge [sflag:s13], $0x780  }
0x160: {  	[sflag:s13] =	ssyncset.done $0x0  }
0x161: {  	s0 =	sadd.s32 s7, s0;
	[sflag:s13] =	ssyncadd.s32 $0xFFFFF880  }
0x162: {  	[tilespmem:s17], [sflag:$0x7] =	stream.linear.gather [hbm4b:s0+s10], $0x780, $0x38;
	[tilespmem:$0x1F880] =	vst v63  }
0x163: {  	_ =	swait.ge [sflag:s13], $0x780  }
0x164: {  	[sflag:s13] =	ssyncset.done $0x0  }
0x165: {  	s29 =	simm.s32 $0x0;
	[sflag:s13] =	ssyncadd.s32 $0xFFFFF880  }
0x166: {  	[tilespmem:s19], [sflag:$0x1] =	stream.indirect.gather [hbm4b:s9+s18], $0x80, s10, s18, $0xb8;
	[tilespmem:$0x1F880] =	vst v63  }
.LBB2_13:
0x167: {  	s31 =	smul.u32 $0x3, s29;
	p2 =	seq.s32 s29, $0x0  }
0x168: {  	s0 =	simm.s32 @!p2 $0x5  }
0x169: {  	s3 =	simm.s32 $0x0;
	_ =	swait.ge @!p2 [sflag:s0], $0x3800;
	s4 =	sadd.s32 $0x1, s31  }
0x16a: {  	v1 =	vmov s3;
	s11 =	sshll.u32 s31, $0x7;
	[sflag:s0] =	ssyncset.done @!p2 $0x0;
	s8 =	sshll.u32 s4, $0x9  }
0x16b: {  	v1 =	vand.u32 $0x7F, v1;
	v0 =	vmov s11;
	[sflag:s0] =	ssyncadd.s32 @!p2 $0xFFFFC800;
	s30 =	sshrl.u32 s8, $0x2  }
0x16c: {  	v1 =	vadd.s32 v0, v1;
	[tilespmem:s20], [sflag:$0x2] =	stream.indirect.gather [hbm4b:s9+s18], $0x80, s30, s18, $0xb8;
	[tilespmem:$0x1F880] =	vst v63  }
0x16d: {  	v1 =	vbroadcast v1, $0x0;
	_ =	swait.ge [sflag:s21], $0x3800  }
0x16e: {  	[sflag:s21] =	ssyncset.done $0x0  }
0x16f: {  	s0 =	simm.s32 $0x1840;
	[sflag:s21] =	ssyncadd.s32 $0xFFFFC800  }
0x170: {  	v5 =	vld [tilespmem:s0+$0x30]  }
0x171: {  	v8 =	vld [tilespmem:s0+$0x10]  }
0x172: {  	v6 =	vld [tilespmem:s0+$0xFFFFFFC0]  }
0x173: {  	v2 =	vld.idx.msk [tilespmem:v1+s17+$0x0], $0xffff  }
0x174: {  	v11 =	vld [tilespmem:s0+$0xFFFFFFE0]  }
0x175: {  	v3 =	vld [tilespmem:s0+$0x20]  }
0x176: {  	v4 =	vld [tilespmem:s0+$0xFFFFFFD0]  }
0x177: {  	v1 =	vld [tilespmem:s0+$0xFFFFFFF0]  }
0x178: {  	v9 =	vmul.f32 v5, v2;
	v5 =	vld [tilespmem:s0+$0x0]  }
0x179: {  	s15 =	simm.s32 $0x1;
	v7 =	vmul.f32 v6, v2  }
0x17a: {  	v10 =	vmov s15;
	s3 =	simm.s32 $0x1840;
	s8 =	simm.s32 $0x2;
	v6 =	vmul.f32 v11, v2;
	v8 =	vmul.f32 v8, v2  }
.LBB2_14:
0x17b: {  	p3 =	sne.s32 s8, $0x6F  }
0x17c: {  	v10 =	vand.u32 $0x7F, v10;
	v4 =	vmul.f32 v4, v2;
	v3 =	vmul.f32 v3, v2;
	[tilespmem:s0+$0x30] =	vst v9;
	s3 =	sadd.s32 $0x80, s3;
	s11 =	smov.u32 s8;
	s8 =	sadd.s32 $0x1, s8  }
0x17d: {  	v9 =	vadd.s32 v0, v10;
	[tilespmem:s0+$0xFFFFFFC0] =	vst v7;
	v7 =	vmul.f32 v1, v2;
	v2 =	vmul.f32 v5, v2  }
0x17e: {  	v5 =	vbroadcast v9, $0x0;
	[tilespmem:s0+$0x10] =	vst v8  }
0x17f: {  	[tilespmem:s0+$0xFFFFFFE0] =	vst v6  }
0x180: {  	v1 =	vld [tilespmem:s3+$0xFFFFFFF0];
	[tilespmem:s0+$0xFFFFFFF0] =	vst v7  }
0x181: {  	v6 =	vld [tilespmem:s3+$0x30];
	[tilespmem:s0+$0x0] =	vst v2  }
0x182: {  	v8 =	vld [tilespmem:s3+$0x10];
	[tilespmem:s0+$0x20] =	vst v3  }
0x183: {  	v7 =	vld [tilespmem:s3+$0xFFFFFFC0];
	[tilespmem:s0+$0xFFFFFFD0] =	vst v4;
	s0 =	smov.u32 s3  }
0x184: {  	v2 =	vld.idx.msk [tilespmem:v5+s17+$0x0], $0xffff  }
0x185: {  	v11 =	vld [tilespmem:s3+$0xFFFFFFE0]  }
0x186: {  	v3 =	vld [tilespmem:s3+$0x20]  }
.Ltmp5:
0x187: {  	v4 =	vld [tilespmem:s3+$0xFFFFFFD0];
	(pc) =	sbr.rel @p3 .LBB2_14-.Ltmp5, $3  }
0x188: {  	v5 =	vld [tilespmem:s3+$0x0];
	_ =	sdelay $0x1  }
0x189: {  	v7 =	vmul.f32 v7, v2;
	v9 =	vmul.f32 v6, v2  }
0x18a: {  	v10 =	vmov s11;
	v8 =	vmul.f32 v8, v2;
	v6 =	vmul.f32 v11, v2  }
0x18b: {  	[tilespmem:s0+$0xFFFFFFC0] =	vst v7;
	v7 =	vand.u32 $0x7F, v10  }
0x18c: {  	[tilespmem:s0+$0x30] =	vst v9;
	v0 =	vadd.s32 v0, v7  }
0x18d: {  	v1 =	vmul.f32 v1, v2;
	[tilespmem:s0+$0x10] =	vst v8;
	v0 =	vbroadcast v0, $0x0  }
0x18e: {  	s3 =	sadd.s32 $0x80, s3;
	[tilespmem:s0+$0xFFFFFFE0] =	vst v6;
	v5 =	vmul.f32 v5, v2  }
0x18f: {  	v3 =	vmul.f32 v3, v2;
	v6 =	vld [tilespmem:s3+$0xFFFFFFF0];
	[tilespmem:s0+$0xFFFFFFF0] =	vst v1  }
0x190: {  	v2 =	vmul.f32 v4, v2;
	v1 =	vld [tilespmem:s3+$0x30];
	[tilespmem:s0+$0x0] =	vst v5  }
0x191: {  	v4 =	vld [tilespmem:s3+$0x10];
	[tilespmem:s0+$0x20] =	vst v3  }
0x192: {  	v3 =	vld [tilespmem:s3+$0xFFFFFFC0];
	[tilespmem:s0+$0xFFFFFFD0] =	vst v2  }
0x193: {  	v0 =	vld.idx.msk [tilespmem:v0+s17+$0x0], $0xffff;
	_ =	sdelay $0x2  }
0x194: {  	v2 =	vld [tilespmem:s3+$0xFFFFFFE0];
	_ =	sdelay $0x1  }
0x195: {  	v5 =	vld [tilespmem:s3+$0x0];
	v1 =	vmul.f32 v1, v0  }
0x196: {  	v7 =	vld [tilespmem:s3+$0x20];
	v3 =	vmul.f32 v3, v0  }
0x197: {  	v8 =	vld [tilespmem:s3+$0xFFFFFFD0];
	v4 =	vmul.f32 v4, v0;
	[tilespmem:s3+$0x30] =	vst v1  }
0x198: {  	v1 =	vmul.f32 v2, v0;
	[tilespmem:s3+$0xFFFFFFC0] =	vst v3  }
0x199: {  	v2 =	vmul.f32 v6, v0;
	[tilespmem:s3+$0x10] =	vst v4  }
0x19a: {  	v3 =	vmul.f32 v5, v0;
	[tilespmem:s3+$0xFFFFFFE0] =	vst v1  }
0x19b: {  	s0 =	smul.u32 $0x600, s29;
	v1 =	vmul.f32 v7, v0;
	[tilespmem:s3+$0xFFFFFFF0] =	vst v2  }
0x19c: {  	v0 =	vmul.f32 v8, v0;
	[tilespmem:s3+$0x0] =	vst v3  }
0x19d: {  	s8 =	sshra.s32 s0, $0x2;
	[tilespmem:s3+$0x20] =	vst v1  }
0x19e: {  	s11 =	sadd.s32 $0x800, s8;
	s8 =	simm.s32 @!p2 $0x6;
	[tilespmem:s3+$0xFFFFFFD0] =	vst v0  }
0x19f: {  	[spmem:s2] =	stream.indirect.scatter.add.f32 [tilespmem:s19], [sflag:$0x4], $0x80, s11, s18, $0xb8;
	[tilespmem:$0x1F880] =	vst v63  }
0x1a0: {  	s3 =	sadd.s32 $0x2, s31;
	s11 =	simm.s32 $0x0;
	_ =	swait.ge @!p2 [sflag:s8], $0x3800  }
0x1a1: {  	s4 =	sshll.u32 s4, $0x7;
	s15 =	sshll.u32 s3, $0x9;
	v1 =	vmov s11;
	[sflag:s8] =	ssyncset.done @!p2 $0x0  }
0x1a2: {  	v0 =	vmov s4;
	s31 =	sshrl.u32 s15, $0x2;
	v1 =	vand.u32 $0x7F, v1;
	[sflag:s8] =	ssyncadd.s32 @!p2 $0xFFFFC800  }
0x1a3: {  	v1 =	vadd.s32 v0, v1;
	[tilespmem:s22], [sflag:$0x3] =	stream.indirect.gather [hbm4b:s9+s18], $0x80, s31, s18, $0xb8;
	[tilespmem:$0x1F880] =	vst v63  }
0x1a4: {  	v1 =	vbroadcast v1, $0x0;
	_ =	swait.ge [sflag:s23], $0x3800  }
0x1a5: {  	[sflag:s23] =	ssyncset.done $0x0  }
0x1a6: {  	s4 =	simm.s32 $0x5040;
	[sflag:s23] =	ssyncadd.s32 $0xFFFFC800  }
0x1a7: {  	v5 =	vld [tilespmem:s4+$0x30]  }
0x1a8: {  	v8 =	vld [tilespmem:s4+$0x10]  }
0x1a9: {  	v6 =	vld [tilespmem:s4+$0xFFFFFFC0]  }
0x1aa: {  	v2 =	vld.idx.msk [tilespmem:v1+s17+$0x0], $0xffff  }
0x1ab: {  	v11 =	vld [tilespmem:s4+$0xFFFFFFE0]  }
0x1ac: {  	v3 =	vld [tilespmem:s4+$0x20]  }
0x1ad: {  	v4 =	vld [tilespmem:s4+$0xFFFFFFD0]  }
0x1ae: {  	v1 =	vld [tilespmem:s4+$0xFFFFFFF0]  }
0x1af: {  	v9 =	vmul.f32 v5, v2;
	v5 =	vld [tilespmem:s4+$0x0]  }
0x1b0: {  	s15 =	simm.s32 $0x1;
	v7 =	vmul.f32 v6, v2  }
0x1b1: {  	s11 =	simm.s32 $0x2;
	v10 =	vmov s15;
	s8 =	simm.s32 $0x5040;
	v6 =	vmul.f32 v11, v2;
	v8 =	vmul.f32 v8, v2  }
.LBB2_16:
0x1b2: {  	p2 =	sne.s32 s11, $0x6F  }
0x1b3: {  	v10 =	vand.u32 $0x7F, v10;
	v4 =	vmul.f32 v4, v2;
	v3 =	vmul.f32 v3, v2;
	[tilespmem:s4+$0x30] =	vst v9;
	s8 =	sadd.s32 $0x80, s8;
	s15 =	smov.u32 s11;
	s11 =	sadd.s32 $0x1, s11  }
0x1b4: {  	v9 =	vadd.s32 v0, v10;
	[tilespmem:s4+$0xFFFFFFC0] =	vst v7;
	v7 =	vmul.f32 v1, v2;
	v2 =	vmul.f32 v5, v2  }
0x1b5: {  	v5 =	vbroadcast v9, $0x0;
	[tilespmem:s4+$0x10] =	vst v8  }
0x1b6: {  	[tilespmem:s4+$0xFFFFFFE0] =	vst v6  }
0x1b7: {  	v1 =	vld [tilespmem:s8+$0xFFFFFFF0];
	[tilespmem:s4+$0xFFFFFFF0] =	vst v7  }
0x1b8: {  	v6 =	vld [tilespmem:s8+$0x30];
	[tilespmem:s4+$0x0] =	vst v2  }
0x1b9: {  	v8 =	vld [tilespmem:s8+$0x10];
	[tilespmem:s4+$0x20] =	vst v3  }
0x1ba: {  	v7 =	vld [tilespmem:s8+$0xFFFFFFC0];
	[tilespmem:s4+$0xFFFFFFD0] =	vst v4;
	s4 =	smov.u32 s8  }
0x1bb: {  	v2 =	vld.idx.msk [tilespmem:v5+s17+$0x0], $0xffff  }
0x1bc: {  	v11 =	vld [tilespmem:s8+$0xFFFFFFE0]  }
0x1bd: {  	v3 =	vld [tilespmem:s8+$0x20]  }
.Ltmp6:
0x1be: {  	v4 =	vld [tilespmem:s8+$0xFFFFFFD0];
	(pc) =	sbr.rel @p2 .LBB2_16-.Ltmp6, $3  }
0x1bf: {  	v5 =	vld [tilespmem:s8+$0x0];
	_ =	sdelay $0x1  }
0x1c0: {  	v7 =	vmul.f32 v7, v2;
	v9 =	vmul.f32 v6, v2  }
0x1c1: {  	v10 =	vmov s15;
	v8 =	vmul.f32 v8, v2;
	v6 =	vmul.f32 v11, v2  }
0x1c2: {  	[tilespmem:s4+$0xFFFFFFC0] =	vst v7;
	v7 =	vand.u32 $0x7F, v10  }
0x1c3: {  	[tilespmem:s4+$0x30] =	vst v9;
	v0 =	vadd.s32 v0, v7  }
0x1c4: {  	v1 =	vmul.f32 v1, v2;
	[tilespmem:s4+$0x10] =	vst v8;
	v0 =	vbroadcast v0, $0x0  }
0x1c5: {  	s8 =	sadd.s32 $0x80, s8;
	[tilespmem:s4+$0xFFFFFFE0] =	vst v6;
	v5 =	vmul.f32 v5, v2  }
0x1c6: {  	v3 =	vmul.f32 v3, v2;
	v6 =	vld [tilespmem:s8+$0xFFFFFFF0];
	[tilespmem:s4+$0xFFFFFFF0] =	vst v1  }
0x1c7: {  	v2 =	vmul.f32 v4, v2;
	v1 =	vld [tilespmem:s8+$0x30];
	[tilespmem:s4+$0x0] =	vst v5  }
0x1c8: {  	v4 =	vld [tilespmem:s8+$0x10];
	[tilespmem:s4+$0x20] =	vst v3  }
0x1c9: {  	v3 =	vld [tilespmem:s8+$0xFFFFFFC0];
	[tilespmem:s4+$0xFFFFFFD0] =	vst v2  }
0x1ca: {  	v0 =	vld.idx.msk [tilespmem:v0+s17+$0x0], $0xffff;
	_ =	sdelay $0x2  }
0x1cb: {  	v2 =	vld [tilespmem:s8+$0xFFFFFFE0];
	_ =	sdelay $0x1  }
0x1cc: {  	v5 =	vld [tilespmem:s8+$0x0];
	v1 =	vmul.f32 v1, v0  }
0x1cd: {  	v7 =	vld [tilespmem:s8+$0x20];
	v3 =	vmul.f32 v3, v0  }
0x1ce: {  	v8 =	vld [tilespmem:s8+$0xFFFFFFD0];
	v4 =	vmul.f32 v4, v0;
	[tilespmem:s8+$0x30] =	vst v1  }
0x1cf: {  	v1 =	vmul.f32 v2, v0;
	[tilespmem:s8+$0xFFFFFFC0] =	vst v3  }
0x1d0: {  	v2 =	vmul.f32 v6, v0;
	[tilespmem:s8+$0x10] =	vst v4  }
0x1d1: {  	v3 =	vmul.f32 v5, v0;
	[tilespmem:s8+$0xFFFFFFE0] =	vst v1  }
0x1d2: {  	v1 =	vmul.f32 v7, v0;
	[tilespmem:s8+$0xFFFFFFF0] =	vst v2  }
0x1d3: {  	v0 =	vmul.f32 v8, v0;
	[tilespmem:s8+$0x0] =	vst v3  }
0x1d4: {  	[tilespmem:s8+$0x20] =	vst v1  }
0x1d5: {  	s11 =	sadd.s32 $0x800, s30;
	p2 =	seq.s32 s29, $0x4;
	[tilespmem:s8+$0xFFFFFFD0] =	vst v0  }
0x1d6: {  	[spmem:s2] =	stream.indirect.scatter.add.f32 [tilespmem:s20], [sflag:$0x5], $0x80, s11, s18, $0xb8;
	[tilespmem:$0x1F880] =	vst v63  }
0x1d7: {  	s15 =	simm.s32 $0x0;
	s0 =	sshra.s32 @!p2 s0, $0x2;
	_ =	swait.ge [sflag:s24], $0x3800  }
0x1d8: {  	s3 =	sshll.u32 s3, $0x7;
	s0 =	sadd.s32 @!p2 $0x180, s0;
	v1 =	vmov s15;
	[sflag:s24] =	ssyncset.done $0x0  }
0x1d9: {  	s4 =	simm.s32 @!p2 $0x70;
	s8 =	simm.s32 @!p2 $0x1800;
	v0 =	vmov s3;
	v1 =	vand.u32 $0x7F, v1;
	[sflag:s24] =	ssyncadd.s32 $0xFFFFC800  }
0x1da: {  	v1 =	vadd.s32 v0, v1;
	[tilespmem:s8], [sflag:$0x1] =	stream.indirect.gather @!p2 [hbm4b:s9+s4], $0x80, s0, s4, $0xb8;
	[tilespmem:$0x1F880] =	vst v63  }
0x1db: {  	v1 =	vbroadcast v1, $0x0;
	_ =	swait.ge [sflag:s25], $0x3800  }
0x1dc: {  	[sflag:s25] =	ssyncset.done $0x0  }
0x1dd: {  	s0 =	simm.s32 $0x8840;
	[sflag:s25] =	ssyncadd.s32 $0xFFFFC800  }
0x1de: {  	v5 =	vld [tilespmem:s0+$0x30]  }
0x1df: {  	v8 =	vld [tilespmem:s0+$0x10]  }
0x1e0: {  	v6 =	vld [tilespmem:s0+$0xFFFFFFC0]  }
0x1e1: {  	v2 =	vld.idx.msk [tilespmem:v1+s17+$0x0], $0xffff  }
0x1e2: {  	v11 =	vld [tilespmem:s0+$0xFFFFFFE0]  }
0x1e3: {  	v1 =	vld [tilespmem:s0+$0xFFFFFFF0]  }
0x1e4: {  	v3 =	vld [tilespmem:s0+$0x20]  }
0x1e5: {  	v4 =	vld [tilespmem:s0+$0xFFFFFFD0]  }
0x1e6: {  	v9 =	vmul.f32 v5, v2;
	v5 =	vld [tilespmem:s0+$0x0]  }
0x1e7: {  	s30 =	simm.s32 $0x1;
	v7 =	vmul.f32 v6, v2  }
0x1e8: {  	v10 =	vmov s30;
	s3 =	simm.s32 $0x8840;
	s4 =	simm.s32 $0x2;
	v6 =	vmul.f32 v11, v2;
	v8 =	vmul.f32 v8, v2  }
.LBB2_18:
0x1e9: {  	p2 =	sne.s32 s4, $0x6F  }
0x1ea: {  	v10 =	vand.u32 $0x7F, v10;
	v4 =	vmul.f32 v4, v2;
	v3 =	vmul.f32 v3, v2;
	[tilespmem:s0+$0x30] =	vst v9;
	s3 =	sadd.s32 $0x80, s3;
	s8 =	smov.u32 s4;
	s4 =	sadd.s32 $0x1, s4  }
0x1eb: {  	v9 =	vadd.s32 v0, v10;
	[tilespmem:s0+$0xFFFFFFC0] =	vst v7;
	v7 =	vmul.f32 v1, v2;
	v2 =	vmul.f32 v5, v2  }
0x1ec: {  	v5 =	vbroadcast v9, $0x0;
	[tilespmem:s0+$0x10] =	vst v8  }
0x1ed: {  	[tilespmem:s0+$0xFFFFFFE0] =	vst v6  }
0x1ee: {  	v1 =	vld [tilespmem:s3+$0xFFFFFFF0];
	[tilespmem:s0+$0xFFFFFFF0] =	vst v7  }
0x1ef: {  	v6 =	vld [tilespmem:s3+$0x30];
	[tilespmem:s0+$0x0] =	vst v2  }
0x1f0: {  	v8 =	vld [tilespmem:s3+$0x10];
	[tilespmem:s0+$0x20] =	vst v3  }
0x1f1: {  	v7 =	vld [tilespmem:s3+$0xFFFFFFC0];
	[tilespmem:s0+$0xFFFFFFD0] =	vst v4;
	s0 =	smov.u32 s3  }
0x1f2: {  	v2 =	vld.idx.msk [tilespmem:v5+s17+$0x0], $0xffff  }
0x1f3: {  	v11 =	vld [tilespmem:s3+$0xFFFFFFE0]  }
0x1f4: {  	v3 =	vld [tilespmem:s3+$0x20]  }
.Ltmp7:
0x1f5: {  	v4 =	vld [tilespmem:s3+$0xFFFFFFD0];
	(pc) =	sbr.rel @p2 .LBB2_18-.Ltmp7, $3  }
0x1f6: {  	v5 =	vld [tilespmem:s3+$0x0];
	_ =	sdelay $0x1  }
0x1f7: {  	v7 =	vmul.f32 v7, v2;
	v9 =	vmul.f32 v6, v2  }
0x1f8: {  	v10 =	vmov s8;
	v8 =	vmul.f32 v8, v2;
	v6 =	vmul.f32 v11, v2  }
0x1f9: {  	[tilespmem:s0+$0x30] =	vst v9;
	v53 =	vand.u32 $0x7F, v10  }
0x1fa: {  	[tilespmem:s0+$0xFFFFFFC0] =	vst v7;
	v0 =	vadd.s32 v0, v53  }
0x1fb: {  	v1 =	vmul.f32 v1, v2;
	[tilespmem:s0+$0x10] =	vst v8;
	v0 =	vbroadcast v0, $0x0  }
0x1fc: {  	s3 =	sadd.s32 $0x80, s3;
	[tilespmem:s0+$0xFFFFFFE0] =	vst v6;
	v5 =	vmul.f32 v5, v2  }
0x1fd: {  	v55 =	vmul.f32 v4, v2;
	v6 =	vld [tilespmem:s3+$0xFFFFFFF0];
	[tilespmem:s0+$0xFFFFFFF0] =	vst v1  }
0x1fe: {  	v3 =	vmul.f32 v3, v2;
	v54 =	vld [tilespmem:s3+$0x30];
	[tilespmem:s0+$0x0] =	vst v5  }
0x1ff: {  	v57 =	vld [tilespmem:s3+$0xFFFFFFC0];
	[tilespmem:s0+$0xFFFFFFD0] =	vst v55  }
0x200: {  	v56 =	vld [tilespmem:s3+$0x10];
	[tilespmem:s0+$0x20] =	vst v3  }
0x201: {  	v0 =	vld.idx.msk [tilespmem:v0+s17+$0x0], $0xffff;
	_ =	sdelay $0x2  }
0x202: {  	v2 =	vld [tilespmem:s3+$0xFFFFFFE0];
	_ =	sdelay $0x1  }
0x203: {  	v5 =	vld [tilespmem:s3+$0x0];
	v1 =	vmul.f32 v54, v0  }
0x204: {  	v58 =	vld [tilespmem:s3+$0x20];
	v3 =	vmul.f32 v57, v0  }
0x205: {  	v59 =	vld [tilespmem:s3+$0xFFFFFFD0];
	v4 =	vmul.f32 v56, v0;
	[tilespmem:s3+$0x30] =	vst v1  }
0x206: {  	v60 =	vmul.f32 v2, v0;
	[tilespmem:s3+$0xFFFFFFC0] =	vst v3  }
0x207: {  	s29 =	sadd.s32 $0x1, s29;
	v61 =	vmul.f32 v6, v0;
	[tilespmem:s3+$0x10] =	vst v4  }
0x208: {  	p2 =	sne.s32 s29, $0x5;
	v62 =	vmul.f32 v5, v0;
	[tilespmem:s3+$0xFFFFFFE0] =	vst v60  }
.Ltmp8:
0x209: {  	v63 =	vmul.f32 v58, v0;
	[tilespmem:s3+$0xFFFFFFF0] =	vst v61;
	(pc) =	sbr.rel @p2 .LBB2_13-.Ltmp8, $4  }
0x20a: {  	v0 =	vmul.f32 v59, v0;
	[tilespmem:s3+$0x0] =	vst v62  }
0x20b: {  	[tilespmem:s3+$0x20] =	vst v63  }
0x20c: {  	s31 =	sadd.s32 $0x800, s31;
	[tilespmem:s3+$0xFFFFFFD0] =	vst v0  }
0x20d: {  	[spmem:s2] =	stream.indirect.scatter.add.f32 [tilespmem:s22], [sflag:$0x6], $0x80, s31, s18, $0xb8;
	[tilespmem:$0x1F880] =	vst v63  }
0x20e: {  	s12 =	sadd.s32 $0x1, s12  }
0x20f: {  	_ =	swait.ge [sflag:s26], $0x3800;
	p2 =	sne.s32 s12, $0x6  }
.Ltmp9:
0x210: {  	[sflag:s26] =	ssyncset.done $0x0;
	(pc) =	sbr.rel @p2 .LBB2_12-.Ltmp9, $4  }
0x211: {  	[sflag:s26] =	ssyncadd.s32 $0xFFFFC800  }
0x212: {  	_ =	swait.ge [sflag:s28], $0x3800  }
0x213: {  	[sflag:s28] =	ssyncset.done $0x0  }
0x214: {  	[sflag:s28] =	ssyncadd.s32 $0xFFFFC800  }
0x215: {  	[bflag:$0x0] =	sbarrier.arrive $0xFFFF  }
0x216: {  	s3 =	sld [smem:$0x7F6]  }
0x217: {  	s30 =	rddreg [dreg:$0x7]  }
0x218: {  	s0 =	rddreg [dreg:$0x10]  }
0x219: {  	[hbm:s0], [sflag:s30] =	dma.local [spmem:s3], $0xC80  }
0x21a: {  	_ =	swait.ge [sflag:s13], $0xC80  }
0x21b: {  	s11 =	sld [smem:$0x7F7]  }
0x21c: {  	[sflag:s13] =	ssyncset.done $0x0  }
0x21d: {  	s10 =	rddreg [dreg:$0x12];
	[sflag:s13] =	ssyncadd.s32 $0xFFFFF380  }
0x21e: {  	[hbm:s10], [sflag:s30] =	dma.local [spmem:s11], $0xC80  }
0x21f: {  	_ =	swait.ge [sflag:s13], $0xC80  }
0x220: {  	s15 =	sld [smem:$0x7F8]  }
0x221: {  	[sflag:s13] =	ssyncset.done $0x0  }
0x222: {  	s12 =	rddreg [dreg:$0x14];
	[sflag:s13] =	ssyncadd.s32 $0xFFFFF380  }
0x223: {  	[hbm:s12], [sflag:s30] =	dma.local [spmem:s15], $0xC80  }
0x224: {  	_ =	swait.ge [sflag:s13], $0xC80  }
0x225: {  	s3 =	sld [smem:$0x7F9]  }
0x226: {  	[sflag:s13] =	ssyncset.done $0x0  }
0x227: {  	s0 =	rddreg [dreg:$0x15];
	[sflag:s13] =	ssyncadd.s32 $0xFFFFF380  }
0x228: {  	[hbm:s0], [sflag:s30] =	dma.local @!p1 [spmem:s3], $0xC80  }
0x229: {  	s0 =	simm.s32 @!p1 $0x7  }
0x22a: {  	_ =	swait.ge @!p1 [sflag:s0], $0xC80  }
0x22b: {  	s29 =	rddreg [dreg:$0x4]  }
0x22c: {  	s31 =	rddreg [dreg:$0x17];
	s29 =	sadd.s32 $0x1, s29  }
0x22d: {  	p2 =	sne.s32 s29, s31  }
.Ltmp10:
0x22e: {  	_ = 	snop;
	(pc) =	sbr.rel @p2 .LBB2_1-.Ltmp10, $3  }
0x22f: {  	[sflag:s0] =	ssyncset.done @!p1 $0x0  }
0x230: {  	[sflag:s0] =	ssyncadd.s32 @!p1 $0xFFFFF380  }
0x231: {  	[bflag:$0x0] =	sbarrier.arrive $0xFFFF;
	_ =	sdelay $0x1  }
0x232: {  	_ =	sfence.sel $0x180000  }
0x233: {  	[bflag:$0x0] =	sbarrier.arrive $0xFFFF  }
0x234: {  	_ =	strace $0x90000047  }
0x235: {  	s0 =	stileid.u32;
	[bflag:$0x2] =	sbarrier.arrive $0xFFFF  }
0x236: {  	p0 =	sne.s32 s0, $0x0;
	s0 =	rddreg [dreg:$0x3]  }
0x237: {  	s0 =	sadd.s32 @!p0 $0x100000, s0  }
0x238: {  	[sflag:s0] =	ssyncadd.tile.s32 @!p0 $0x1;
	_ =	shalt  }
.Lfunc_end2:
_tile_overlayer_lowered:
.L_overlay_start_2:
0x239: {  	(tag) =	ssettag $0x2  }
0x23a: {  	s0 =	rddreg [dreg:$0x0];
	s2 =	stileid.u32  }
0x23b: {  	s1 =	rddreg [dreg:$0x1];
	p0 =	sne.s32 s2, $0x0  }
0x23c: {  	s3 =	rddreg [dreg:$0x2];
	[bflag:$0x3] =	sbarrier.arrive $0xFFFF;
	s2 =	simm.s32 @!p0 $0x1C07  }
0x23d: {  	[timem:s3], [sflag:s2] =	dma.local @!p0 [hbm:s0], s1  }
0x23e: {  	s0 =	simm.s32 @!p0 $0x7  }
0x23f: {  	_ =	swait.ge @!p0 [sflag:s0], s1  }
0x240: {  	s1 =	ssub.s32 @!p0 $0x0, s1;
	[sflag:s0] =	ssyncset.done @!p0 $0x0  }
0x241: {  	[sflag:s0] =	ssyncadd.s32 @!p0 s1  }
0x242: {  	[bflag:$0x3] =	sbarrier.arrive $0xFFFF  }
0x243: {  	_ =	shalt  }

</sc_bundles>
